<compile_context>
chip_gen: v7x
topology: tpu7x:2x2x1
jax: 0.10.2.dev20260603
libtpu: 0.0.44.dev20260713+nightly
codegen_flags: <defaults>
</compile_context>

<pallas_src>
import functools

import jax
import jax.numpy as jnp
from jax import lax
from jax.experimental import pallas as pl
from jax.experimental.pallas import tpu as pltpu
from jax.experimental.pallas import tpu_sc as plsc

F = 128
CHUNK = 24
NROW = 4
NIDX = 8


def _sc_segment_sum(table, idx3, zrows, width, cpt):
    nrow = table.shape[0]
    n = nrow - 1
    info = plsc.get_sparse_core_info()
    ncores, nsub = info.num_cores, info.num_subcores
    n_pad = zrows.shape[0]
    rows_per_tile = n_pad // nsub
    assert n_pad >= nrow and rows_per_tile % 8 == 0 and (cpt - 2) % (2 * NROW) == 0

    mesh = plsc.VectorSubcoreMesh(core_axis_name="c", subcore_axis_name="s")

    @functools.partial(
        pl.kernel,
        mesh=mesh,
        out_type=jax.ShapeDtypeStruct((ncores, n_pad, width), jnp.float32),
        scratch_types=(
            [pltpu.VMEM((2, CHUNK), jnp.int32) for _ in range(NIDX)]
            + [pltpu.VMEM((CHUNK, width), jnp.float32) for _ in range(NROW)]
            + [pltpu.VMEM_SHARED((n_pad, width), jnp.float32)]
            + [pltpu.SemaphoreType.DMA for _ in range(NIDX + 2 * NROW + 1)]
        ),
        compiler_params=pltpu.CompilerParams(use_tc_tiling_on_sc=False),
    )
    def agg(table_hbm, idx_hbm, z_hbm, out_hbm, *rest):
        idxb = rest[:NIDX]
        rows = rest[NIDX:NIDX + NROW]
        acc = rest[NIDX + NROW]
        sems = rest[NIDX + NROW + 1:]
        isem = sems[:NIDX]
        gsem = sems[NIDX:NIDX + NROW]
        ssem = sems[NIDX + NROW:NIDX + 2 * NROW]
        zsem = sems[NIDX + 2 * NROW]

        c = lax.axis_index("c")
        s = lax.axis_index("s")
        tile = c * nsub + s
        row0 = s * rows_per_tile

        zero_cp = pltpu.make_async_copy(
            z_hbm.at[pl.ds(row0, rows_per_tile)],
            acc.at[pl.ds(row0, rows_per_tile)], zsem)
        zero_cp.start()

        def idx_load(i, q):
            return pltpu.make_async_copy(idx_hbm.at[tile, i], idxb[q], isem[q])

        def gather(q, r):
            return pltpu.make_async_copy(
                table_hbm.at[idxb[q].at[0]], rows[r], gsem[r])

        class _Scatter:
            def __init__(self, q, r):
                self.q, self.r = q, r

            def start(self):
                pltpu.async_copy(rows[self.r], acc.at[idxb[self.q].at[1]],
                                 ssem[self.r], add=True)

            def wait(self):
                pltpu.make_async_copy(rows[self.r],
                                      acc.at[idxb[self.q].at[1]],
                                      ssem[self.r]).wait()

        def scatter(q, r):
            return _Scatter(q, r)

        for j in range(5):
            idx_load(j, j).start()
        for j in range(2):
            idx_load(j, j).wait()
            gather(j, j).start()

        zero_cp.wait()
        plsc.subcore_barrier()

        for i in range(2):
            idx_load(i + 2, i + 2).wait()
            gather(i + 2, (i + 2) % NROW).start()
            idx_load(i + 5, (i + 5) % NIDX).start()
            gather(i, i).wait()
            scatter(i, i).start()

        def rnd(rr, _):
            i0 = rr * (2 * NROW) + 2
            for b in range(2 * NROW):
                i = i0 + b
                scatter(0, b % NROW).wait()
                idx_load(i + 2, (4 + b) % NIDX).wait()
                gather((4 + b) % NIDX, b % NROW).start()
                idx_load(i + 5, (7 + b) % NIDX).start()
                gather(0, (2 + b) % NROW).wait()
                scatter((2 + b) % NIDX, (2 + b) % NROW).start()
            return 0
        lax.fori_loop(0, (cpt - 2) // (2 * NROW), rnd, 0)

        for i in range(cpt - 2, cpt):
            scatter(0, i % NROW).wait()
        for i in range(cpt, cpt + 2):
            gather(0, i % NROW).wait()
        for i in range(cpt + 2, cpt + 5):
            idx_load(i, i % NIDX).wait()
        plsc.subcore_barrier()

        pltpu.sync_copy(acc.at[pl.ds(row0, rows_per_tile)],
                        out_hbm.at[c, pl.ds(row0, rows_per_tile)])

    return agg(table, idx3, zrows)


def _tc_layer1(x, p0, p1, w_self, w_neigh, b):
    n = x.shape[0]
    w1 = p0.shape[1]
    rblk = 1000
    grid = (n // rblk,)

    def body(x_ref, a0_ref, a1_ref, ws_ref, wn_ref, b_ref, o_ref, invd_ref):
        xv = x_ref[...]
        a0 = a0_ref[...]
        a1 = a1_ref[...]
        inv = 1.0 / (a0[:, F:F + 1] + a1[:, F:F + 1] + 1.0)
        mean = (a0[:, :F] + a1[:, :F] + xv) * inv
        h = jnp.dot(xv, ws_ref[...], preferred_element_type=jnp.float32)
        h = h + jnp.dot(mean, wn_ref[...], preferred_element_type=jnp.float32)
        h = h + b_ref[...]
        o_ref[...] = jnp.maximum(h, 0.0)
        invd_ref[...] = inv

    return pl.pallas_call(
        body,
        grid=grid,
        in_specs=[
            pl.BlockSpec((rblk, F), lambda i: (i, 0)),
            pl.BlockSpec((rblk, w1), lambda i: (i, 0)),
            pl.BlockSpec((rblk, w1), lambda i: (i, 0)),
            pl.BlockSpec((F, F), lambda i: (0, 0)),
            pl.BlockSpec((F, F), lambda i: (0, 0)),
            pl.BlockSpec((1, F), lambda i: (0, 0)),
        ],
        out_specs=[
            pl.BlockSpec((rblk, F), lambda i: (i, 0)),
            pl.BlockSpec((rblk, 1), lambda i: (i, 0)),
        ],
        out_shape=[
            jax.ShapeDtypeStruct((n, F), jnp.float32),
            jax.ShapeDtypeStruct((n, 1), jnp.float32),
        ],
    )(x, p0, p1, w_self, w_neigh, b.reshape(1, F))


def _tc_layer2(h, q0, q1, invd, w_self, w_neigh, b):
    n = h.shape[0]
    rblk = 1000
    grid = (n // rblk,)

    def body(h_ref, a0_ref, a1_ref, invd_ref, ws_ref, wn_ref, b_ref, o_ref):
        hv = h_ref[...]
        mean = (a0_ref[...] + a1_ref[...] + hv) * invd_ref[...]
        o = jnp.dot(hv, ws_ref[...], preferred_element_type=jnp.float32)
        o = o + jnp.dot(mean, wn_ref[...], preferred_element_type=jnp.float32)
        o_ref[...] = o + b_ref[...]

    return pl.pallas_call(
        body,
        grid=grid,
        in_specs=[
            pl.BlockSpec((rblk, F), lambda i: (i, 0)),
            pl.BlockSpec((rblk, F), lambda i: (i, 0)),
            pl.BlockSpec((rblk, F), lambda i: (i, 0)),
            pl.BlockSpec((rblk, 1), lambda i: (i, 0)),
            pl.BlockSpec((F, F), lambda i: (0, 0)),
            pl.BlockSpec((F, F), lambda i: (0, 0)),
            pl.BlockSpec((1, F), lambda i: (0, 0)),
        ],
        out_specs=pl.BlockSpec((rblk, F), lambda i: (i, 0)),
        out_shape=jax.ShapeDtypeStruct((n, F), jnp.float32),
    )(h, q0, q1, invd, w_self, w_neigh, b.reshape(1, F))


def kernel(x, edge_index, W_self1, W_neigh1, b1, W_self2, W_neigh2, b2):
    n = x.shape[0]
    src = edge_index[0].astype(jnp.int32)
    dst = edge_index[1].astype(jnp.int32)
    e = src.shape[0]

    rows_per_tile = (-(-(n + 1) // 16) + 7) // 8 * 8
    n_pad = rows_per_tile * 16

    ntiles = 32
    ntail = 5
    ept = -(-e // ntiles)
    cpt = 2 + 2 * NROW * pl.cdiv(pl.cdiv(ept, CHUNK) - 2, 2 * NROW)
    padpt = cpt * CHUNK - ept
    gpad = ntiles * ept - e
    src_t = jnp.concatenate(
        [src, jnp.full((gpad,), n, jnp.int32)]).reshape(ntiles, ept)
    dst_t = jnp.concatenate(
        [dst, jnp.full((gpad,), n, jnp.int32)]).reshape(ntiles, ept)
    npad1 = padpt + ntail * CHUNK
    junk = (n + (jnp.arange(npad1, dtype=jnp.int32) % (n_pad - n)))
    src_t = jnp.concatenate(
        [src_t, jnp.full((ntiles, npad1), n, jnp.int32)], axis=1)
    dst_t = jnp.concatenate(
        [dst_t, jnp.broadcast_to(junk, (ntiles, npad1))], axis=1)
    idx3 = jnp.stack([src_t.reshape(ntiles, cpt + ntail, CHUNK),
                      dst_t.reshape(ntiles, cpt + ntail, CHUNK)], axis=2)

    w1 = F + 16
    xt = jnp.concatenate(
        [x, jnp.ones((n, 1), x.dtype), jnp.zeros((n, w1 - F - 1), x.dtype)], axis=1)
    xt = jnp.concatenate([xt, jnp.zeros((1, w1), x.dtype)], axis=0)

    p = _sc_segment_sum(xt, idx3, jnp.zeros((n_pad, w1), jnp.float32),
                        w1, cpt)
    h, invd = _tc_layer1(x, p[0, :n], p[1, :n], W_self1, W_neigh1, b1)

    ht = jnp.concatenate([h, jnp.zeros((1, F), h.dtype)], axis=0)
    q = _sc_segment_sum(ht, idx3, jnp.zeros((n_pad, F), jnp.float32),
                        F, cpt)
    return _tc_layer2(h, q[0, :n], q[1, :n], invd, W_self2, W_neigh2, b2)

# --- scband reference (transcript-rebuilt; emitter-appended) ---
"""Pipeline reference for scband-sage-24773371363586 (READ-ONLY COPY).

The authoritative reference and input builder live on the scoring server;
editing this copy changes nothing except your own understanding.
"""

import jax, jax.numpy as jnp
import numpy as np

N_NODES = 10000
N_EDGES = 320000
IN_FEATS = 128
HID_FEATS = 128
OUT_FEATS = 128


def setup_inputs(seed: int = 0) -> dict:
    key = jax.random.key(seed)
    k = jax.random.split(key, 9)
    x = jax.random.normal(k[0], (N_NODES, IN_FEATS), dtype=jnp.float32)
    edge_index = jax.random.randint(k[1], (2, N_EDGES), 0, N_NODES, dtype=jnp.int64)
    s1 = 1.0 / np.sqrt(IN_FEATS)
    s2 = 1.0 / np.sqrt(HID_FEATS)
    W_self1 = jax.random.normal(k[2], (IN_FEATS, HID_FEATS), dtype=jnp.float32) * s1
    W_neigh1 = jax.random.normal(k[3], (IN_FEATS, HID_FEATS), dtype=jnp.float32) * s1
    b1 = jnp.zeros((HID_FEATS,), dtype=jnp.float32)
    W_self2 = jax.random.normal(k[4], (HID_FEATS, OUT_FEATS), dtype=jnp.float32) * s2
    W_neigh2 = jax.random.normal(k[5], (HID_FEATS, OUT_FEATS), dtype=jnp.float32) * s2
    b2 = jnp.zeros((OUT_FEATS,), dtype=jnp.float32)
    return {"x": x, "edge_index": edge_index,
            "W_self1": W_self1, "W_neigh1": W_neigh1, "b1": b1,
            "W_self2": W_self2, "W_neigh2": W_neigh2, "b2": b2}


def _sage_conv(h, src, dst, n, W_self, W_neigh, b):
    # DGL SAGEConv with aggregator_type='mean':
    #   h_neigh = mean_{u in N(v)} h_u ; out = fc_self(h_v) + fc_neigh(h_neigh) + bias
    gathered = h[src]
    agg = jax.ops.segment_sum(gathered, dst, num_segments=n)
    deg = jax.ops.segment_sum(jnp.ones((src.shape[0],), dtype=h.dtype), dst, num_segments=n)
    mean = agg / deg[:, None]  # deg >= 1 because self-loops are added
    return h @ W_self + mean @ W_neigh + b


def reference(x, edge_index, W_self1, W_neigh1, b1, W_self2, W_neigh2, b2):
    n = x.shape[0]
    # dgl.add_self_loop(graph)
    loop = jnp.arange(n, dtype=edge_index.dtype)
    src = jnp.concatenate([edge_index[0], loop])
    dst = jnp.concatenate([edge_index[1], loop])
    h = _sage_conv(x, src, dst, n, W_self1, W_neigh1, b1)
    h = jax.nn.relu(h)
    out = _sage_conv(h, src, dst, n, W_self2, W_neigh2, b2)
    return out

if __name__ == "__main__":
    import jax
    _d = setup_inputs()
    print(jax.jit(kernel)(*tuple(_d.values())))

</pallas_src>

<mosaic_0001>
#map = affine_map<(d0, d1) -> (0, 0)>
#map1 = affine_map<(d0, d1) -> (0, 0, 0, 0)>
#map2 = affine_map<(d0, d1) -> (0, 0, 0)>
module attributes {stable_mosaic.version = 14 : i64} {
  func.func @agg(%arg0: i32, %arg1: i32, %arg2: memref<10001x144xf32, #tpu.memory_space<hbm>>, %arg3: memref<32x423x2x24xi32, #tpu.memory_space<hbm>>, %arg4: memref<10112x144xf32, #tpu.memory_space<hbm>>, %arg5: memref<2x10112x144xf32, #tpu.memory_space<hbm>>, %arg6: memref<2x24xi32, #tpu.memory_space<vmem>>, %arg7: memref<2x24xi32, #tpu.memory_space<vmem>>, %arg8: memref<2x24xi32, #tpu.memory_space<vmem>>, %arg9: memref<2x24xi32, #tpu.memory_space<vmem>>, %arg10: memref<2x24xi32, #tpu.memory_space<vmem>>, %arg11: memref<2x24xi32, #tpu.memory_space<vmem>>, %arg12: memref<2x24xi32, #tpu.memory_space<vmem>>, %arg13: memref<2x24xi32, #tpu.memory_space<vmem>>, %arg14: memref<24x144xf32, #tpu.memory_space<vmem>>, %arg15: memref<24x144xf32, #tpu.memory_space<vmem>>, %arg16: memref<24x144xf32, #tpu.memory_space<vmem>>, %arg17: memref<24x144xf32, #tpu.memory_space<vmem>>, %arg18: memref<10112x144xf32, #tpu.memory_space<vmem_shared>>, %arg19: memref<!tpu.dma_semaphore, #tpu.memory_space<semaphore_mem>>, %arg20: memref<!tpu.dma_semaphore, #tpu.memory_space<semaphore_mem>>, %arg21: memref<!tpu.dma_semaphore, #tpu.memory_space<semaphore_mem>>, %arg22: memref<!tpu.dma_semaphore, #tpu.memory_space<semaphore_mem>>, %arg23: memref<!tpu.dma_semaphore, #tpu.memory_space<semaphore_mem>>, %arg24: memref<!tpu.dma_semaphore, #tpu.memory_space<semaphore_mem>>, %arg25: memref<!tpu.dma_semaphore, #tpu.memory_space<semaphore_mem>>, %arg26: memref<!tpu.dma_semaphore, #tpu.memory_space<semaphore_mem>>, %arg27: memref<!tpu.dma_semaphore, #tpu.memory_space<semaphore_mem>>, %arg28: memref<!tpu.dma_semaphore, #tpu.memory_space<semaphore_mem>>, %arg29: memref<!tpu.dma_semaphore, #tpu.memory_space<semaphore_mem>>, %arg30: memref<!tpu.dma_semaphore, #tpu.memory_space<semaphore_mem>>, %arg31: memref<!tpu.dma_semaphore, #tpu.memory_space<semaphore_mem>>, %arg32: memref<!tpu.dma_semaphore, #tpu.memory_space<semaphore_mem>>, %arg33: memref<!tpu.dma_semaphore, #tpu.memory_space<semaphore_mem>>, %arg34: memref<!tpu.dma_semaphore, #tpu.memory_space<semaphore_mem>>, %arg35: memref<!tpu.dma_semaphore, #tpu.memory_space<semaphore_mem>>) attributes {dimension_semantics = [#tpu.dimension_semantics<core_parallel>, #tpu.dimension_semantics<subcore_parallel>], iteration_bounds = array<i64: 2, 16>, scalar_prefetch = 0 : i64, scratch_operands = 30 : i64, tpu.core_type = #tpu.core_type<sc_vector_subcore>, window_params = [{transform_indices = #map}, {transform_indices = #map1}, {transform_indices = #map}, {transform_indices = #map2}]} {
    %mul3A = arith.constant 16 : i32
    %mul3A_0 = arith.muli %arg0, %mul3A : i32
    %add3A = arith.addi %mul3A_0, %arg1 : i32
    %mul3A_1 = arith.constant 632 : i32
    %mul3A_2 = arith.muli %arg1, %mul3A_1 : i32
    %dma_start3A = arith.constant 0 : i32
    %dma_start3A_3 = tpu.memref_slice %arg18[%mul3A_2, %dma_start3A] : memref<10112x144xf32, #tpu.memory_space<vmem_shared>> -> memref<632x144xf32, #tpu.memory_space<vmem_shared>>
    %dma_start3A_4 = arith.constant 0 : i32
    %dma_start3A_5 = tpu.memref_slice %arg4[%mul3A_2, %dma_start3A_4] : memref<10112x144xf32, #tpu.memory_space<hbm>> -> memref<632x144xf32, #tpu.memory_space<hbm>>
    tpu.enqueue_dma source(%dma_start3A_5 : memref<632x144xf32, #tpu.memory_space<hbm>>) target(%dma_start3A_3 : memref<632x144xf32, #tpu.memory_space<vmem_shared>>) target_semaphore(%arg35 : memref<!tpu.dma_semaphore, #tpu.memory_space<semaphore_mem>>)
    %dma_start3A_6 = arith.constant 0 : i32
    %dma_start3A_7 = arith.constant 0 : i32
    %dma_start3A_8 = arith.constant 0 : i32
    %dma_start3A_9 = tpu.memref_slice %arg3[%add3A, %dma_start3A_6, %dma_start3A_7, %dma_start3A_8] : memref<32x423x2x24xi32, #tpu.memory_space<hbm>> -> memref<1x1x2x24xi32, #tpu.memory_space<hbm>>
    %dma_start3A_10 = tpu.memref_squeeze %dma_start3A_9 : memref<1x1x2x24xi32, #tpu.memory_space<hbm>> -> memref<2x24xi32, #tpu.memory_space<hbm>>
    %dma_start3A_11 = arith.constant 0 : i32
    %dma_start3A_12 = arith.constant 0 : i32
    %dma_start3A_13 = tpu.memref_slice %arg3[%add3A, %dma_start3A_6, %dma_start3A_11, %dma_start3A_12] : memref<32x423x2x24xi32, #tpu.memory_space<hbm>> -> memref<1x1x2x24xi32, #tpu.memory_space<hbm>>
    %dma_start3A_14 = tpu.memref_squeeze %dma_start3A_13 : memref<1x1x2x24xi32, #tpu.memory_space<hbm>> -> memref<2x24xi32, #tpu.memory_space<hbm>>
    tpu.enqueue_dma source(%dma_start3A_14 : memref<2x24xi32, #tpu.memory_space<hbm>>) target(%arg6 : memref<2x24xi32, #tpu.memory_space<vmem>>) target_semaphore(%arg19 : memref<!tpu.dma_semaphore, #tpu.memory_space<semaphore_mem>>)
    %dma_start3A_15 = arith.constant 1 : i32
    %dma_start3A_16 = arith.constant 0 : i32
    %dma_start3A_17 = arith.constant 0 : i32
    %dma_start3A_18 = tpu.memref_slice %arg3[%add3A, %dma_start3A_15, %dma_start3A_16, %dma_start3A_17] : memref<32x423x2x24xi32, #tpu.memory_space<hbm>> -> memref<1x1x2x24xi32, #tpu.memory_space<hbm>>
    %dma_start3A_19 = tpu.memref_squeeze %dma_start3A_18 : memref<1x1x2x24xi32, #tpu.memory_space<hbm>> -> memref<2x24xi32, #tpu.memory_space<hbm>>
    %dma_start3A_20 = arith.constant 0 : i32
    %dma_start3A_21 = arith.constant 0 : i32
    %dma_start3A_22 = tpu.memref_slice %arg3[%add3A, %dma_start3A_15, %dma_start3A_20, %dma_start3A_21] : memref<32x423x2x24xi32, #tpu.memory_space<hbm>> -> memref<1x1x2x24xi32, #tpu.memory_space<hbm>>
    %dma_start3A_23 = tpu.memref_squeeze %dma_start3A_22 : memref<1x1x2x24xi32, #tpu.memory_space<hbm>> -> memref<2x24xi32, #tpu.memory_space<hbm>>
    tpu.enqueue_dma source(%dma_start3A_23 : memref<2x24xi32, #tpu.memory_space<hbm>>) target(%arg7 : memref<2x24xi32, #tpu.memory_space<vmem>>) target_semaphore(%arg20 : memref<!tpu.dma_semaphore, #tpu.memory_space<semaphore_mem>>)
    %dma_start3A_24 = arith.constant 2 : i32
    %dma_start3A_25 = arith.constant 0 : i32
    %dma_start3A_26 = arith.constant 0 : i32
    %dma_start3A_27 = tpu.memref_slice %arg3[%add3A, %dma_start3A_24, %dma_start3A_25, %dma_start3A_26] : memref<32x423x2x24xi32, #tpu.memory_space<hbm>> -> memref<1x1x2x24xi32, #tpu.memory_space<hbm>>
    %dma_start3A_28 = tpu.memref_squeeze %dma_start3A_27 : memref<1x1x2x24xi32, #tpu.memory_space<hbm>> -> memref<2x24xi32, #tpu.memory_space<hbm>>
    %dma_start3A_29 = arith.constant 0 : i32
    %dma_start3A_30 = arith.constant 0 : i32
    %dma_start3A_31 = tpu.memref_slice %arg3[%add3A, %dma_start3A_24, %dma_start3A_29, %dma_start3A_30] : memref<32x423x2x24xi32, #tpu.memory_space<hbm>> -> memref<1x1x2x24xi32, #tpu.memory_space<hbm>>
    %dma_start3A_32 = tpu.memref_squeeze %dma_start3A_31 : memref<1x1x2x24xi32, #tpu.memory_space<hbm>> -> memref<2x24xi32, #tpu.memory_space<hbm>>
    tpu.enqueue_dma source(%dma_start3A_32 : memref<2x24xi32, #tpu.memory_space<hbm>>) target(%arg8 : memref<2x24xi32, #tpu.memory_space<vmem>>) target_semaphore(%arg21 : memref<!tpu.dma_semaphore, #tpu.memory_space<semaphore_mem>>)
    %dma_start3A_33 = arith.constant 3 : i32
    %dma_start3A_34 = arith.constant 0 : i32
    %dma_start3A_35 = arith.constant 0 : i32
    %dma_start3A_36 = tpu.memref_slice %arg3[%add3A, %dma_start3A_33, %dma_start3A_34, %dma_start3A_35] : memref<32x423x2x24xi32, #tpu.memory_space<hbm>> -> memref<1x1x2x24xi32, #tpu.memory_space<hbm>>
    %dma_start3A_37 = tpu.memref_squeeze %dma_start3A_36 : memref<1x1x2x24xi32, #tpu.memory_space<hbm>> -> memref<2x24xi32, #tpu.memory_space<hbm>>
    %dma_start3A_38 = arith.constant 0 : i32
    %dma_start3A_39 = arith.constant 0 : i32
    %dma_start3A_40 = tpu.memref_slice %arg3[%add3A, %dma_start3A_33, %dma_start3A_38, %dma_start3A_39] : memref<32x423x2x24xi32, #tpu.memory_space<hbm>> -> memref<1x1x2x24xi32, #tpu.memory_space<hbm>>
    %dma_start3A_41 = tpu.memref_squeeze %dma_start3A_40 : memref<1x1x2x24xi32, #tpu.memory_space<hbm>> -> memref<2x24xi32, #tpu.memory_space<hbm>>
    tpu.enqueue_dma source(%dma_start3A_41 : memref<2x24xi32, #tpu.memory_space<hbm>>) target(%arg9 : memref<2x24xi32, #tpu.memory_space<vmem>>) target_semaphore(%arg22 : memref<!tpu.dma_semaphore, #tpu.memory_space<semaphore_mem>>)
    %dma_start3A_42 = arith.constant 4 : i32
    %dma_start3A_43 = arith.constant 0 : i32
    %dma_start3A_44 = arith.constant 0 : i32
    %dma_start3A_45 = tpu.memref_slice %arg3[%add3A, %dma_start3A_42, %dma_start3A_43, %dma_start3A_44] : memref<32x423x2x24xi32, #tpu.memory_space<hbm>> -> memref<1x1x2x24xi32, #tpu.memory_space<hbm>>
    %dma_start3A_46 = tpu.memref_squeeze %dma_start3A_45 : memref<1x1x2x24xi32, #tpu.memory_space<hbm>> -> memref<2x24xi32, #tpu.memory_space<hbm>>
    %dma_start3A_47 = arith.constant 0 : i32
    %dma_start3A_48 = arith.constant 0 : i32
    %dma_start3A_49 = tpu.memref_slice %arg3[%add3A, %dma_start3A_42, %dma_start3A_47, %dma_start3A_48] : memref<32x423x2x24xi32, #tpu.memory_space<hbm>> -> memref<1x1x2x24xi32, #tpu.memory_space<hbm>>
    %dma_start3A_50 = tpu.memref_squeeze %dma_start3A_49 : memref<1x1x2x24xi32, #tpu.memory_space<hbm>> -> memref<2x24xi32, #tpu.memory_space<hbm>>
    tpu.enqueue_dma source(%dma_start3A_50 : memref<2x24xi32, #tpu.memory_space<hbm>>) target(%arg10 : memref<2x24xi32, #tpu.memory_space<vmem>>) target_semaphore(%arg23 : memref<!tpu.dma_semaphore, #tpu.memory_space<semaphore_mem>>)
    %dma_wait3A = arith.constant 0 : i32
    %dma_wait3A_51 = arith.constant 0 : i32
    %dma_wait3A_52 = arith.constant 0 : i32
    %dma_wait3A_53 = tpu.memref_slice %arg3[%add3A, %dma_wait3A, %dma_wait3A_51, %dma_wait3A_52] : memref<32x423x2x24xi32, #tpu.memory_space<hbm>> -> memref<1x1x2x24xi32, #tpu.memory_space<hbm>>
    %dma_wait3A_54 = tpu.memref_squeeze %dma_wait3A_53 : memref<1x1x2x24xi32, #tpu.memory_space<hbm>> -> memref<2x24xi32, #tpu.memory_space<hbm>>
    %dma_wait3A_55 = arith.constant 0 : i32
    %dma_wait3A_56 = arith.constant 0 : i32
    %dma_wait3A_57 = tpu.memref_slice %arg3[%add3A, %dma_wait3A, %dma_wait3A_55, %dma_wait3A_56] : memref<32x423x2x24xi32, #tpu.memory_space<hbm>> -> memref<1x1x2x24xi32, #tpu.memory_space<hbm>>
    %dma_wait3A_58 = tpu.memref_squeeze %dma_wait3A_57 : memref<1x1x2x24xi32, #tpu.memory_space<hbm>> -> memref<2x24xi32, #tpu.memory_space<hbm>>
    tpu.wait_dma2 semaphore(%arg19 : memref<!tpu.dma_semaphore, #tpu.memory_space<semaphore_mem>>) src(%dma_wait3A_58 : memref<2x24xi32, #tpu.memory_space<hbm>>) dst(%arg6 : memref<2x24xi32, #tpu.memory_space<vmem>>)
    %dma_start3A_59 = arith.constant 0 : i32
    %dma_start3A_60 = arith.constant 0 : i32
    %dma_start3A_61 = tpu.memref_slice %arg6[%dma_start3A_59, %dma_start3A_60] : memref<2x24xi32, #tpu.memory_space<vmem>> -> memref<1x24xi32, #tpu.memory_space<vmem>>
    %dma_start3A_62 = tpu.memref_squeeze %dma_start3A_61 : memref<1x24xi32, #tpu.memory_space<vmem>> -> memref<24xi32, #tpu.memory_space<vmem>>
    %dma_start3A_63 = arith.constant 0 : i32
    %dma_start3A_64 = arith.constant 0 : i32
    %dma_start3A_65 = tpu.memref_slice %arg2[%dma_start3A_63, %dma_start3A_64] : memref<10001x144xf32, #tpu.memory_space<hbm>> -> memref<10001x144xf32, #tpu.memory_space<hbm>>
    tpu.enqueue_indirect_dma source(%dma_start3A_65 : memref<10001x144xf32, #tpu.memory_space<hbm>>) target(%arg14 : memref<24x144xf32, #tpu.memory_space<vmem>>) offsets(%dma_start3A_62 : memref<24xi32, #tpu.memory_space<vmem>>) semaphore(%arg27 : memref<!tpu.dma_semaphore, #tpu.memory_space<semaphore_mem>>)
    %dma_wait3A_66 = arith.constant 1 : i32
    %dma_wait3A_67 = arith.constant 0 : i32
    %dma_wait3A_68 = arith.constant 0 : i32
    %dma_wait3A_69 = tpu.memref_slice %arg3[%add3A, %dma_wait3A_66, %dma_wait3A_67, %dma_wait3A_68] : memref<32x423x2x24xi32, #tpu.memory_space<hbm>> -> memref<1x1x2x24xi32, #tpu.memory_space<hbm>>
    %dma_wait3A_70 = tpu.memref_squeeze %dma_wait3A_69 : memref<1x1x2x24xi32, #tpu.memory_space<hbm>> -> memref<2x24xi32, #tpu.memory_space<hbm>>
    %dma_wait3A_71 = arith.constant 0 : i32
    %dma_wait3A_72 = arith.constant 0 : i32
    %dma_wait3A_73 = tpu.memref_slice %arg3[%add3A, %dma_wait3A_66, %dma_wait3A_71, %dma_wait3A_72] : memref<32x423x2x24xi32, #tpu.memory_space<hbm>> -> memref<1x1x2x24xi32, #tpu.memory_space<hbm>>
    %dma_wait3A_74 = tpu.memref_squeeze %dma_wait3A_73 : memref<1x1x2x24xi32, #tpu.memory_space<hbm>> -> memref<2x24xi32, #tpu.memory_space<hbm>>
    tpu.wait_dma2 semaphore(%arg20 : memref<!tpu.dma_semaphore, #tpu.memory_space<semaphore_mem>>) src(%dma_wait3A_74 : memref<2x24xi32, #tpu.memory_space<hbm>>) dst(%arg7 : memref<2x24xi32, #tpu.memory_space<vmem>>)
    %dma_start3A_75 = arith.constant 0 : i32
    %dma_start3A_76 = arith.constant 0 : i32
    %dma_start3A_77 = tpu.memref_slice %arg7[%dma_start3A_75, %dma_start3A_76] : memref<2x24xi32, #tpu.memory_space<vmem>> -> memref<1x24xi32, #tpu.memory_space<vmem>>
    %dma_start3A_78 = tpu.memref_squeeze %dma_start3A_77 : memref<1x24xi32, #tpu.memory_space<vmem>> -> memref<24xi32, #tpu.memory_space<vmem>>
    %dma_start3A_79 = arith.constant 0 : i32
    %dma_start3A_80 = arith.constant 0 : i32
    %dma_start3A_81 = tpu.memref_slice %arg2[%dma_start3A_79, %dma_start3A_80] : memref<10001x144xf32, #tpu.memory_space<hbm>> -> memref<10001x144xf32, #tpu.memory_space<hbm>>
    tpu.enqueue_indirect_dma source(%dma_start3A_81 : memref<10001x144xf32, #tpu.memory_space<hbm>>) target(%arg15 : memref<24x144xf32, #tpu.memory_space<vmem>>) offsets(%dma_start3A_78 : memref<24xi32, #tpu.memory_space<vmem>>) semaphore(%arg28 : memref<!tpu.dma_semaphore, #tpu.memory_space<semaphore_mem>>)
    %dma_wait3A_82 = arith.constant 0 : i32
    %dma_wait3A_83 = tpu.memref_slice %arg18[%mul3A_2, %dma_wait3A_82] : memref<10112x144xf32, #tpu.memory_space<vmem_shared>> -> memref<632x144xf32, #tpu.memory_space<vmem_shared>>
    %dma_wait3A_84 = arith.constant 0 : i32
    %dma_wait3A_85 = tpu.memref_slice %arg4[%mul3A_2, %dma_wait3A_84] : memref<10112x144xf32, #tpu.memory_space<hbm>> -> memref<632x144xf32, #tpu.memory_space<hbm>>
    tpu.wait_dma2 semaphore(%arg35 : memref<!tpu.dma_semaphore, #tpu.memory_space<semaphore_mem>>) src(%dma_wait3A_85 : memref<632x144xf32, #tpu.memory_space<hbm>>) dst(%dma_wait3A_83 : memref<632x144xf32, #tpu.memory_space<vmem_shared>>)
    %barrier3A = arith.constant 0 : index
    tpu.barrier barrier_id(%barrier3A)
    %dma_wait3A_86 = arith.constant 2 : i32
    %dma_wait3A_87 = arith.constant 0 : i32
    %dma_wait3A_88 = arith.constant 0 : i32
    %dma_wait3A_89 = tpu.memref_slice %arg3[%add3A, %dma_wait3A_86, %dma_wait3A_87, %dma_wait3A_88] : memref<32x423x2x24xi32, #tpu.memory_space<hbm>> -> memref<1x1x2x24xi32, #tpu.memory_space<hbm>>
    %dma_wait3A_90 = tpu.memref_squeeze %dma_wait3A_89 : memref<1x1x2x24xi32, #tpu.memory_space<hbm>> -> memref<2x24xi32, #tpu.memory_space<hbm>>
    %dma_wait3A_91 = arith.constant 0 : i32
    %dma_wait3A_92 = arith.constant 0 : i32
    %dma_wait3A_93 = tpu.memref_slice %arg3[%add3A, %dma_wait3A_86, %dma_wait3A_91, %dma_wait3A_92] : memref<32x423x2x24xi32, #tpu.memory_space<hbm>> -> memref<1x1x2x24xi32, #tpu.memory_space<hbm>>
    %dma_wait3A_94 = tpu.memref_squeeze %dma_wait3A_93 : memref<1x1x2x24xi32, #tpu.memory_space<hbm>> -> memref<2x24xi32, #tpu.memory_space<hbm>>
    tpu.wait_dma2 semaphore(%arg21 : memref<!tpu.dma_semaphore, #tpu.memory_space<semaphore_mem>>) src(%dma_wait3A_94 : memref<2x24xi32, #tpu.memory_space<hbm>>) dst(%arg8 : memref<2x24xi32, #tpu.memory_space<vmem>>)
    %dma_start3A_95 = arith.constant 0 : i32
    %dma_start3A_96 = arith.constant 0 : i32
    %dma_start3A_97 = tpu.memref_slice %arg8[%dma_start3A_95, %dma_start3A_96] : memref<2x24xi32, #tpu.memory_space<vmem>> -> memref<1x24xi32, #tpu.memory_space<vmem>>
    %dma_start3A_98 = tpu.memref_squeeze %dma_start3A_97 : memref<1x24xi32, #tpu.memory_space<vmem>> -> memref<24xi32, #tpu.memory_space<vmem>>
    %dma_start3A_99 = arith.constant 0 : i32
    %dma_start3A_100 = arith.constant 0 : i32
    %dma_start3A_101 = tpu.memref_slice %arg2[%dma_start3A_99, %dma_start3A_100] : memref<10001x144xf32, #tpu.memory_space<hbm>> -> memref<10001x144xf32, #tpu.memory_space<hbm>>
    tpu.enqueue_indirect_dma source(%dma_start3A_101 : memref<10001x144xf32, #tpu.memory_space<hbm>>) target(%arg16 : memref<24x144xf32, #tpu.memory_space<vmem>>) offsets(%dma_start3A_98 : memref<24xi32, #tpu.memory_space<vmem>>) semaphore(%arg29 : memref<!tpu.dma_semaphore, #tpu.memory_space<semaphore_mem>>)
    %dma_start3A_102 = arith.constant 5 : i32
    %dma_start3A_103 = arith.constant 0 : i32
    %dma_start3A_104 = arith.constant 0 : i32
    %dma_start3A_105 = tpu.memref_slice %arg3[%add3A, %dma_start3A_102, %dma_start3A_103, %dma_start3A_104] : memref<32x423x2x24xi32, #tpu.memory_space<hbm>> -> memref<1x1x2x24xi32, #tpu.memory_space<hbm>>
    %dma_start3A_106 = tpu.memref_squeeze %dma_start3A_105 : memref<1x1x2x24xi32, #tpu.memory_space<hbm>> -> memref<2x24xi32, #tpu.memory_space<hbm>>
    %dma_start3A_107 = arith.constant 0 : i32
    %dma_start3A_108 = arith.constant 0 : i32
    %dma_start3A_109 = tpu.memref_slice %arg3[%add3A, %dma_start3A_102, %dma_start3A_107, %dma_start3A_108] : memref<32x423x2x24xi32, #tpu.memory_space<hbm>> -> memref<1x1x2x24xi32, #tpu.memory_space<hbm>>
    %dma_start3A_110 = tpu.memref_squeeze %dma_start3A_109 : memref<1x1x2x24xi32, #tpu.memory_space<hbm>> -> memref<2x24xi32, #tpu.memory_space<hbm>>
    tpu.enqueue_dma source(%dma_start3A_110 : memref<2x24xi32, #tpu.memory_space<hbm>>) target(%arg11 : memref<2x24xi32, #tpu.memory_space<vmem>>) target_semaphore(%arg24 : memref<!tpu.dma_semaphore, #tpu.memory_space<semaphore_mem>>)
    %dma_wait3A_111 = arith.constant 0 : i32
    %dma_wait3A_112 = arith.constant 0 : i32
    %dma_wait3A_113 = tpu.memref_slice %arg6[%dma_wait3A_111, %dma_wait3A_112] : memref<2x24xi32, #tpu.memory_space<vmem>> -> memref<1x24xi32, #tpu.memory_space<vmem>>
    %dma_wait3A_114 = tpu.memref_squeeze %dma_wait3A_113 : memref<1x24xi32, #tpu.memory_space<vmem>> -> memref<24xi32, #tpu.memory_space<vmem>>
    %dma_wait3A_115 = arith.constant 0 : i32
    %dma_wait3A_116 = arith.constant 0 : i32
    %dma_wait3A_117 = tpu.memref_slice %arg2[%dma_wait3A_115, %dma_wait3A_116] : memref<10001x144xf32, #tpu.memory_space<hbm>> -> memref<10001x144xf32, #tpu.memory_space<hbm>>
    tpu.wait_indirect_dma semaphore(%arg27 : memref<!tpu.dma_semaphore, #tpu.memory_space<semaphore_mem>>) src(%dma_wait3A_117 : memref<10001x144xf32, #tpu.memory_space<hbm>>) dst(%arg14 : memref<24x144xf32, #tpu.memory_space<vmem>>)
    %dma_start3A_118 = arith.constant 1 : i32
    %dma_start3A_119 = arith.constant 0 : i32
    %dma_start3A_120 = tpu.memref_slice %arg6[%dma_start3A_118, %dma_start3A_119] : memref<2x24xi32, #tpu.memory_space<vmem>> -> memref<1x24xi32, #tpu.memory_space<vmem>>
    %dma_start3A_121 = tpu.memref_squeeze %dma_start3A_120 : memref<1x24xi32, #tpu.memory_space<vmem>> -> memref<24xi32, #tpu.memory_space<vmem>>
    %dma_start3A_122 = arith.constant 0 : i32
    %dma_start3A_123 = arith.constant 0 : i32
    %dma_start3A_124 = tpu.memref_slice %arg18[%dma_start3A_122, %dma_start3A_123] : memref<10112x144xf32, #tpu.memory_space<vmem_shared>> -> memref<10112x144xf32, #tpu.memory_space<vmem_shared>>
    tpu.enqueue_indirect_dma source(%arg14 : memref<24x144xf32, #tpu.memory_space<vmem>>) target(%dma_start3A_124 : memref<10112x144xf32, #tpu.memory_space<vmem_shared>>) offsets(%dma_start3A_121 : memref<24xi32, #tpu.memory_space<vmem>>) semaphore(%arg31 : memref<!tpu.dma_semaphore, #tpu.memory_space<semaphore_mem>>) {add = true}
    %dma_wait3A_125 = arith.constant 3 : i32
    %dma_wait3A_126 = arith.constant 0 : i32
    %dma_wait3A_127 = arith.constant 0 : i32
    %dma_wait3A_128 = tpu.memref_slice %arg3[%add3A, %dma_wait3A_125, %dma_wait3A_126, %dma_wait3A_127] : memref<32x423x2x24xi32, #tpu.memory_space<hbm>> -> memref<1x1x2x24xi32, #tpu.memory_space<hbm>>
    %dma_wait3A_129 = tpu.memref_squeeze %dma_wait3A_128 : memref<1x1x2x24xi32, #tpu.memory_space<hbm>> -> memref<2x24xi32, #tpu.memory_space<hbm>>
    %dma_wait3A_130 = arith.constant 0 : i32
    %dma_wait3A_131 = arith.constant 0 : i32
    %dma_wait3A_132 = tpu.memref_slice %arg3[%add3A, %dma_wait3A_125, %dma_wait3A_130, %dma_wait3A_131] : memref<32x423x2x24xi32, #tpu.memory_space<hbm>> -> memref<1x1x2x24xi32, #tpu.memory_space<hbm>>
    %dma_wait3A_133 = tpu.memref_squeeze %dma_wait3A_132 : memref<1x1x2x24xi32, #tpu.memory_space<hbm>> -> memref<2x24xi32, #tpu.memory_space<hbm>>
    tpu.wait_dma2 semaphore(%arg22 : memref<!tpu.dma_semaphore, #tpu.memory_space<semaphore_mem>>) src(%dma_wait3A_133 : memref<2x24xi32, #tpu.memory_space<hbm>>) dst(%arg9 : memref<2x24xi32, #tpu.memory_space<vmem>>)
    %dma_start3A_134 = arith.constant 0 : i32
    %dma_start3A_135 = arith.constant 0 : i32
    %dma_start3A_136 = tpu.memref_slice %arg9[%dma_start3A_134, %dma_start3A_135] : memref<2x24xi32, #tpu.memory_space<vmem>> -> memref<1x24xi32, #tpu.memory_space<vmem>>
    %dma_start3A_137 = tpu.memref_squeeze %dma_start3A_136 : memref<1x24xi32, #tpu.memory_space<vmem>> -> memref<24xi32, #tpu.memory_space<vmem>>
    %dma_start3A_138 = arith.constant 0 : i32
    %dma_start3A_139 = arith.constant 0 : i32
    %dma_start3A_140 = tpu.memref_slice %arg2[%dma_start3A_138, %dma_start3A_139] : memref<10001x144xf32, #tpu.memory_space<hbm>> -> memref<10001x144xf32, #tpu.memory_space<hbm>>
    tpu.enqueue_indirect_dma source(%dma_start3A_140 : memref<10001x144xf32, #tpu.memory_space<hbm>>) target(%arg17 : memref<24x144xf32, #tpu.memory_space<vmem>>) offsets(%dma_start3A_137 : memref<24xi32, #tpu.memory_space<vmem>>) semaphore(%arg30 : memref<!tpu.dma_semaphore, #tpu.memory_space<semaphore_mem>>)
    %dma_start3A_141 = arith.constant 6 : i32
    %dma_start3A_142 = arith.constant 0 : i32
    %dma_start3A_143 = arith.constant 0 : i32
    %dma_start3A_144 = tpu.memref_slice %arg3[%add3A, %dma_start3A_141, %dma_start3A_142, %dma_start3A_143] : memref<32x423x2x24xi32, #tpu.memory_space<hbm>> -> memref<1x1x2x24xi32, #tpu.memory_space<hbm>>
    %dma_start3A_145 = tpu.memref_squeeze %dma_start3A_144 : memref<1x1x2x24xi32, #tpu.memory_space<hbm>> -> memref<2x24xi32, #tpu.memory_space<hbm>>
    %dma_start3A_146 = arith.constant 0 : i32
    %dma_start3A_147 = arith.constant 0 : i32
    %dma_start3A_148 = tpu.memref_slice %arg3[%add3A, %dma_start3A_141, %dma_start3A_146, %dma_start3A_147] : memref<32x423x2x24xi32, #tpu.memory_space<hbm>> -> memref<1x1x2x24xi32, #tpu.memory_space<hbm>>
    %dma_start3A_149 = tpu.memref_squeeze %dma_start3A_148 : memref<1x1x2x24xi32, #tpu.memory_space<hbm>> -> memref<2x24xi32, #tpu.memory_space<hbm>>
    tpu.enqueue_dma source(%dma_start3A_149 : memref<2x24xi32, #tpu.memory_space<hbm>>) target(%arg12 : memref<2x24xi32, #tpu.memory_space<vmem>>) target_semaphore(%arg25 : memref<!tpu.dma_semaphore, #tpu.memory_space<semaphore_mem>>)
    %dma_wait3A_150 = arith.constant 0 : i32
    %dma_wait3A_151 = arith.constant 0 : i32
    %dma_wait3A_152 = tpu.memref_slice %arg7[%dma_wait3A_150, %dma_wait3A_151] : memref<2x24xi32, #tpu.memory_space<vmem>> -> memref<1x24xi32, #tpu.memory_space<vmem>>
    %dma_wait3A_153 = tpu.memref_squeeze %dma_wait3A_152 : memref<1x24xi32, #tpu.memory_space<vmem>> -> memref<24xi32, #tpu.memory_space<vmem>>
    %dma_wait3A_154 = arith.constant 0 : i32
    %dma_wait3A_155 = arith.constant 0 : i32
    %dma_wait3A_156 = tpu.memref_slice %arg2[%dma_wait3A_154, %dma_wait3A_155] : memref<10001x144xf32, #tpu.memory_space<hbm>> -> memref<10001x144xf32, #tpu.memory_space<hbm>>
    tpu.wait_indirect_dma semaphore(%arg28 : memref<!tpu.dma_semaphore, #tpu.memory_space<semaphore_mem>>) src(%dma_wait3A_156 : memref<10001x144xf32, #tpu.memory_space<hbm>>) dst(%arg15 : memref<24x144xf32, #tpu.memory_space<vmem>>)
    %dma_start3A_157 = arith.constant 1 : i32
    %dma_start3A_158 = arith.constant 0 : i32
    %dma_start3A_159 = tpu.memref_slice %arg7[%dma_start3A_157, %dma_start3A_158] : memref<2x24xi32, #tpu.memory_space<vmem>> -> memref<1x24xi32, #tpu.memory_space<vmem>>
    %dma_start3A_160 = tpu.memref_squeeze %dma_start3A_159 : memref<1x24xi32, #tpu.memory_space<vmem>> -> memref<24xi32, #tpu.memory_space<vmem>>
    %dma_start3A_161 = arith.constant 0 : i32
    %dma_start3A_162 = arith.constant 0 : i32
    %dma_start3A_163 = tpu.memref_slice %arg18[%dma_start3A_161, %dma_start3A_162] : memref<10112x144xf32, #tpu.memory_space<vmem_shared>> -> memref<10112x144xf32, #tpu.memory_space<vmem_shared>>
    tpu.enqueue_indirect_dma source(%arg15 : memref<24x144xf32, #tpu.memory_space<vmem>>) target(%dma_start3A_163 : memref<10112x144xf32, #tpu.memory_space<vmem_shared>>) offsets(%dma_start3A_160 : memref<24xi32, #tpu.memory_space<vmem>>) semaphore(%arg32 : memref<!tpu.dma_semaphore, #tpu.memory_space<semaphore_mem>>) {add = true}
    %scan3A = arith.constant 0 : i32
    %scan3A_164 = arith.constant 0 : i32
    %scan3A_165 = arith.constant 52 : i32
    %scan3A_166 = arith.addi %scan3A_164, %scan3A_165 : i32
    %scan3A_167 = arith.constant 1 : i32
    %scan3A_168 = scf.for %scan3A_226 = %scan3A_164 to %scan3A_166 step %scan3A_167 iter_args(%scan3A_227 = %scan3A) -> (i32)  : i32 {
      %mul3A_228 = arith.constant 8 : i32
      %mul3A_229 = arith.muli %scan3A_226, %mul3A_228 : i32
      %add3A_230 = arith.constant 2 : i32
      %add3A_231 = arith.addi %mul3A_229, %add3A_230 : i32
      %add3A_232 = arith.constant 0 : i32
      %add3A_233 = arith.addi %add3A_231, %add3A_232 : i32
      %dma_wait3A_234 = arith.constant 1 : i32
      %dma_wait3A_235 = arith.constant 0 : i32
      %dma_wait3A_236 = tpu.memref_slice %arg6[%dma_wait3A_234, %dma_wait3A_235] : memref<2x24xi32, #tpu.memory_space<vmem>> -> memref<1x24xi32, #tpu.memory_space<vmem>>
      %dma_wait3A_237 = tpu.memref_squeeze %dma_wait3A_236 : memref<1x24xi32, #tpu.memory_space<vmem>> -> memref<24xi32, #tpu.memory_space<vmem>>
      %dma_wait3A_238 = arith.constant 0 : i32
      %dma_wait3A_239 = arith.constant 0 : i32
      %dma_wait3A_240 = tpu.memref_slice %arg18[%dma_wait3A_238, %dma_wait3A_239] : memref<10112x144xf32, #tpu.memory_space<vmem_shared>> -> memref<10112x144xf32, #tpu.memory_space<vmem_shared>>
      tpu.wait_indirect_dma semaphore(%arg31 : memref<!tpu.dma_semaphore, #tpu.memory_space<semaphore_mem>>) src(%arg14 : memref<24x144xf32, #tpu.memory_space<vmem>>) dst(%dma_wait3A_240 : memref<10112x144xf32, #tpu.memory_space<vmem_shared>>)
      %add3A_241 = arith.constant 2 : i32
      %add3A_242 = arith.addi %add3A_233, %add3A_241 : i32
      %dma_wait3A_243 = arith.constant 0 : i32
      %dma_wait3A_244 = arith.constant 0 : i32
      %dma_wait3A_245 = tpu.memref_slice %arg3[%add3A, %add3A_242, %dma_wait3A_243, %dma_wait3A_244] : memref<32x423x2x24xi32, #tpu.memory_space<hbm>> -> memref<1x1x2x24xi32, #tpu.memory_space<hbm>>
      %dma_wait3A_246 = tpu.memref_squeeze %dma_wait3A_245 : memref<1x1x2x24xi32, #tpu.memory_space<hbm>> -> memref<2x24xi32, #tpu.memory_space<hbm>>
      %dma_wait3A_247 = arith.constant 0 : i32
      %dma_wait3A_248 = arith.constant 0 : i32
      %dma_wait3A_249 = tpu.memref_slice %arg3[%add3A, %add3A_242, %dma_wait3A_247, %dma_wait3A_248] : memref<32x423x2x24xi32, #tpu.memory_space<hbm>> -> memref<1x1x2x24xi32, #tpu.memory_space<hbm>>
      %dma_wait3A_250 = tpu.memref_squeeze %dma_wait3A_249 : memref<1x1x2x24xi32, #tpu.memory_space<hbm>> -> memref<2x24xi32, #tpu.memory_space<hbm>>
      tpu.wait_dma2 semaphore(%arg23 : memref<!tpu.dma_semaphore, #tpu.memory_space<semaphore_mem>>) src(%dma_wait3A_250 : memref<2x24xi32, #tpu.memory_space<hbm>>) dst(%arg10 : memref<2x24xi32, #tpu.memory_space<vmem>>)
      %dma_start3A_251 = arith.constant 0 : i32
      %dma_start3A_252 = arith.constant 0 : i32
      %dma_start3A_253 = tpu.memref_slice %arg10[%dma_start3A_251, %dma_start3A_252] : memref<2x24xi32, #tpu.memory_space<vmem>> -> memref<1x24xi32, #tpu.memory_space<vmem>>
      %dma_start3A_254 = tpu.memref_squeeze %dma_start3A_253 : memref<1x24xi32, #tpu.memory_space<vmem>> -> memref<24xi32, #tpu.memory_space<vmem>>
      %dma_start3A_255 = arith.constant 0 : i32
      %dma_start3A_256 = arith.constant 0 : i32
      %dma_start3A_257 = tpu.memref_slice %arg2[%dma_start3A_255, %dma_start3A_256] : memref<10001x144xf32, #tpu.memory_space<hbm>> -> memref<10001x144xf32, #tpu.memory_space<hbm>>
      tpu.enqueue_indirect_dma source(%dma_start3A_257 : memref<10001x144xf32, #tpu.memory_space<hbm>>) target(%arg14 : memref<24x144xf32, #tpu.memory_space<vmem>>) offsets(%dma_start3A_254 : memref<24xi32, #tpu.memory_space<vmem>>) semaphore(%arg27 : memref<!tpu.dma_semaphore, #tpu.memory_space<semaphore_mem>>)
      %add3A_258 = arith.constant 5 : i32
      %add3A_259 = arith.addi %add3A_233, %add3A_258 : i32
      %dma_start3A_260 = arith.constant 0 : i32
      %dma_start3A_261 = arith.constant 0 : i32
      %dma_start3A_262 = tpu.memref_slice %arg3[%add3A, %add3A_259, %dma_start3A_260, %dma_start3A_261] : memref<32x423x2x24xi32, #tpu.memory_space<hbm>> -> memref<1x1x2x24xi32, #tpu.memory_space<hbm>>
      %dma_start3A_263 = tpu.memref_squeeze %dma_start3A_262 : memref<1x1x2x24xi32, #tpu.memory_space<hbm>> -> memref<2x24xi32, #tpu.memory_space<hbm>>
      %dma_start3A_264 = arith.constant 0 : i32
      %dma_start3A_265 = arith.constant 0 : i32
      %dma_start3A_266 = tpu.memref_slice %arg3[%add3A, %add3A_259, %dma_start3A_264, %dma_start3A_265] : memref<32x423x2x24xi32, #tpu.memory_space<hbm>> -> memref<1x1x2x24xi32, #tpu.memory_space<hbm>>
      %dma_start3A_267 = tpu.memref_squeeze %dma_start3A_266 : memref<1x1x2x24xi32, #tpu.memory_space<hbm>> -> memref<2x24xi32, #tpu.memory_space<hbm>>
      tpu.enqueue_dma source(%dma_start3A_267 : memref<2x24xi32, #tpu.memory_space<hbm>>) target(%arg13 : memref<2x24xi32, #tpu.memory_space<vmem>>) target_semaphore(%arg26 : memref<!tpu.dma_semaphore, #tpu.memory_space<semaphore_mem>>)
      %dma_wait3A_268 = arith.constant 0 : i32
      %dma_wait3A_269 = arith.constant 0 : i32
      %dma_wait3A_270 = tpu.memref_slice %arg6[%dma_wait3A_268, %dma_wait3A_269] : memref<2x24xi32, #tpu.memory_space<vmem>> -> memref<1x24xi32, #tpu.memory_space<vmem>>
      %dma_wait3A_271 = tpu.memref_squeeze %dma_wait3A_270 : memref<1x24xi32, #tpu.memory_space<vmem>> -> memref<24xi32, #tpu.memory_space<vmem>>
      %dma_wait3A_272 = arith.constant 0 : i32
      %dma_wait3A_273 = arith.constant 0 : i32
      %dma_wait3A_274 = tpu.memref_slice %arg2[%dma_wait3A_272, %dma_wait3A_273] : memref<10001x144xf32, #tpu.memory_space<hbm>> -> memref<10001x144xf32, #tpu.memory_space<hbm>>
      tpu.wait_indirect_dma semaphore(%arg29 : memref<!tpu.dma_semaphore, #tpu.memory_space<semaphore_mem>>) src(%dma_wait3A_274 : memref<10001x144xf32, #tpu.memory_space<hbm>>) dst(%arg16 : memref<24x144xf32, #tpu.memory_space<vmem>>)
      %dma_start3A_275 = arith.constant 1 : i32
      %dma_start3A_276 = arith.constant 0 : i32
      %dma_start3A_277 = tpu.memref_slice %arg8[%dma_start3A_275, %dma_start3A_276] : memref<2x24xi32, #tpu.memory_space<vmem>> -> memref<1x24xi32, #tpu.memory_space<vmem>>
      %dma_start3A_278 = tpu.memref_squeeze %dma_start3A_277 : memref<1x24xi32, #tpu.memory_space<vmem>> -> memref<24xi32, #tpu.memory_space<vmem>>
      %dma_start3A_279 = arith.constant 0 : i32
      %dma_start3A_280 = arith.constant 0 : i32
      %dma_start3A_281 = tpu.memref_slice %arg18[%dma_start3A_279, %dma_start3A_280] : memref<10112x144xf32, #tpu.memory_space<vmem_shared>> -> memref<10112x144xf32, #tpu.memory_space<vmem_shared>>
      tpu.enqueue_indirect_dma source(%arg16 : memref<24x144xf32, #tpu.memory_space<vmem>>) target(%dma_start3A_281 : memref<10112x144xf32, #tpu.memory_space<vmem_shared>>) offsets(%dma_start3A_278 : memref<24xi32, #tpu.memory_space<vmem>>) semaphore(%arg33 : memref<!tpu.dma_semaphore, #tpu.memory_space<semaphore_mem>>) {add = true}
      %add3A_282 = arith.constant 1 : i32
      %add3A_283 = arith.addi %add3A_231, %add3A_282 : i32
      %dma_wait3A_284 = arith.constant 1 : i32
      %dma_wait3A_285 = arith.constant 0 : i32
      %dma_wait3A_286 = tpu.memref_slice %arg6[%dma_wait3A_284, %dma_wait3A_285] : memref<2x24xi32, #tpu.memory_space<vmem>> -> memref<1x24xi32, #tpu.memory_space<vmem>>
      %dma_wait3A_287 = tpu.memref_squeeze %dma_wait3A_286 : memref<1x24xi32, #tpu.memory_space<vmem>> -> memref<24xi32, #tpu.memory_space<vmem>>
      %dma_wait3A_288 = arith.constant 0 : i32
      %dma_wait3A_289 = arith.constant 0 : i32
      %dma_wait3A_290 = tpu.memref_slice %arg18[%dma_wait3A_288, %dma_wait3A_289] : memref<10112x144xf32, #tpu.memory_space<vmem_shared>> -> memref<10112x144xf32, #tpu.memory_space<vmem_shared>>
      tpu.wait_indirect_dma semaphore(%arg32 : memref<!tpu.dma_semaphore, #tpu.memory_space<semaphore_mem>>) src(%arg15 : memref<24x144xf32, #tpu.memory_space<vmem>>) dst(%dma_wait3A_290 : memref<10112x144xf32, #tpu.memory_space<vmem_shared>>)
      %add3A_291 = arith.constant 2 : i32
      %add3A_292 = arith.addi %add3A_283, %add3A_291 : i32
      %dma_wait3A_293 = arith.constant 0 : i32
      %dma_wait3A_294 = arith.constant 0 : i32
      %dma_wait3A_295 = tpu.memref_slice %arg3[%add3A, %add3A_292, %dma_wait3A_293, %dma_wait3A_294] : memref<32x423x2x24xi32, #tpu.memory_space<hbm>> -> memref<1x1x2x24xi32, #tpu.memory_space<hbm>>
      %dma_wait3A_296 = tpu.memref_squeeze %dma_wait3A_295 : memref<1x1x2x24xi32, #tpu.memory_space<hbm>> -> memref<2x24xi32, #tpu.memory_space<hbm>>
      %dma_wait3A_297 = arith.constant 0 : i32
      %dma_wait3A_298 = arith.constant 0 : i32
      %dma_wait3A_299 = tpu.memref_slice %arg3[%add3A, %add3A_292, %dma_wait3A_297, %dma_wait3A_298] : memref<32x423x2x24xi32, #tpu.memory_space<hbm>> -> memref<1x1x2x24xi32, #tpu.memory_space<hbm>>
      %dma_wait3A_300 = tpu.memref_squeeze %dma_wait3A_299 : memref<1x1x2x24xi32, #tpu.memory_space<hbm>> -> memref<2x24xi32, #tpu.memory_space<hbm>>
      tpu.wait_dma2 semaphore(%arg24 : memref<!tpu.dma_semaphore, #tpu.memory_space<semaphore_mem>>) src(%dma_wait3A_300 : memref<2x24xi32, #tpu.memory_space<hbm>>) dst(%arg11 : memref<2x24xi32, #tpu.memory_space<vmem>>)
      %dma_start3A_301 = arith.constant 0 : i32
      %dma_start3A_302 = arith.constant 0 : i32
      %dma_start3A_303 = tpu.memref_slice %arg11[%dma_start3A_301, %dma_start3A_302] : memref<2x24xi32, #tpu.memory_space<vmem>> -> memref<1x24xi32, #tpu.memory_space<vmem>>
      %dma_start3A_304 = tpu.memref_squeeze %dma_start3A_303 : memref<1x24xi32, #tpu.memory_space<vmem>> -> memref<24xi32, #tpu.memory_space<vmem>>
      %dma_start3A_305 = arith.constant 0 : i32
      %dma_start3A_306 = arith.constant 0 : i32
      %dma_start3A_307 = tpu.memref_slice %arg2[%dma_start3A_305, %dma_start3A_306] : memref<10001x144xf32, #tpu.memory_space<hbm>> -> memref<10001x144xf32, #tpu.memory_space<hbm>>
      tpu.enqueue_indirect_dma source(%dma_start3A_307 : memref<10001x144xf32, #tpu.memory_space<hbm>>) target(%arg15 : memref<24x144xf32, #tpu.memory_space<vmem>>) offsets(%dma_start3A_304 : memref<24xi32, #tpu.memory_space<vmem>>) semaphore(%arg28 : memref<!tpu.dma_semaphore, #tpu.memory_space<semaphore_mem>>)
      %add3A_308 = arith.constant 5 : i32
      %add3A_309 = arith.addi %add3A_283, %add3A_308 : i32
      %dma_start3A_310 = arith.constant 0 : i32
      %dma_start3A_311 = arith.constant 0 : i32
      %dma_start3A_312 = tpu.memref_slice %arg3[%add3A, %add3A_309, %dma_start3A_310, %dma_start3A_311] : memref<32x423x2x24xi32, #tpu.memory_space<hbm>> -> memref<1x1x2x24xi32, #tpu.memory_space<hbm>>
      %dma_start3A_313 = tpu.memref_squeeze %dma_start3A_312 : memref<1x1x2x24xi32, #tpu.memory_space<hbm>> -> memref<2x24xi32, #tpu.memory_space<hbm>>
      %dma_start3A_314 = arith.constant 0 : i32
      %dma_start3A_315 = arith.constant 0 : i32
      %dma_start3A_316 = tpu.memref_slice %arg3[%add3A, %add3A_309, %dma_start3A_314, %dma_start3A_315] : memref<32x423x2x24xi32, #tpu.memory_space<hbm>> -> memref<1x1x2x24xi32, #tpu.memory_space<hbm>>
      %dma_start3A_317 = tpu.memref_squeeze %dma_start3A_316 : memref<1x1x2x24xi32, #tpu.memory_space<hbm>> -> memref<2x24xi32, #tpu.memory_space<hbm>>
      tpu.enqueue_dma source(%dma_start3A_317 : memref<2x24xi32, #tpu.memory_space<hbm>>) target(%arg6 : memref<2x24xi32, #tpu.memory_space<vmem>>) target_semaphore(%arg19 : memref<!tpu.dma_semaphore, #tpu.memory_space<semaphore_mem>>)
      %dma_wait3A_318 = arith.constant 0 : i32
      %dma_wait3A_319 = arith.constant 0 : i32
      %dma_wait3A_320 = tpu.memref_slice %arg6[%dma_wait3A_318, %dma_wait3A_319] : memref<2x24xi32, #tpu.memory_space<vmem>> -> memref<1x24xi32, #tpu.memory_space<vmem>>
      %dma_wait3A_321 = tpu.memref_squeeze %dma_wait3A_320 : memref<1x24xi32, #tpu.memory_space<vmem>> -> memref<24xi32, #tpu.memory_space<vmem>>
      %dma_wait3A_322 = arith.constant 0 : i32
      %dma_wait3A_323 = arith.constant 0 : i32
      %dma_wait3A_324 = tpu.memref_slice %arg2[%dma_wait3A_322, %dma_wait3A_323] : memref<10001x144xf32, #tpu.memory_space<hbm>> -> memref<10001x144xf32, #tpu.memory_space<hbm>>
      tpu.wait_indirect_dma semaphore(%arg30 : memref<!tpu.dma_semaphore, #tpu.memory_space<semaphore_mem>>) src(%dma_wait3A_324 : memref<10001x144xf32, #tpu.memory_space<hbm>>) dst(%arg17 : memref<24x144xf32, #tpu.memory_space<vmem>>)
      %dma_start3A_325 = arith.constant 1 : i32
      %dma_start3A_326 = arith.constant 0 : i32
      %dma_start3A_327 = tpu.memref_slice %arg9[%dma_start3A_325, %dma_start3A_326] : memref<2x24xi32, #tpu.memory_space<vmem>> -> memref<1x24xi32, #tpu.memory_space<vmem>>
      %dma_start3A_328 = tpu.memref_squeeze %dma_start3A_327 : memref<1x24xi32, #tpu.memory_space<vmem>> -> memref<24xi32, #tpu.memory_space<vmem>>
      %dma_start3A_329 = arith.constant 0 : i32
      %dma_start3A_330 = arith.constant 0 : i32
      %dma_start3A_331 = tpu.memref_slice %arg18[%dma_start3A_329, %dma_start3A_330] : memref<10112x144xf32, #tpu.memory_space<vmem_shared>> -> memref<10112x144xf32, #tpu.memory_space<vmem_shared>>
      tpu.enqueue_indirect_dma source(%arg17 : memref<24x144xf32, #tpu.memory_space<vmem>>) target(%dma_start3A_331 : memref<10112x144xf32, #tpu.memory_space<vmem_shared>>) offsets(%dma_start3A_328 : memref<24xi32, #tpu.memory_space<vmem>>) semaphore(%arg34 : memref<!tpu.dma_semaphore, #tpu.memory_space<semaphore_mem>>) {add = true}
      %add3A_332 = arith.constant 2 : i32
      %add3A_333 = arith.addi %add3A_231, %add3A_332 : i32
      %dma_wait3A_334 = arith.constant 1 : i32
      %dma_wait3A_335 = arith.constant 0 : i32
      %dma_wait3A_336 = tpu.memref_slice %arg6[%dma_wait3A_334, %dma_wait3A_335] : memref<2x24xi32, #tpu.memory_space<vmem>> -> memref<1x24xi32, #tpu.memory_space<vmem>>
      %dma_wait3A_337 = tpu.memref_squeeze %dma_wait3A_336 : memref<1x24xi32, #tpu.memory_space<vmem>> -> memref<24xi32, #tpu.memory_space<vmem>>
      %dma_wait3A_338 = arith.constant 0 : i32
      %dma_wait3A_339 = arith.constant 0 : i32
      %dma_wait3A_340 = tpu.memref_slice %arg18[%dma_wait3A_338, %dma_wait3A_339] : memref<10112x144xf32, #tpu.memory_space<vmem_shared>> -> memref<10112x144xf32, #tpu.memory_space<vmem_shared>>
      tpu.wait_indirect_dma semaphore(%arg33 : memref<!tpu.dma_semaphore, #tpu.memory_space<semaphore_mem>>) src(%arg16 : memref<24x144xf32, #tpu.memory_space<vmem>>) dst(%dma_wait3A_340 : memref<10112x144xf32, #tpu.memory_space<vmem_shared>>)
      %add3A_341 = arith.constant 2 : i32
      %add3A_342 = arith.addi %add3A_333, %add3A_341 : i32
      %dma_wait3A_343 = arith.constant 0 : i32
      %dma_wait3A_344 = arith.constant 0 : i32
      %dma_wait3A_345 = tpu.memref_slice %arg3[%add3A, %add3A_342, %dma_wait3A_343, %dma_wait3A_344] : memref<32x423x2x24xi32, #tpu.memory_space<hbm>> -> memref<1x1x2x24xi32, #tpu.memory_space<hbm>>
      %dma_wait3A_346 = tpu.memref_squeeze %dma_wait3A_345 : memref<1x1x2x24xi32, #tpu.memory_space<hbm>> -> memref<2x24xi32, #tpu.memory_space<hbm>>
      %dma_wait3A_347 = arith.constant 0 : i32
      %dma_wait3A_348 = arith.constant 0 : i32
      %dma_wait3A_349 = tpu.memref_slice %arg3[%add3A, %add3A_342, %dma_wait3A_347, %dma_wait3A_348] : memref<32x423x2x24xi32, #tpu.memory_space<hbm>> -> memref<1x1x2x24xi32, #tpu.memory_space<hbm>>
      %dma_wait3A_350 = tpu.memref_squeeze %dma_wait3A_349 : memref<1x1x2x24xi32, #tpu.memory_space<hbm>> -> memref<2x24xi32, #tpu.memory_space<hbm>>
      tpu.wait_dma2 semaphore(%arg25 : memref<!tpu.dma_semaphore, #tpu.memory_space<semaphore_mem>>) src(%dma_wait3A_350 : memref<2x24xi32, #tpu.memory_space<hbm>>) dst(%arg12 : memref<2x24xi32, #tpu.memory_space<vmem>>)
      %dma_start3A_351 = arith.constant 0 : i32
      %dma_start3A_352 = arith.constant 0 : i32
      %dma_start3A_353 = tpu.memref_slice %arg12[%dma_start3A_351, %dma_start3A_352] : memref<2x24xi32, #tpu.memory_space<vmem>> -> memref<1x24xi32, #tpu.memory_space<vmem>>
      %dma_start3A_354 = tpu.memref_squeeze %dma_start3A_353 : memref<1x24xi32, #tpu.memory_space<vmem>> -> memref<24xi32, #tpu.memory_space<vmem>>
      %dma_start3A_355 = arith.constant 0 : i32
      %dma_start3A_356 = arith.constant 0 : i32
      %dma_start3A_357 = tpu.memref_slice %arg2[%dma_start3A_355, %dma_start3A_356] : memref<10001x144xf32, #tpu.memory_space<hbm>> -> memref<10001x144xf32, #tpu.memory_space<hbm>>
      tpu.enqueue_indirect_dma source(%dma_start3A_357 : memref<10001x144xf32, #tpu.memory_space<hbm>>) target(%arg16 : memref<24x144xf32, #tpu.memory_space<vmem>>) offsets(%dma_start3A_354 : memref<24xi32, #tpu.memory_space<vmem>>) semaphore(%arg29 : memref<!tpu.dma_semaphore, #tpu.memory_space<semaphore_mem>>)
      %add3A_358 = arith.constant 5 : i32
      %add3A_359 = arith.addi %add3A_333, %add3A_358 : i32
      %dma_start3A_360 = arith.constant 0 : i32
      %dma_start3A_361 = arith.constant 0 : i32
      %dma_start3A_362 = tpu.memref_slice %arg3[%add3A, %add3A_359, %dma_start3A_360, %dma_start3A_361] : memref<32x423x2x24xi32, #tpu.memory_space<hbm>> -> memref<1x1x2x24xi32, #tpu.memory_space<hbm>>
      %dma_start3A_363 = tpu.memref_squeeze %dma_start3A_362 : memref<1x1x2x24xi32, #tpu.memory_space<hbm>> -> memref<2x24xi32, #tpu.memory_space<hbm>>
      %dma_start3A_364 = arith.constant 0 : i32
      %dma_start3A_365 = arith.constant 0 : i32
      %dma_start3A_366 = tpu.memref_slice %arg3[%add3A, %add3A_359, %dma_start3A_364, %dma_start3A_365] : memref<32x423x2x24xi32, #tpu.memory_space<hbm>> -> memref<1x1x2x24xi32, #tpu.memory_space<hbm>>
      %dma_start3A_367 = tpu.memref_squeeze %dma_start3A_366 : memref<1x1x2x24xi32, #tpu.memory_space<hbm>> -> memref<2x24xi32, #tpu.memory_space<hbm>>
      tpu.enqueue_dma source(%dma_start3A_367 : memref<2x24xi32, #tpu.memory_space<hbm>>) target(%arg7 : memref<2x24xi32, #tpu.memory_space<vmem>>) target_semaphore(%arg20 : memref<!tpu.dma_semaphore, #tpu.memory_space<semaphore_mem>>)
      %dma_wait3A_368 = arith.constant 0 : i32
      %dma_wait3A_369 = arith.constant 0 : i32
      %dma_wait3A_370 = tpu.memref_slice %arg6[%dma_wait3A_368, %dma_wait3A_369] : memref<2x24xi32, #tpu.memory_space<vmem>> -> memref<1x24xi32, #tpu.memory_space<vmem>>
      %dma_wait3A_371 = tpu.memref_squeeze %dma_wait3A_370 : memref<1x24xi32, #tpu.memory_space<vmem>> -> memref<24xi32, #tpu.memory_space<vmem>>
      %dma_wait3A_372 = arith.constant 0 : i32
      %dma_wait3A_373 = arith.constant 0 : i32
      %dma_wait3A_374 = tpu.memref_slice %arg2[%dma_wait3A_372, %dma_wait3A_373] : memref<10001x144xf32, #tpu.memory_space<hbm>> -> memref<10001x144xf32, #tpu.memory_space<hbm>>
      tpu.wait_indirect_dma semaphore(%arg27 : memref<!tpu.dma_semaphore, #tpu.memory_space<semaphore_mem>>) src(%dma_wait3A_374 : memref<10001x144xf32, #tpu.memory_space<hbm>>) dst(%arg14 : memref<24x144xf32, #tpu.memory_space<vmem>>)
      %dma_start3A_375 = arith.constant 1 : i32
      %dma_start3A_376 = arith.constant 0 : i32
      %dma_start3A_377 = tpu.memref_slice %arg10[%dma_start3A_375, %dma_start3A_376] : memref<2x24xi32, #tpu.memory_space<vmem>> -> memref<1x24xi32, #tpu.memory_space<vmem>>
      %dma_start3A_378 = tpu.memref_squeeze %dma_start3A_377 : memref<1x24xi32, #tpu.memory_space<vmem>> -> memref<24xi32, #tpu.memory_space<vmem>>
      %dma_start3A_379 = arith.constant 0 : i32
      %dma_start3A_380 = arith.constant 0 : i32
      %dma_start3A_381 = tpu.memref_slice %arg18[%dma_start3A_379, %dma_start3A_380] : memref<10112x144xf32, #tpu.memory_space<vmem_shared>> -> memref<10112x144xf32, #tpu.memory_space<vmem_shared>>
      tpu.enqueue_indirect_dma source(%arg14 : memref<24x144xf32, #tpu.memory_space<vmem>>) target(%dma_start3A_381 : memref<10112x144xf32, #tpu.memory_space<vmem_shared>>) offsets(%dma_start3A_378 : memref<24xi32, #tpu.memory_space<vmem>>) semaphore(%arg31 : memref<!tpu.dma_semaphore, #tpu.memory_space<semaphore_mem>>) {add = true}
      %add3A_382 = arith.constant 3 : i32
      %add3A_383 = arith.addi %add3A_231, %add3A_382 : i32
      %dma_wait3A_384 = arith.constant 1 : i32
      %dma_wait3A_385 = arith.constant 0 : i32
      %dma_wait3A_386 = tpu.memref_slice %arg6[%dma_wait3A_384, %dma_wait3A_385] : memref<2x24xi32, #tpu.memory_space<vmem>> -> memref<1x24xi32, #tpu.memory_space<vmem>>
      %dma_wait3A_387 = tpu.memref_squeeze %dma_wait3A_386 : memref<1x24xi32, #tpu.memory_space<vmem>> -> memref<24xi32, #tpu.memory_space<vmem>>
      %dma_wait3A_388 = arith.constant 0 : i32
      %dma_wait3A_389 = arith.constant 0 : i32
      %dma_wait3A_390 = tpu.memref_slice %arg18[%dma_wait3A_388, %dma_wait3A_389] : memref<10112x144xf32, #tpu.memory_space<vmem_shared>> -> memref<10112x144xf32, #tpu.memory_space<vmem_shared>>
      tpu.wait_indirect_dma semaphore(%arg34 : memref<!tpu.dma_semaphore, #tpu.memory_space<semaphore_mem>>) src(%arg17 : memref<24x144xf32, #tpu.memory_space<vmem>>) dst(%dma_wait3A_390 : memref<10112x144xf32, #tpu.memory_space<vmem_shared>>)
      %add3A_391 = arith.constant 2 : i32
      %add3A_392 = arith.addi %add3A_383, %add3A_391 : i32
      %dma_wait3A_393 = arith.constant 0 : i32
      %dma_wait3A_394 = arith.constant 0 : i32
      %dma_wait3A_395 = tpu.memref_slice %arg3[%add3A, %add3A_392, %dma_wait3A_393, %dma_wait3A_394] : memref<32x423x2x24xi32, #tpu.memory_space<hbm>> -> memref<1x1x2x24xi32, #tpu.memory_space<hbm>>
      %dma_wait3A_396 = tpu.memref_squeeze %dma_wait3A_395 : memref<1x1x2x24xi32, #tpu.memory_space<hbm>> -> memref<2x24xi32, #tpu.memory_space<hbm>>
      %dma_wait3A_397 = arith.constant 0 : i32
      %dma_wait3A_398 = arith.constant 0 : i32
      %dma_wait3A_399 = tpu.memref_slice %arg3[%add3A, %add3A_392, %dma_wait3A_397, %dma_wait3A_398] : memref<32x423x2x24xi32, #tpu.memory_space<hbm>> -> memref<1x1x2x24xi32, #tpu.memory_space<hbm>>
      %dma_wait3A_400 = tpu.memref_squeeze %dma_wait3A_399 : memref<1x1x2x24xi32, #tpu.memory_space<hbm>> -> memref<2x24xi32, #tpu.memory_space<hbm>>
      tpu.wait_dma2 semaphore(%arg26 : memref<!tpu.dma_semaphore, #tpu.memory_space<semaphore_mem>>) src(%dma_wait3A_400 : memref<2x24xi32, #tpu.memory_space<hbm>>) dst(%arg13 : memref<2x24xi32, #tpu.memory_space<vmem>>)
      %dma_start3A_401 = arith.constant 0 : i32
      %dma_start3A_402 = arith.constant 0 : i32
      %dma_start3A_403 = tpu.memref_slice %arg13[%dma_start3A_401, %dma_start3A_402] : memref<2x24xi32, #tpu.memory_space<vmem>> -> memref<1x24xi32, #tpu.memory_space<vmem>>
      %dma_start3A_404 = tpu.memref_squeeze %dma_start3A_403 : memref<1x24xi32, #tpu.memory_space<vmem>> -> memref<24xi32, #tpu.memory_space<vmem>>
      %dma_start3A_405 = arith.constant 0 : i32
      %dma_start3A_406 = arith.constant 0 : i32
      %dma_start3A_407 = tpu.memref_slice %arg2[%dma_start3A_405, %dma_start3A_406] : memref<10001x144xf32, #tpu.memory_space<hbm>> -> memref<10001x144xf32, #tpu.memory_space<hbm>>
      tpu.enqueue_indirect_dma source(%dma_start3A_407 : memref<10001x144xf32, #tpu.memory_space<hbm>>) target(%arg17 : memref<24x144xf32, #tpu.memory_space<vmem>>) offsets(%dma_start3A_404 : memref<24xi32, #tpu.memory_space<vmem>>) semaphore(%arg30 : memref<!tpu.dma_semaphore, #tpu.memory_space<semaphore_mem>>)
      %add3A_408 = arith.constant 5 : i32
      %add3A_409 = arith.addi %add3A_383, %add3A_408 : i32
      %dma_start3A_410 = arith.constant 0 : i32
      %dma_start3A_411 = arith.constant 0 : i32
      %dma_start3A_412 = tpu.memref_slice %arg3[%add3A, %add3A_409, %dma_start3A_410, %dma_start3A_411] : memref<32x423x2x24xi32, #tpu.memory_space<hbm>> -> memref<1x1x2x24xi32, #tpu.memory_space<hbm>>
      %dma_start3A_413 = tpu.memref_squeeze %dma_start3A_412 : memref<1x1x2x24xi32, #tpu.memory_space<hbm>> -> memref<2x24xi32, #tpu.memory_space<hbm>>
      %dma_start3A_414 = arith.constant 0 : i32
      %dma_start3A_415 = arith.constant 0 : i32
      %dma_start3A_416 = tpu.memref_slice %arg3[%add3A, %add3A_409, %dma_start3A_414, %dma_start3A_415] : memref<32x423x2x24xi32, #tpu.memory_space<hbm>> -> memref<1x1x2x24xi32, #tpu.memory_space<hbm>>
      %dma_start3A_417 = tpu.memref_squeeze %dma_start3A_416 : memref<1x1x2x24xi32, #tpu.memory_space<hbm>> -> memref<2x24xi32, #tpu.memory_space<hbm>>
      tpu.enqueue_dma source(%dma_start3A_417 : memref<2x24xi32, #tpu.memory_space<hbm>>) target(%arg8 : memref<2x24xi32, #tpu.memory_space<vmem>>) target_semaphore(%arg21 : memref<!tpu.dma_semaphore, #tpu.memory_space<semaphore_mem>>)
      %dma_wait3A_418 = arith.constant 0 : i32
      %dma_wait3A_419 = arith.constant 0 : i32
      %dma_wait3A_420 = tpu.memref_slice %arg6[%dma_wait3A_418, %dma_wait3A_419] : memref<2x24xi32, #tpu.memory_space<vmem>> -> memref<1x24xi32, #tpu.memory_space<vmem>>
      %dma_wait3A_421 = tpu.memref_squeeze %dma_wait3A_420 : memref<1x24xi32, #tpu.memory_space<vmem>> -> memref<24xi32, #tpu.memory_space<vmem>>
      %dma_wait3A_422 = arith.constant 0 : i32
      %dma_wait3A_423 = arith.constant 0 : i32
      %dma_wait3A_424 = tpu.memref_slice %arg2[%dma_wait3A_422, %dma_wait3A_423] : memref<10001x144xf32, #tpu.memory_space<hbm>> -> memref<10001x144xf32, #tpu.memory_space<hbm>>
      tpu.wait_indirect_dma semaphore(%arg28 : memref<!tpu.dma_semaphore, #tpu.memory_space<semaphore_mem>>) src(%dma_wait3A_424 : memref<10001x144xf32, #tpu.memory_space<hbm>>) dst(%arg15 : memref<24x144xf32, #tpu.memory_space<vmem>>)
      %dma_start3A_425 = arith.constant 1 : i32
      %dma_start3A_426 = arith.constant 0 : i32
      %dma_start3A_427 = tpu.memref_slice %arg11[%dma_start3A_425, %dma_start3A_426] : memref<2x24xi32, #tpu.memory_space<vmem>> -> memref<1x24xi32, #tpu.memory_space<vmem>>
      %dma_start3A_428 = tpu.memref_squeeze %dma_start3A_427 : memref<1x24xi32, #tpu.memory_space<vmem>> -> memref<24xi32, #tpu.memory_space<vmem>>
      %dma_start3A_429 = arith.constant 0 : i32
      %dma_start3A_430 = arith.constant 0 : i32
      %dma_start3A_431 = tpu.memref_slice %arg18[%dma_start3A_429, %dma_start3A_430] : memref<10112x144xf32, #tpu.memory_space<vmem_shared>> -> memref<10112x144xf32, #tpu.memory_space<vmem_shared>>
      tpu.enqueue_indirect_dma source(%arg15 : memref<24x144xf32, #tpu.memory_space<vmem>>) target(%dma_start3A_431 : memref<10112x144xf32, #tpu.memory_space<vmem_shared>>) offsets(%dma_start3A_428 : memref<24xi32, #tpu.memory_space<vmem>>) semaphore(%arg32 : memref<!tpu.dma_semaphore, #tpu.memory_space<semaphore_mem>>) {add = true}
      %add3A_432 = arith.constant 4 : i32
      %add3A_433 = arith.addi %add3A_231, %add3A_432 : i32
      %dma_wait3A_434 = arith.constant 1 : i32
      %dma_wait3A_435 = arith.constant 0 : i32
      %dma_wait3A_436 = tpu.memref_slice %arg6[%dma_wait3A_434, %dma_wait3A_435] : memref<2x24xi32, #tpu.memory_space<vmem>> -> memref<1x24xi32, #tpu.memory_space<vmem>>
      %dma_wait3A_437 = tpu.memref_squeeze %dma_wait3A_436 : memref<1x24xi32, #tpu.memory_space<vmem>> -> memref<24xi32, #tpu.memory_space<vmem>>
      %dma_wait3A_438 = arith.constant 0 : i32
      %dma_wait3A_439 = arith.constant 0 : i32
      %dma_wait3A_440 = tpu.memref_slice %arg18[%dma_wait3A_438, %dma_wait3A_439] : memref<10112x144xf32, #tpu.memory_space<vmem_shared>> -> memref<10112x144xf32, #tpu.memory_space<vmem_shared>>
      tpu.wait_indirect_dma semaphore(%arg31 : memref<!tpu.dma_semaphore, #tpu.memory_space<semaphore_mem>>) src(%arg14 : memref<24x144xf32, #tpu.memory_space<vmem>>) dst(%dma_wait3A_440 : memref<10112x144xf32, #tpu.memory_space<vmem_shared>>)
      %add3A_441 = arith.constant 2 : i32
      %add3A_442 = arith.addi %add3A_433, %add3A_441 : i32
      %dma_wait3A_443 = arith.constant 0 : i32
      %dma_wait3A_444 = arith.constant 0 : i32
      %dma_wait3A_445 = tpu.memref_slice %arg3[%add3A, %add3A_442, %dma_wait3A_443, %dma_wait3A_444] : memref<32x423x2x24xi32, #tpu.memory_space<hbm>> -> memref<1x1x2x24xi32, #tpu.memory_space<hbm>>
      %dma_wait3A_446 = tpu.memref_squeeze %dma_wait3A_445 : memref<1x1x2x24xi32, #tpu.memory_space<hbm>> -> memref<2x24xi32, #tpu.memory_space<hbm>>
      %dma_wait3A_447 = arith.constant 0 : i32
      %dma_wait3A_448 = arith.constant 0 : i32
      %dma_wait3A_449 = tpu.memref_slice %arg3[%add3A, %add3A_442, %dma_wait3A_447, %dma_wait3A_448] : memref<32x423x2x24xi32, #tpu.memory_space<hbm>> -> memref<1x1x2x24xi32, #tpu.memory_space<hbm>>
      %dma_wait3A_450 = tpu.memref_squeeze %dma_wait3A_449 : memref<1x1x2x24xi32, #tpu.memory_space<hbm>> -> memref<2x24xi32, #tpu.memory_space<hbm>>
      tpu.wait_dma2 semaphore(%arg19 : memref<!tpu.dma_semaphore, #tpu.memory_space<semaphore_mem>>) src(%dma_wait3A_450 : memref<2x24xi32, #tpu.memory_space<hbm>>) dst(%arg6 : memref<2x24xi32, #tpu.memory_space<vmem>>)
      %dma_start3A_451 = arith.constant 0 : i32
      %dma_start3A_452 = arith.constant 0 : i32
      %dma_start3A_453 = tpu.memref_slice %arg6[%dma_start3A_451, %dma_start3A_452] : memref<2x24xi32, #tpu.memory_space<vmem>> -> memref<1x24xi32, #tpu.memory_space<vmem>>
      %dma_start3A_454 = tpu.memref_squeeze %dma_start3A_453 : memref<1x24xi32, #tpu.memory_space<vmem>> -> memref<24xi32, #tpu.memory_space<vmem>>
      %dma_start3A_455 = arith.constant 0 : i32
      %dma_start3A_456 = arith.constant 0 : i32
      %dma_start3A_457 = tpu.memref_slice %arg2[%dma_start3A_455, %dma_start3A_456] : memref<10001x144xf32, #tpu.memory_space<hbm>> -> memref<10001x144xf32, #tpu.memory_space<hbm>>
      tpu.enqueue_indirect_dma source(%dma_start3A_457 : memref<10001x144xf32, #tpu.memory_space<hbm>>) target(%arg14 : memref<24x144xf32, #tpu.memory_space<vmem>>) offsets(%dma_start3A_454 : memref<24xi32, #tpu.memory_space<vmem>>) semaphore(%arg27 : memref<!tpu.dma_semaphore, #tpu.memory_space<semaphore_mem>>)
      %add3A_458 = arith.constant 5 : i32
      %add3A_459 = arith.addi %add3A_433, %add3A_458 : i32
      %dma_start3A_460 = arith.constant 0 : i32
      %dma_start3A_461 = arith.constant 0 : i32
      %dma_start3A_462 = tpu.memref_slice %arg3[%add3A, %add3A_459, %dma_start3A_460, %dma_start3A_461] : memref<32x423x2x24xi32, #tpu.memory_space<hbm>> -> memref<1x1x2x24xi32, #tpu.memory_space<hbm>>
      %dma_start3A_463 = tpu.memref_squeeze %dma_start3A_462 : memref<1x1x2x24xi32, #tpu.memory_space<hbm>> -> memref<2x24xi32, #tpu.memory_space<hbm>>
      %dma_start3A_464 = arith.constant 0 : i32
      %dma_start3A_465 = arith.constant 0 : i32
      %dma_start3A_466 = tpu.memref_slice %arg3[%add3A, %add3A_459, %dma_start3A_464, %dma_start3A_465] : memref<32x423x2x24xi32, #tpu.memory_space<hbm>> -> memref<1x1x2x24xi32, #tpu.memory_space<hbm>>
      %dma_start3A_467 = tpu.memref_squeeze %dma_start3A_466 : memref<1x1x2x24xi32, #tpu.memory_space<hbm>> -> memref<2x24xi32, #tpu.memory_space<hbm>>
      tpu.enqueue_dma source(%dma_start3A_467 : memref<2x24xi32, #tpu.memory_space<hbm>>) target(%arg9 : memref<2x24xi32, #tpu.memory_space<vmem>>) target_semaphore(%arg22 : memref<!tpu.dma_semaphore, #tpu.memory_space<semaphore_mem>>)
      %dma_wait3A_468 = arith.constant 0 : i32
      %dma_wait3A_469 = arith.constant 0 : i32
      %dma_wait3A_470 = tpu.memref_slice %arg6[%dma_wait3A_468, %dma_wait3A_469] : memref<2x24xi32, #tpu.memory_space<vmem>> -> memref<1x24xi32, #tpu.memory_space<vmem>>
      %dma_wait3A_471 = tpu.memref_squeeze %dma_wait3A_470 : memref<1x24xi32, #tpu.memory_space<vmem>> -> memref<24xi32, #tpu.memory_space<vmem>>
      %dma_wait3A_472 = arith.constant 0 : i32
      %dma_wait3A_473 = arith.constant 0 : i32
      %dma_wait3A_474 = tpu.memref_slice %arg2[%dma_wait3A_472, %dma_wait3A_473] : memref<10001x144xf32, #tpu.memory_space<hbm>> -> memref<10001x144xf32, #tpu.memory_space<hbm>>
      tpu.wait_indirect_dma semaphore(%arg29 : memref<!tpu.dma_semaphore, #tpu.memory_space<semaphore_mem>>) src(%dma_wait3A_474 : memref<10001x144xf32, #tpu.memory_space<hbm>>) dst(%arg16 : memref<24x144xf32, #tpu.memory_space<vmem>>)
      %dma_start3A_475 = arith.constant 1 : i32
      %dma_start3A_476 = arith.constant 0 : i32
      %dma_start3A_477 = tpu.memref_slice %arg12[%dma_start3A_475, %dma_start3A_476] : memref<2x24xi32, #tpu.memory_space<vmem>> -> memref<1x24xi32, #tpu.memory_space<vmem>>
      %dma_start3A_478 = tpu.memref_squeeze %dma_start3A_477 : memref<1x24xi32, #tpu.memory_space<vmem>> -> memref<24xi32, #tpu.memory_space<vmem>>
      %dma_start3A_479 = arith.constant 0 : i32
      %dma_start3A_480 = arith.constant 0 : i32
      %dma_start3A_481 = tpu.memref_slice %arg18[%dma_start3A_479, %dma_start3A_480] : memref<10112x144xf32, #tpu.memory_space<vmem_shared>> -> memref<10112x144xf32, #tpu.memory_space<vmem_shared>>
      tpu.enqueue_indirect_dma source(%arg16 : memref<24x144xf32, #tpu.memory_space<vmem>>) target(%dma_start3A_481 : memref<10112x144xf32, #tpu.memory_space<vmem_shared>>) offsets(%dma_start3A_478 : memref<24xi32, #tpu.memory_space<vmem>>) semaphore(%arg33 : memref<!tpu.dma_semaphore, #tpu.memory_space<semaphore_mem>>) {add = true}
      %add3A_482 = arith.constant 5 : i32
      %add3A_483 = arith.addi %add3A_231, %add3A_482 : i32
      %dma_wait3A_484 = arith.constant 1 : i32
      %dma_wait3A_485 = arith.constant 0 : i32
      %dma_wait3A_486 = tpu.memref_slice %arg6[%dma_wait3A_484, %dma_wait3A_485] : memref<2x24xi32, #tpu.memory_space<vmem>> -> memref<1x24xi32, #tpu.memory_space<vmem>>
      %dma_wait3A_487 = tpu.memref_squeeze %dma_wait3A_486 : memref<1x24xi32, #tpu.memory_space<vmem>> -> memref<24xi32, #tpu.memory_space<vmem>>
      %dma_wait3A_488 = arith.constant 0 : i32
      %dma_wait3A_489 = arith.constant 0 : i32
      %dma_wait3A_490 = tpu.memref_slice %arg18[%dma_wait3A_488, %dma_wait3A_489] : memref<10112x144xf32, #tpu.memory_space<vmem_shared>> -> memref<10112x144xf32, #tpu.memory_space<vmem_shared>>
      tpu.wait_indirect_dma semaphore(%arg32 : memref<!tpu.dma_semaphore, #tpu.memory_space<semaphore_mem>>) src(%arg15 : memref<24x144xf32, #tpu.memory_space<vmem>>) dst(%dma_wait3A_490 : memref<10112x144xf32, #tpu.memory_space<vmem_shared>>)
      %add3A_491 = arith.constant 2 : i32
      %add3A_492 = arith.addi %add3A_483, %add3A_491 : i32
      %dma_wait3A_493 = arith.constant 0 : i32
      %dma_wait3A_494 = arith.constant 0 : i32
      %dma_wait3A_495 = tpu.memref_slice %arg3[%add3A, %add3A_492, %dma_wait3A_493, %dma_wait3A_494] : memref<32x423x2x24xi32, #tpu.memory_space<hbm>> -> memref<1x1x2x24xi32, #tpu.memory_space<hbm>>
      %dma_wait3A_496 = tpu.memref_squeeze %dma_wait3A_495 : memref<1x1x2x24xi32, #tpu.memory_space<hbm>> -> memref<2x24xi32, #tpu.memory_space<hbm>>
      %dma_wait3A_497 = arith.constant 0 : i32
      %dma_wait3A_498 = arith.constant 0 : i32
      %dma_wait3A_499 = tpu.memref_slice %arg3[%add3A, %add3A_492, %dma_wait3A_497, %dma_wait3A_498] : memref<32x423x2x24xi32, #tpu.memory_space<hbm>> -> memref<1x1x2x24xi32, #tpu.memory_space<hbm>>
      %dma_wait3A_500 = tpu.memref_squeeze %dma_wait3A_499 : memref<1x1x2x24xi32, #tpu.memory_space<hbm>> -> memref<2x24xi32, #tpu.memory_space<hbm>>
      tpu.wait_dma2 semaphore(%arg20 : memref<!tpu.dma_semaphore, #tpu.memory_space<semaphore_mem>>) src(%dma_wait3A_500 : memref<2x24xi32, #tpu.memory_space<hbm>>) dst(%arg7 : memref<2x24xi32, #tpu.memory_space<vmem>>)
      %dma_start3A_501 = arith.constant 0 : i32
      %dma_start3A_502 = arith.constant 0 : i32
      %dma_start3A_503 = tpu.memref_slice %arg7[%dma_start3A_501, %dma_start3A_502] : memref<2x24xi32, #tpu.memory_space<vmem>> -> memref<1x24xi32, #tpu.memory_space<vmem>>
      %dma_start3A_504 = tpu.memref_squeeze %dma_start3A_503 : memref<1x24xi32, #tpu.memory_space<vmem>> -> memref<24xi32, #tpu.memory_space<vmem>>
      %dma_start3A_505 = arith.constant 0 : i32
      %dma_start3A_506 = arith.constant 0 : i32
      %dma_start3A_507 = tpu.memref_slice %arg2[%dma_start3A_505, %dma_start3A_506] : memref<10001x144xf32, #tpu.memory_space<hbm>> -> memref<10001x144xf32, #tpu.memory_space<hbm>>
      tpu.enqueue_indirect_dma source(%dma_start3A_507 : memref<10001x144xf32, #tpu.memory_space<hbm>>) target(%arg15 : memref<24x144xf32, #tpu.memory_space<vmem>>) offsets(%dma_start3A_504 : memref<24xi32, #tpu.memory_space<vmem>>) semaphore(%arg28 : memref<!tpu.dma_semaphore, #tpu.memory_space<semaphore_mem>>)
      %add3A_508 = arith.constant 5 : i32
      %add3A_509 = arith.addi %add3A_483, %add3A_508 : i32
      %dma_start3A_510 = arith.constant 0 : i32
      %dma_start3A_511 = arith.constant 0 : i32
      %dma_start3A_512 = tpu.memref_slice %arg3[%add3A, %add3A_509, %dma_start3A_510, %dma_start3A_511] : memref<32x423x2x24xi32, #tpu.memory_space<hbm>> -> memref<1x1x2x24xi32, #tpu.memory_space<hbm>>
      %dma_start3A_513 = tpu.memref_squeeze %dma_start3A_512 : memref<1x1x2x24xi32, #tpu.memory_space<hbm>> -> memref<2x24xi32, #tpu.memory_space<hbm>>
      %dma_start3A_514 = arith.constant 0 : i32
      %dma_start3A_515 = arith.constant 0 : i32
      %dma_start3A_516 = tpu.memref_slice %arg3[%add3A, %add3A_509, %dma_start3A_514, %dma_start3A_515] : memref<32x423x2x24xi32, #tpu.memory_space<hbm>> -> memref<1x1x2x24xi32, #tpu.memory_space<hbm>>
      %dma_start3A_517 = tpu.memref_squeeze %dma_start3A_516 : memref<1x1x2x24xi32, #tpu.memory_space<hbm>> -> memref<2x24xi32, #tpu.memory_space<hbm>>
      tpu.enqueue_dma source(%dma_start3A_517 : memref<2x24xi32, #tpu.memory_space<hbm>>) target(%arg10 : memref<2x24xi32, #tpu.memory_space<vmem>>) target_semaphore(%arg23 : memref<!tpu.dma_semaphore, #tpu.memory_space<semaphore_mem>>)
      %dma_wait3A_518 = arith.constant 0 : i32
      %dma_wait3A_519 = arith.constant 0 : i32
      %dma_wait3A_520 = tpu.memref_slice %arg6[%dma_wait3A_518, %dma_wait3A_519] : memref<2x24xi32, #tpu.memory_space<vmem>> -> memref<1x24xi32, #tpu.memory_space<vmem>>
      %dma_wait3A_521 = tpu.memref_squeeze %dma_wait3A_520 : memref<1x24xi32, #tpu.memory_space<vmem>> -> memref<24xi32, #tpu.memory_space<vmem>>
      %dma_wait3A_522 = arith.constant 0 : i32
      %dma_wait3A_523 = arith.constant 0 : i32
      %dma_wait3A_524 = tpu.memref_slice %arg2[%dma_wait3A_522, %dma_wait3A_523] : memref<10001x144xf32, #tpu.memory_space<hbm>> -> memref<10001x144xf32, #tpu.memory_space<hbm>>
      tpu.wait_indirect_dma semaphore(%arg30 : memref<!tpu.dma_semaphore, #tpu.memory_space<semaphore_mem>>) src(%dma_wait3A_524 : memref<10001x144xf32, #tpu.memory_space<hbm>>) dst(%arg17 : memref<24x144xf32, #tpu.memory_space<vmem>>)
      %dma_start3A_525 = arith.constant 1 : i32
      %dma_start3A_526 = arith.constant 0 : i32
      %dma_start3A_527 = tpu.memref_slice %arg13[%dma_start3A_525, %dma_start3A_526] : memref<2x24xi32, #tpu.memory_space<vmem>> -> memref<1x24xi32, #tpu.memory_space<vmem>>
      %dma_start3A_528 = tpu.memref_squeeze %dma_start3A_527 : memref<1x24xi32, #tpu.memory_space<vmem>> -> memref<24xi32, #tpu.memory_space<vmem>>
      %dma_start3A_529 = arith.constant 0 : i32
      %dma_start3A_530 = arith.constant 0 : i32
      %dma_start3A_531 = tpu.memref_slice %arg18[%dma_start3A_529, %dma_start3A_530] : memref<10112x144xf32, #tpu.memory_space<vmem_shared>> -> memref<10112x144xf32, #tpu.memory_space<vmem_shared>>
      tpu.enqueue_indirect_dma source(%arg17 : memref<24x144xf32, #tpu.memory_space<vmem>>) target(%dma_start3A_531 : memref<10112x144xf32, #tpu.memory_space<vmem_shared>>) offsets(%dma_start3A_528 : memref<24xi32, #tpu.memory_space<vmem>>) semaphore(%arg34 : memref<!tpu.dma_semaphore, #tpu.memory_space<semaphore_mem>>) {add = true}
      %add3A_532 = arith.constant 6 : i32
      %add3A_533 = arith.addi %add3A_231, %add3A_532 : i32
      %dma_wait3A_534 = arith.constant 1 : i32
      %dma_wait3A_535 = arith.constant 0 : i32
      %dma_wait3A_536 = tpu.memref_slice %arg6[%dma_wait3A_534, %dma_wait3A_535] : memref<2x24xi32, #tpu.memory_space<vmem>> -> memref<1x24xi32, #tpu.memory_space<vmem>>
      %dma_wait3A_537 = tpu.memref_squeeze %dma_wait3A_536 : memref<1x24xi32, #tpu.memory_space<vmem>> -> memref<24xi32, #tpu.memory_space<vmem>>
      %dma_wait3A_538 = arith.constant 0 : i32
      %dma_wait3A_539 = arith.constant 0 : i32
      %dma_wait3A_540 = tpu.memref_slice %arg18[%dma_wait3A_538, %dma_wait3A_539] : memref<10112x144xf32, #tpu.memory_space<vmem_shared>> -> memref<10112x144xf32, #tpu.memory_space<vmem_shared>>
      tpu.wait_indirect_dma semaphore(%arg33 : memref<!tpu.dma_semaphore, #tpu.memory_space<semaphore_mem>>) src(%arg16 : memref<24x144xf32, #tpu.memory_space<vmem>>) dst(%dma_wait3A_540 : memref<10112x144xf32, #tpu.memory_space<vmem_shared>>)
      %add3A_541 = arith.constant 2 : i32
      %add3A_542 = arith.addi %add3A_533, %add3A_541 : i32
      %dma_wait3A_543 = arith.constant 0 : i32
      %dma_wait3A_544 = arith.constant 0 : i32
      %dma_wait3A_545 = tpu.memref_slice %arg3[%add3A, %add3A_542, %dma_wait3A_543, %dma_wait3A_544] : memref<32x423x2x24xi32, #tpu.memory_space<hbm>> -> memref<1x1x2x24xi32, #tpu.memory_space<hbm>>
      %dma_wait3A_546 = tpu.memref_squeeze %dma_wait3A_545 : memref<1x1x2x24xi32, #tpu.memory_space<hbm>> -> memref<2x24xi32, #tpu.memory_space<hbm>>
      %dma_wait3A_547 = arith.constant 0 : i32
      %dma_wait3A_548 = arith.constant 0 : i32
      %dma_wait3A_549 = tpu.memref_slice %arg3[%add3A, %add3A_542, %dma_wait3A_547, %dma_wait3A_548] : memref<32x423x2x24xi32, #tpu.memory_space<hbm>> -> memref<1x1x2x24xi32, #tpu.memory_space<hbm>>
      %dma_wait3A_550 = tpu.memref_squeeze %dma_wait3A_549 : memref<1x1x2x24xi32, #tpu.memory_space<hbm>> -> memref<2x24xi32, #tpu.memory_space<hbm>>
      tpu.wait_dma2 semaphore(%arg21 : memref<!tpu.dma_semaphore, #tpu.memory_space<semaphore_mem>>) src(%dma_wait3A_550 : memref<2x24xi32, #tpu.memory_space<hbm>>) dst(%arg8 : memref<2x24xi32, #tpu.memory_space<vmem>>)
      %dma_start3A_551 = arith.constant 0 : i32
      %dma_start3A_552 = arith.constant 0 : i32
      %dma_start3A_553 = tpu.memref_slice %arg8[%dma_start3A_551, %dma_start3A_552] : memref<2x24xi32, #tpu.memory_space<vmem>> -> memref<1x24xi32, #tpu.memory_space<vmem>>
      %dma_start3A_554 = tpu.memref_squeeze %dma_start3A_553 : memref<1x24xi32, #tpu.memory_space<vmem>> -> memref<24xi32, #tpu.memory_space<vmem>>
      %dma_start3A_555 = arith.constant 0 : i32
      %dma_start3A_556 = arith.constant 0 : i32
      %dma_start3A_557 = tpu.memref_slice %arg2[%dma_start3A_555, %dma_start3A_556] : memref<10001x144xf32, #tpu.memory_space<hbm>> -> memref<10001x144xf32, #tpu.memory_space<hbm>>
      tpu.enqueue_indirect_dma source(%dma_start3A_557 : memref<10001x144xf32, #tpu.memory_space<hbm>>) target(%arg16 : memref<24x144xf32, #tpu.memory_space<vmem>>) offsets(%dma_start3A_554 : memref<24xi32, #tpu.memory_space<vmem>>) semaphore(%arg29 : memref<!tpu.dma_semaphore, #tpu.memory_space<semaphore_mem>>)
      %add3A_558 = arith.constant 5 : i32
      %add3A_559 = arith.addi %add3A_533, %add3A_558 : i32
      %dma_start3A_560 = arith.constant 0 : i32
      %dma_start3A_561 = arith.constant 0 : i32
      %dma_start3A_562 = tpu.memref_slice %arg3[%add3A, %add3A_559, %dma_start3A_560, %dma_start3A_561] : memref<32x423x2x24xi32, #tpu.memory_space<hbm>> -> memref<1x1x2x24xi32, #tpu.memory_space<hbm>>
      %dma_start3A_563 = tpu.memref_squeeze %dma_start3A_562 : memref<1x1x2x24xi32, #tpu.memory_space<hbm>> -> memref<2x24xi32, #tpu.memory_space<hbm>>
      %dma_start3A_564 = arith.constant 0 : i32
      %dma_start3A_565 = arith.constant 0 : i32
      %dma_start3A_566 = tpu.memref_slice %arg3[%add3A, %add3A_559, %dma_start3A_564, %dma_start3A_565] : memref<32x423x2x24xi32, #tpu.memory_space<hbm>> -> memref<1x1x2x24xi32, #tpu.memory_space<hbm>>
      %dma_start3A_567 = tpu.memref_squeeze %dma_start3A_566 : memref<1x1x2x24xi32, #tpu.memory_space<hbm>> -> memref<2x24xi32, #tpu.memory_space<hbm>>
      tpu.enqueue_dma source(%dma_start3A_567 : memref<2x24xi32, #tpu.memory_space<hbm>>) target(%arg11 : memref<2x24xi32, #tpu.memory_space<vmem>>) target_semaphore(%arg24 : memref<!tpu.dma_semaphore, #tpu.memory_space<semaphore_mem>>)
      %dma_wait3A_568 = arith.constant 0 : i32
      %dma_wait3A_569 = arith.constant 0 : i32
      %dma_wait3A_570 = tpu.memref_slice %arg6[%dma_wait3A_568, %dma_wait3A_569] : memref<2x24xi32, #tpu.memory_space<vmem>> -> memref<1x24xi32, #tpu.memory_space<vmem>>
      %dma_wait3A_571 = tpu.memref_squeeze %dma_wait3A_570 : memref<1x24xi32, #tpu.memory_space<vmem>> -> memref<24xi32, #tpu.memory_space<vmem>>
      %dma_wait3A_572 = arith.constant 0 : i32
      %dma_wait3A_573 = arith.constant 0 : i32
      %dma_wait3A_574 = tpu.memref_slice %arg2[%dma_wait3A_572, %dma_wait3A_573] : memref<10001x144xf32, #tpu.memory_space<hbm>> -> memref<10001x144xf32, #tpu.memory_space<hbm>>
      tpu.wait_indirect_dma semaphore(%arg27 : memref<!tpu.dma_semaphore, #tpu.memory_space<semaphore_mem>>) src(%dma_wait3A_574 : memref<10001x144xf32, #tpu.memory_space<hbm>>) dst(%arg14 : memref<24x144xf32, #tpu.memory_space<vmem>>)
      %dma_start3A_575 = arith.constant 1 : i32
      %dma_start3A_576 = arith.constant 0 : i32
      %dma_start3A_577 = tpu.memref_slice %arg6[%dma_start3A_575, %dma_start3A_576] : memref<2x24xi32, #tpu.memory_space<vmem>> -> memref<1x24xi32, #tpu.memory_space<vmem>>
      %dma_start3A_578 = tpu.memref_squeeze %dma_start3A_577 : memref<1x24xi32, #tpu.memory_space<vmem>> -> memref<24xi32, #tpu.memory_space<vmem>>
      %dma_start3A_579 = arith.constant 0 : i32
      %dma_start3A_580 = arith.constant 0 : i32
      %dma_start3A_581 = tpu.memref_slice %arg18[%dma_start3A_579, %dma_start3A_580] : memref<10112x144xf32, #tpu.memory_space<vmem_shared>> -> memref<10112x144xf32, #tpu.memory_space<vmem_shared>>
      tpu.enqueue_indirect_dma source(%arg14 : memref<24x144xf32, #tpu.memory_space<vmem>>) target(%dma_start3A_581 : memref<10112x144xf32, #tpu.memory_space<vmem_shared>>) offsets(%dma_start3A_578 : memref<24xi32, #tpu.memory_space<vmem>>) semaphore(%arg31 : memref<!tpu.dma_semaphore, #tpu.memory_space<semaphore_mem>>) {add = true}
      %add3A_582 = arith.constant 7 : i32
      %add3A_583 = arith.addi %add3A_231, %add3A_582 : i32
      %dma_wait3A_584 = arith.constant 1 : i32
      %dma_wait3A_585 = arith.constant 0 : i32
      %dma_wait3A_586 = tpu.memref_slice %arg6[%dma_wait3A_584, %dma_wait3A_585] : memref<2x24xi32, #tpu.memory_space<vmem>> -> memref<1x24xi32, #tpu.memory_space<vmem>>
      %dma_wait3A_587 = tpu.memref_squeeze %dma_wait3A_586 : memref<1x24xi32, #tpu.memory_space<vmem>> -> memref<24xi32, #tpu.memory_space<vmem>>
      %dma_wait3A_588 = arith.constant 0 : i32
      %dma_wait3A_589 = arith.constant 0 : i32
      %dma_wait3A_590 = tpu.memref_slice %arg18[%dma_wait3A_588, %dma_wait3A_589] : memref<10112x144xf32, #tpu.memory_space<vmem_shared>> -> memref<10112x144xf32, #tpu.memory_space<vmem_shared>>
      tpu.wait_indirect_dma semaphore(%arg34 : memref<!tpu.dma_semaphore, #tpu.memory_space<semaphore_mem>>) src(%arg17 : memref<24x144xf32, #tpu.memory_space<vmem>>) dst(%dma_wait3A_590 : memref<10112x144xf32, #tpu.memory_space<vmem_shared>>)
      %add3A_591 = arith.constant 2 : i32
      %add3A_592 = arith.addi %add3A_583, %add3A_591 : i32
      %dma_wait3A_593 = arith.constant 0 : i32
      %dma_wait3A_594 = arith.constant 0 : i32
      %dma_wait3A_595 = tpu.memref_slice %arg3[%add3A, %add3A_592, %dma_wait3A_593, %dma_wait3A_594] : memref<32x423x2x24xi32, #tpu.memory_space<hbm>> -> memref<1x1x2x24xi32, #tpu.memory_space<hbm>>
      %dma_wait3A_596 = tpu.memref_squeeze %dma_wait3A_595 : memref<1x1x2x24xi32, #tpu.memory_space<hbm>> -> memref<2x24xi32, #tpu.memory_space<hbm>>
      %dma_wait3A_597 = arith.constant 0 : i32
      %dma_wait3A_598 = arith.constant 0 : i32
      %dma_wait3A_599 = tpu.memref_slice %arg3[%add3A, %add3A_592, %dma_wait3A_597, %dma_wait3A_598] : memref<32x423x2x24xi32, #tpu.memory_space<hbm>> -> memref<1x1x2x24xi32, #tpu.memory_space<hbm>>
      %dma_wait3A_600 = tpu.memref_squeeze %dma_wait3A_599 : memref<1x1x2x24xi32, #tpu.memory_space<hbm>> -> memref<2x24xi32, #tpu.memory_space<hbm>>
      tpu.wait_dma2 semaphore(%arg22 : memref<!tpu.dma_semaphore, #tpu.memory_space<semaphore_mem>>) src(%dma_wait3A_600 : memref<2x24xi32, #tpu.memory_space<hbm>>) dst(%arg9 : memref<2x24xi32, #tpu.memory_space<vmem>>)
      %dma_start3A_601 = arith.constant 0 : i32
      %dma_start3A_602 = arith.constant 0 : i32
      %dma_start3A_603 = tpu.memref_slice %arg9[%dma_start3A_601, %dma_start3A_602] : memref<2x24xi32, #tpu.memory_space<vmem>> -> memref<1x24xi32, #tpu.memory_space<vmem>>
      %dma_start3A_604 = tpu.memref_squeeze %dma_start3A_603 : memref<1x24xi32, #tpu.memory_space<vmem>> -> memref<24xi32, #tpu.memory_space<vmem>>
      %dma_start3A_605 = arith.constant 0 : i32
      %dma_start3A_606 = arith.constant 0 : i32
      %dma_start3A_607 = tpu.memref_slice %arg2[%dma_start3A_605, %dma_start3A_606] : memref<10001x144xf32, #tpu.memory_space<hbm>> -> memref<10001x144xf32, #tpu.memory_space<hbm>>
      tpu.enqueue_indirect_dma source(%dma_start3A_607 : memref<10001x144xf32, #tpu.memory_space<hbm>>) target(%arg17 : memref<24x144xf32, #tpu.memory_space<vmem>>) offsets(%dma_start3A_604 : memref<24xi32, #tpu.memory_space<vmem>>) semaphore(%arg30 : memref<!tpu.dma_semaphore, #tpu.memory_space<semaphore_mem>>)
      %add3A_608 = arith.constant 5 : i32
      %add3A_609 = arith.addi %add3A_583, %add3A_608 : i32
      %dma_start3A_610 = arith.constant 0 : i32
      %dma_start3A_611 = arith.constant 0 : i32
      %dma_start3A_612 = tpu.memref_slice %arg3[%add3A, %add3A_609, %dma_start3A_610, %dma_start3A_611] : memref<32x423x2x24xi32, #tpu.memory_space<hbm>> -> memref<1x1x2x24xi32, #tpu.memory_space<hbm>>
      %dma_start3A_613 = tpu.memref_squeeze %dma_start3A_612 : memref<1x1x2x24xi32, #tpu.memory_space<hbm>> -> memref<2x24xi32, #tpu.memory_space<hbm>>
      %dma_start3A_614 = arith.constant 0 : i32
      %dma_start3A_615 = arith.constant 0 : i32
      %dma_start3A_616 = tpu.memref_slice %arg3[%add3A, %add3A_609, %dma_start3A_614, %dma_start3A_615] : memref<32x423x2x24xi32, #tpu.memory_space<hbm>> -> memref<1x1x2x24xi32, #tpu.memory_space<hbm>>
      %dma_start3A_617 = tpu.memref_squeeze %dma_start3A_616 : memref<1x1x2x24xi32, #tpu.memory_space<hbm>> -> memref<2x24xi32, #tpu.memory_space<hbm>>
      tpu.enqueue_dma source(%dma_start3A_617 : memref<2x24xi32, #tpu.memory_space<hbm>>) target(%arg12 : memref<2x24xi32, #tpu.memory_space<vmem>>) target_semaphore(%arg25 : memref<!tpu.dma_semaphore, #tpu.memory_space<semaphore_mem>>)
      %dma_wait3A_618 = arith.constant 0 : i32
      %dma_wait3A_619 = arith.constant 0 : i32
      %dma_wait3A_620 = tpu.memref_slice %arg6[%dma_wait3A_618, %dma_wait3A_619] : memref<2x24xi32, #tpu.memory_space<vmem>> -> memref<1x24xi32, #tpu.memory_space<vmem>>
      %dma_wait3A_621 = tpu.memref_squeeze %dma_wait3A_620 : memref<1x24xi32, #tpu.memory_space<vmem>> -> memref<24xi32, #tpu.memory_space<vmem>>
      %dma_wait3A_622 = arith.constant 0 : i32
      %dma_wait3A_623 = arith.constant 0 : i32
      %dma_wait3A_624 = tpu.memref_slice %arg2[%dma_wait3A_622, %dma_wait3A_623] : memref<10001x144xf32, #tpu.memory_space<hbm>> -> memref<10001x144xf32, #tpu.memory_space<hbm>>
      tpu.wait_indirect_dma semaphore(%arg28 : memref<!tpu.dma_semaphore, #tpu.memory_space<semaphore_mem>>) src(%dma_wait3A_624 : memref<10001x144xf32, #tpu.memory_space<hbm>>) dst(%arg15 : memref<24x144xf32, #tpu.memory_space<vmem>>)
      %dma_start3A_625 = arith.constant 1 : i32
      %dma_start3A_626 = arith.constant 0 : i32
      %dma_start3A_627 = tpu.memref_slice %arg7[%dma_start3A_625, %dma_start3A_626] : memref<2x24xi32, #tpu.memory_space<vmem>> -> memref<1x24xi32, #tpu.memory_space<vmem>>
      %dma_start3A_628 = tpu.memref_squeeze %dma_start3A_627 : memref<1x24xi32, #tpu.memory_space<vmem>> -> memref<24xi32, #tpu.memory_space<vmem>>
      %dma_start3A_629 = arith.constant 0 : i32
      %dma_start3A_630 = arith.constant 0 : i32
      %dma_start3A_631 = tpu.memref_slice %arg18[%dma_start3A_629, %dma_start3A_630] : memref<10112x144xf32, #tpu.memory_space<vmem_shared>> -> memref<10112x144xf32, #tpu.memory_space<vmem_shared>>
      tpu.enqueue_indirect_dma source(%arg15 : memref<24x144xf32, #tpu.memory_space<vmem>>) target(%dma_start3A_631 : memref<10112x144xf32, #tpu.memory_space<vmem_shared>>) offsets(%dma_start3A_628 : memref<24xi32, #tpu.memory_space<vmem>>) semaphore(%arg32 : memref<!tpu.dma_semaphore, #tpu.memory_space<semaphore_mem>>) {add = true}
      %scan3A_632 = arith.constant 0 : i32
      scf.yield %scan3A_632 : i32
    }
    %scan3A_169 = arith.constant 52 : i32
    %dma_wait3A_170 = arith.constant 1 : i32
    %dma_wait3A_171 = arith.constant 0 : i32
    %dma_wait3A_172 = tpu.memref_slice %arg6[%dma_wait3A_170, %dma_wait3A_171] : memref<2x24xi32, #tpu.memory_space<vmem>> -> memref<1x24xi32, #tpu.memory_space<vmem>>
    %dma_wait3A_173 = tpu.memref_squeeze %dma_wait3A_172 : memref<1x24xi32, #tpu.memory_space<vmem>> -> memref<24xi32, #tpu.memory_space<vmem>>
    %dma_wait3A_174 = arith.constant 0 : i32
    %dma_wait3A_175 = arith.constant 0 : i32
    %dma_wait3A_176 = tpu.memref_slice %arg18[%dma_wait3A_174, %dma_wait3A_175] : memref<10112x144xf32, #tpu.memory_space<vmem_shared>> -> memref<10112x144xf32, #tpu.memory_space<vmem_shared>>
    tpu.wait_indirect_dma semaphore(%arg31 : memref<!tpu.dma_semaphore, #tpu.memory_space<semaphore_mem>>) src(%arg14 : memref<24x144xf32, #tpu.memory_space<vmem>>) dst(%dma_wait3A_176 : memref<10112x144xf32, #tpu.memory_space<vmem_shared>>)
    %dma_wait3A_177 = arith.constant 1 : i32
    %dma_wait3A_178 = arith.constant 0 : i32
    %dma_wait3A_179 = tpu.memref_slice %arg6[%dma_wait3A_177, %dma_wait3A_178] : memref<2x24xi32, #tpu.memory_space<vmem>> -> memref<1x24xi32, #tpu.memory_space<vmem>>
    %dma_wait3A_180 = tpu.memref_squeeze %dma_wait3A_179 : memref<1x24xi32, #tpu.memory_space<vmem>> -> memref<24xi32, #tpu.memory_space<vmem>>
    %dma_wait3A_181 = arith.constant 0 : i32
    %dma_wait3A_182 = arith.constant 0 : i32
    %dma_wait3A_183 = tpu.memref_slice %arg18[%dma_wait3A_181, %dma_wait3A_182] : memref<10112x144xf32, #tpu.memory_space<vmem_shared>> -> memref<10112x144xf32, #tpu.memory_space<vmem_shared>>
    tpu.wait_indirect_dma semaphore(%arg32 : memref<!tpu.dma_semaphore, #tpu.memory_space<semaphore_mem>>) src(%arg15 : memref<24x144xf32, #tpu.memory_space<vmem>>) dst(%dma_wait3A_183 : memref<10112x144xf32, #tpu.memory_space<vmem_shared>>)
    %dma_wait3A_184 = arith.constant 0 : i32
    %dma_wait3A_185 = arith.constant 0 : i32
    %dma_wait3A_186 = tpu.memref_slice %arg6[%dma_wait3A_184, %dma_wait3A_185] : memref<2x24xi32, #tpu.memory_space<vmem>> -> memref<1x24xi32, #tpu.memory_space<vmem>>
    %dma_wait3A_187 = tpu.memref_squeeze %dma_wait3A_186 : memref<1x24xi32, #tpu.memory_space<vmem>> -> memref<24xi32, #tpu.memory_space<vmem>>
    %dma_wait3A_188 = arith.constant 0 : i32
    %dma_wait3A_189 = arith.constant 0 : i32
    %dma_wait3A_190 = tpu.memref_slice %arg2[%dma_wait3A_188, %dma_wait3A_189] : memref<10001x144xf32, #tpu.memory_space<hbm>> -> memref<10001x144xf32, #tpu.memory_space<hbm>>
    tpu.wait_indirect_dma semaphore(%arg29 : memref<!tpu.dma_semaphore, #tpu.memory_space<semaphore_mem>>) src(%dma_wait3A_190 : memref<10001x144xf32, #tpu.memory_space<hbm>>) dst(%arg16 : memref<24x144xf32, #tpu.memory_space<vmem>>)
    %dma_wait3A_191 = arith.constant 0 : i32
    %dma_wait3A_192 = arith.constant 0 : i32
    %dma_wait3A_193 = tpu.memref_slice %arg6[%dma_wait3A_191, %dma_wait3A_192] : memref<2x24xi32, #tpu.memory_space<vmem>> -> memref<1x24xi32, #tpu.memory_space<vmem>>
    %dma_wait3A_194 = tpu.memref_squeeze %dma_wait3A_193 : memref<1x24xi32, #tpu.memory_space<vmem>> -> memref<24xi32, #tpu.memory_space<vmem>>
    %dma_wait3A_195 = arith.constant 0 : i32
    %dma_wait3A_196 = arith.constant 0 : i32
    %dma_wait3A_197 = tpu.memref_slice %arg2[%dma_wait3A_195, %dma_wait3A_196] : memref<10001x144xf32, #tpu.memory_space<hbm>> -> memref<10001x144xf32, #tpu.memory_space<hbm>>
    tpu.wait_indirect_dma semaphore(%arg30 : memref<!tpu.dma_semaphore, #tpu.memory_space<semaphore_mem>>) src(%dma_wait3A_197 : memref<10001x144xf32, #tpu.memory_space<hbm>>) dst(%arg17 : memref<24x144xf32, #tpu.memory_space<vmem>>)
    %dma_wait3A_198 = arith.constant 420 : i32
    %dma_wait3A_199 = arith.constant 0 : i32
    %dma_wait3A_200 = arith.constant 0 : i32
    %dma_wait3A_201 = tpu.memref_slice %arg3[%add3A, %dma_wait3A_198, %dma_wait3A_199, %dma_wait3A_200] : memref<32x423x2x24xi32, #tpu.memory_space<hbm>> -> memref<1x1x2x24xi32, #tpu.memory_space<hbm>>
    %dma_wait3A_202 = tpu.memref_squeeze %dma_wait3A_201 : memref<1x1x2x24xi32, #tpu.memory_space<hbm>> -> memref<2x24xi32, #tpu.memory_space<hbm>>
    %dma_wait3A_203 = arith.constant 0 : i32
    %dma_wait3A_204 = arith.constant 0 : i32
    %dma_wait3A_205 = tpu.memref_slice %arg3[%add3A, %dma_wait3A_198, %dma_wait3A_203, %dma_wait3A_204] : memref<32x423x2x24xi32, #tpu.memory_space<hbm>> -> memref<1x1x2x24xi32, #tpu.memory_space<hbm>>
    %dma_wait3A_206 = tpu.memref_squeeze %dma_wait3A_205 : memref<1x1x2x24xi32, #tpu.memory_space<hbm>> -> memref<2x24xi32, #tpu.memory_space<hbm>>
    tpu.wait_dma2 semaphore(%arg23 : memref<!tpu.dma_semaphore, #tpu.memory_space<semaphore_mem>>) src(%dma_wait3A_206 : memref<2x24xi32, #tpu.memory_space<hbm>>) dst(%arg10 : memref<2x24xi32, #tpu.memory_space<vmem>>)
    %dma_wait3A_207 = arith.constant 421 : i32
    %dma_wait3A_208 = arith.constant 0 : i32
    %dma_wait3A_209 = arith.constant 0 : i32
    %dma_wait3A_210 = tpu.memref_slice %arg3[%add3A, %dma_wait3A_207, %dma_wait3A_208, %dma_wait3A_209] : memref<32x423x2x24xi32, #tpu.memory_space<hbm>> -> memref<1x1x2x24xi32, #tpu.memory_space<hbm>>
    %dma_wait3A_211 = tpu.memref_squeeze %dma_wait3A_210 : memref<1x1x2x24xi32, #tpu.memory_space<hbm>> -> memref<2x24xi32, #tpu.memory_space<hbm>>
    %dma_wait3A_212 = arith.constant 0 : i32
    %dma_wait3A_213 = arith.constant 0 : i32
    %dma_wait3A_214 = tpu.memref_slice %arg3[%add3A, %dma_wait3A_207, %dma_wait3A_212, %dma_wait3A_213] : memref<32x423x2x24xi32, #tpu.memory_space<hbm>> -> memref<1x1x2x24xi32, #tpu.memory_space<hbm>>
    %dma_wait3A_215 = tpu.memref_squeeze %dma_wait3A_214 : memref<1x1x2x24xi32, #tpu.memory_space<hbm>> -> memref<2x24xi32, #tpu.memory_space<hbm>>
    tpu.wait_dma2 semaphore(%arg24 : memref<!tpu.dma_semaphore, #tpu.memory_space<semaphore_mem>>) src(%dma_wait3A_215 : memref<2x24xi32, #tpu.memory_space<hbm>>) dst(%arg11 : memref<2x24xi32, #tpu.memory_space<vmem>>)
    %dma_wait3A_216 = arith.constant 422 : i32
    %dma_wait3A_217 = arith.constant 0 : i32
    %dma_wait3A_218 = arith.constant 0 : i32
    %dma_wait3A_219 = tpu.memref_slice %arg3[%add3A, %dma_wait3A_216, %dma_wait3A_217, %dma_wait3A_218] : memref<32x423x2x24xi32, #tpu.memory_space<hbm>> -> memref<1x1x2x24xi32, #tpu.memory_space<hbm>>
    %dma_wait3A_220 = tpu.memref_squeeze %dma_wait3A_219 : memref<1x1x2x24xi32, #tpu.memory_space<hbm>> -> memref<2x24xi32, #tpu.memory_space<hbm>>
    %dma_wait3A_221 = arith.constant 0 : i32
    %dma_wait3A_222 = arith.constant 0 : i32
    %dma_wait3A_223 = tpu.memref_slice %arg3[%add3A, %dma_wait3A_216, %dma_wait3A_221, %dma_wait3A_222] : memref<32x423x2x24xi32, #tpu.memory_space<hbm>> -> memref<1x1x2x24xi32, #tpu.memory_space<hbm>>
    %dma_wait3A_224 = tpu.memref_squeeze %dma_wait3A_223 : memref<1x1x2x24xi32, #tpu.memory_space<hbm>> -> memref<2x24xi32, #tpu.memory_space<hbm>>
    tpu.wait_dma2 semaphore(%arg25 : memref<!tpu.dma_semaphore, #tpu.memory_space<semaphore_mem>>) src(%dma_wait3A_224 : memref<2x24xi32, #tpu.memory_space<hbm>>) dst(%arg12 : memref<2x24xi32, #tpu.memory_space<vmem>>)
    %barrier3A_225 = arith.constant 0 : index
    tpu.barrier barrier_id(%barrier3A_225)
    "tpu.region"() ({
      %run_scoped3A = tpu.sem_alloc : memref<!tpu.dma_semaphore, #tpu.memory_space<semaphore_mem>>
      %dma_start3A_226 = arith.constant 0 : i32
      %dma_start3A_227 = tpu.memref_slice %arg5[%arg0, %mul3A_2, %dma_start3A_226] : memref<2x10112x144xf32, #tpu.memory_space<hbm>> -> memref<1x632x144xf32, #tpu.memory_space<hbm>>
      %dma_start3A_228 = tpu.memref_squeeze %dma_start3A_227 : memref<1x632x144xf32, #tpu.memory_space<hbm>> -> memref<632x144xf32, #tpu.memory_space<hbm>>
      %dma_start3A_229 = arith.constant 0 : i32
      %dma_start3A_230 = tpu.memref_slice %arg18[%mul3A_2, %dma_start3A_229] : memref<10112x144xf32, #tpu.memory_space<vmem_shared>> -> memref<632x144xf32, #tpu.memory_space<vmem_shared>>
      tpu.enqueue_dma source(%dma_start3A_230 : memref<632x144xf32, #tpu.memory_space<vmem_shared>>) target(%dma_start3A_228 : memref<632x144xf32, #tpu.memory_space<hbm>>) target_semaphore(%run_scoped3A : memref<!tpu.dma_semaphore, #tpu.memory_space<semaphore_mem>>)
      %dma_wait3A_231 = arith.constant 0 : i32
      %dma_wait3A_232 = tpu.memref_slice %arg5[%arg0, %mul3A_2, %dma_wait3A_231] : memref<2x10112x144xf32, #tpu.memory_space<hbm>> -> memref<1x632x144xf32, #tpu.memory_space<hbm>>
      %dma_wait3A_233 = tpu.memref_squeeze %dma_wait3A_232 : memref<1x632x144xf32, #tpu.memory_space<hbm>> -> memref<632x144xf32, #tpu.memory_space<hbm>>
      %dma_wait3A_234 = arith.constant 0 : i32
      %dma_wait3A_235 = tpu.memref_slice %arg18[%mul3A_2, %dma_wait3A_234] : memref<10112x144xf32, #tpu.memory_space<vmem_shared>> -> memref<632x144xf32, #tpu.memory_space<vmem_shared>>
      tpu.wait_dma2 semaphore(%run_scoped3A : memref<!tpu.dma_semaphore, #tpu.memory_space<semaphore_mem>>) src(%dma_wait3A_235 : memref<632x144xf32, #tpu.memory_space<vmem_shared>>) dst(%dma_wait3A_233 : memref<632x144xf32, #tpu.memory_space<hbm>>)
      tpu.yield
    }) : () -> ()
    return
  }
}

#map = affine_map<(d0, d1) -> (0, 0)>
#map1 = affine_map<(d0, d1) -> (0, 0, 0, 0)>
#map2 = affine_map<(d0, d1) -> (0, 0, 0)>
module attributes {stable_mosaic.version = 14 : i64} {
  func.func @agg(%arg0: i32, %arg1: i32, %arg2: memref<10001x128xf32, #tpu.memory_space<hbm>>, %arg3: memref<32x423x2x24xi32, #tpu.memory_space<hbm>>, %arg4: memref<10112x128xf32, #tpu.memory_space<hbm>>, %arg5: memref<2x10112x128xf32, #tpu.memory_space<hbm>>, %arg6: memref<2x24xi32, #tpu.memory_space<vmem>>, %arg7: memref<2x24xi32, #tpu.memory_space<vmem>>, %arg8: memref<2x24xi32, #tpu.memory_space<vmem>>, %arg9: memref<2x24xi32, #tpu.memory_space<vmem>>, %arg10: memref<2x24xi32, #tpu.memory_space<vmem>>, %arg11: memref<2x24xi32, #tpu.memory_space<vmem>>, %arg12: memref<2x24xi32, #tpu.memory_space<vmem>>, %arg13: memref<2x24xi32, #tpu.memory_space<vmem>>, %arg14: memref<24x128xf32, #tpu.memory_space<vmem>>, %arg15: memref<24x128xf32, #tpu.memory_space<vmem>>, %arg16: memref<24x128xf32, #tpu.memory_space<vmem>>, %arg17: memref<24x128xf32, #tpu.memory_space<vmem>>, %arg18: memref<10112x128xf32, #tpu.memory_space<vmem_shared>>, %arg19: memref<!tpu.dma_semaphore, #tpu.memory_space<semaphore_mem>>, %arg20: memref<!tpu.dma_semaphore, #tpu.memory_space<semaphore_mem>>, %arg21: memref<!tpu.dma_semaphore, #tpu.memory_space<semaphore_mem>>, %arg22: memref<!tpu.dma_semaphore, #tpu.memory_space<semaphore_mem>>, %arg23: memref<!tpu.dma_semaphore, #tpu.memory_space<semaphore_mem>>, %arg24: memref<!tpu.dma_semaphore, #tpu.memory_space<semaphore_mem>>, %arg25: memref<!tpu.dma_semaphore, #tpu.memory_space<semaphore_mem>>, %arg26: memref<!tpu.dma_semaphore, #tpu.memory_space<semaphore_mem>>, %arg27: memref<!tpu.dma_semaphore, #tpu.memory_space<semaphore_mem>>, %arg28: memref<!tpu.dma_semaphore, #tpu.memory_space<semaphore_mem>>, %arg29: memref<!tpu.dma_semaphore, #tpu.memory_space<semaphore_mem>>, %arg30: memref<!tpu.dma_semaphore, #tpu.memory_space<semaphore_mem>>, %arg31: memref<!tpu.dma_semaphore, #tpu.memory_space<semaphore_mem>>, %arg32: memref<!tpu.dma_semaphore, #tpu.memory_space<semaphore_mem>>, %arg33: memref<!tpu.dma_semaphore, #tpu.memory_space<semaphore_mem>>, %arg34: memref<!tpu.dma_semaphore, #tpu.memory_space<semaphore_mem>>, %arg35: memref<!tpu.dma_semaphore, #tpu.memory_space<semaphore_mem>>) attributes {dimension_semantics = [#tpu.dimension_semantics<core_parallel>, #tpu.dimension_semantics<subcore_parallel>], iteration_bounds = array<i64: 2, 16>, scalar_prefetch = 0 : i64, scratch_operands = 30 : i64, tpu.core_type = #tpu.core_type<sc_vector_subcore>, window_params = [{transform_indices = #map}, {transform_indices = #map1}, {transform_indices = #map}, {transform_indices = #map2}]} {
    %mul3A = arith.constant 16 : i32
    %mul3A_0 = arith.muli %arg0, %mul3A : i32
    %add3A = arith.addi %mul3A_0, %arg1 : i32
    %mul3A_1 = arith.constant 632 : i32
    %mul3A_2 = arith.muli %arg1, %mul3A_1 : i32
    %dma_start3A = arith.constant 0 : i32
    %dma_start3A_3 = tpu.memref_slice %arg18[%mul3A_2, %dma_start3A] : memref<10112x128xf32, #tpu.memory_space<vmem_shared>> -> memref<632x128xf32, #tpu.memory_space<vmem_shared>>
    %dma_start3A_4 = arith.constant 0 : i32
    %dma_start3A_5 = tpu.memref_slice %arg4[%mul3A_2, %dma_start3A_4] : memref<10112x128xf32, #tpu.memory_space<hbm>> -> memref<632x128xf32, #tpu.memory_space<hbm>>
    tpu.enqueue_dma source(%dma_start3A_5 : memref<632x128xf32, #tpu.memory_space<hbm>>) target(%dma_start3A_3 : memref<632x128xf32, #tpu.memory_space<vmem_shared>>) target_semaphore(%arg35 : memref<!tpu.dma_semaphore, #tpu.memory_space<semaphore_mem>>)
    %dma_start3A_6 = arith.constant 0 : i32
    %dma_start3A_7 = arith.constant 0 : i32
    %dma_start3A_8 = arith.constant 0 : i32
    %dma_start3A_9 = tpu.memref_slice %arg3[%add3A, %dma_start3A_6, %dma_start3A_7, %dma_start3A_8] : memref<32x423x2x24xi32, #tpu.memory_space<hbm>> -> memref<1x1x2x24xi32, #tpu.memory_space<hbm>>
    %dma_start3A_10 = tpu.memref_squeeze %dma_start3A_9 : memref<1x1x2x24xi32, #tpu.memory_space<hbm>> -> memref<2x24xi32, #tpu.memory_space<hbm>>
    %dma_start3A_11 = arith.constant 0 : i32
    %dma_start3A_12 = arith.constant 0 : i32
    %dma_start3A_13 = tpu.memref_slice %arg3[%add3A, %dma_start3A_6, %dma_start3A_11, %dma_start3A_12] : memref<32x423x2x24xi32, #tpu.memory_space<hbm>> -> memref<1x1x2x24xi32, #tpu.memory_space<hbm>>
    %dma_start3A_14 = tpu.memref_squeeze %dma_start3A_13 : memref<1x1x2x24xi32, #tpu.memory_space<hbm>> -> memref<2x24xi32, #tpu.memory_space<hbm>>
    tpu.enqueue_dma source(%dma_start3A_14 : memref<2x24xi32, #tpu.memory_space<hbm>>) target(%arg6 : memref<2x24xi32, #tpu.memory_space<vmem>>) target_semaphore(%arg19 : memref<!tpu.dma_semaphore, #tpu.memory_space<semaphore_mem>>)
    %dma_start3A_15 = arith.constant 1 : i32
    %dma_start3A_16 = arith.constant 0 : i32
    %dma_start3A_17 = arith.constant 0 : i32
    %dma_start3A_18 = tpu.memref_slice %arg3[%add3A, %dma_start3A_15, %dma_start3A_16, %dma_start3A_17] : memref<32x423x2x24xi32, #tpu.memory_space<hbm>> -> memref<1x1x2x24xi32, #tpu.memory_space<hbm>>
    %dma_start3A_19 = tpu.memref_squeeze %dma_start3A_18 : memref<1x1x2x24xi32, #tpu.memory_space<hbm>> -> memref<2x24xi32, #tpu.memory_space<hbm>>
    %dma_start3A_20 = arith.constant 0 : i32
    %dma_start3A_21 = arith.constant 0 : i32
    %dma_start3A_22 = tpu.memref_slice %arg3[%add3A, %dma_start3A_15, %dma_start3A_20, %dma_start3A_21] : memref<32x423x2x24xi32, #tpu.memory_space<hbm>> -> memref<1x1x2x24xi32, #tpu.memory_space<hbm>>
    %dma_start3A_23 = tpu.memref_squeeze %dma_start3A_22 : memref<1x1x2x24xi32, #tpu.memory_space<hbm>> -> memref<2x24xi32, #tpu.memory_space<hbm>>
    tpu.enqueue_dma source(%dma_start3A_23 : memref<2x24xi32, #tpu.memory_space<hbm>>) target(%arg7 : memref<2x24xi32, #tpu.memory_space<vmem>>) target_semaphore(%arg20 : memref<!tpu.dma_semaphore, #tpu.memory_space<semaphore_mem>>)
    %dma_start3A_24 = arith.constant 2 : i32
    %dma_start3A_25 = arith.constant 0 : i32
    %dma_start3A_26 = arith.constant 0 : i32
    %dma_start3A_27 = tpu.memref_slice %arg3[%add3A, %dma_start3A_24, %dma_start3A_25, %dma_start3A_26] : memref<32x423x2x24xi32, #tpu.memory_space<hbm>> -> memref<1x1x2x24xi32, #tpu.memory_space<hbm>>
    %dma_start3A_28 = tpu.memref_squeeze %dma_start3A_27 : memref<1x1x2x24xi32, #tpu.memory_space<hbm>> -> memref<2x24xi32, #tpu.memory_space<hbm>>
    %dma_start3A_29 = arith.constant 0 : i32
    %dma_start3A_30 = arith.constant 0 : i32
    %dma_start3A_31 = tpu.memref_slice %arg3[%add3A, %dma_start3A_24, %dma_start3A_29, %dma_start3A_30] : memref<32x423x2x24xi32, #tpu.memory_space<hbm>> -> memref<1x1x2x24xi32, #tpu.memory_space<hbm>>
    %dma_start3A_32 = tpu.memref_squeeze %dma_start3A_31 : memref<1x1x2x24xi32, #tpu.memory_space<hbm>> -> memref<2x24xi32, #tpu.memory_space<hbm>>
    tpu.enqueue_dma source(%dma_start3A_32 : memref<2x24xi32, #tpu.memory_space<hbm>>) target(%arg8 : memref<2x24xi32, #tpu.memory_space<vmem>>) target_semaphore(%arg21 : memref<!tpu.dma_semaphore, #tpu.memory_space<semaphore_mem>>)
    %dma_start3A_33 = arith.constant 3 : i32
    %dma_start3A_34 = arith.constant 0 : i32
    %dma_start3A_35 = arith.constant 0 : i32
    %dma_start3A_36 = tpu.memref_slice %arg3[%add3A, %dma_start3A_33, %dma_start3A_34, %dma_start3A_35] : memref<32x423x2x24xi32, #tpu.memory_space<hbm>> -> memref<1x1x2x24xi32, #tpu.memory_space<hbm>>
    %dma_start3A_37 = tpu.memref_squeeze %dma_start3A_36 : memref<1x1x2x24xi32, #tpu.memory_space<hbm>> -> memref<2x24xi32, #tpu.memory_space<hbm>>
    %dma_start3A_38 = arith.constant 0 : i32
    %dma_start3A_39 = arith.constant 0 : i32
    %dma_start3A_40 = tpu.memref_slice %arg3[%add3A, %dma_start3A_33, %dma_start3A_38, %dma_start3A_39] : memref<32x423x2x24xi32, #tpu.memory_space<hbm>> -> memref<1x1x2x24xi32, #tpu.memory_space<hbm>>
    %dma_start3A_41 = tpu.memref_squeeze %dma_start3A_40 : memref<1x1x2x24xi32, #tpu.memory_space<hbm>> -> memref<2x24xi32, #tpu.memory_space<hbm>>
    tpu.enqueue_dma source(%dma_start3A_41 : memref<2x24xi32, #tpu.memory_space<hbm>>) target(%arg9 : memref<2x24xi32, #tpu.memory_space<vmem>>) target_semaphore(%arg22 : memref<!tpu.dma_semaphore, #tpu.memory_space<semaphore_mem>>)
    %dma_start3A_42 = arith.constant 4 : i32
    %dma_start3A_43 = arith.constant 0 : i32
    %dma_start3A_44 = arith.constant 0 : i32
    %dma_start3A_45 = tpu.memref_slice %arg3[%add3A, %dma_start3A_42, %dma_start3A_43, %dma_start3A_44] : memref<32x423x2x24xi32, #tpu.memory_space<hbm>> -> memref<1x1x2x24xi32, #tpu.memory_space<hbm>>
    %dma_start3A_46 = tpu.memref_squeeze %dma_start3A_45 : memref<1x1x2x24xi32, #tpu.memory_space<hbm>> -> memref<2x24xi32, #tpu.memory_space<hbm>>
    %dma_start3A_47 = arith.constant 0 : i32
    %dma_start3A_48 = arith.constant 0 : i32
    %dma_start3A_49 = tpu.memref_slice %arg3[%add3A, %dma_start3A_42, %dma_start3A_47, %dma_start3A_48] : memref<32x423x2x24xi32, #tpu.memory_space<hbm>> -> memref<1x1x2x24xi32, #tpu.memory_space<hbm>>
    %dma_start3A_50 = tpu.memref_squeeze %dma_start3A_49 : memref<1x1x2x24xi32, #tpu.memory_space<hbm>> -> memref<2x24xi32, #tpu.memory_space<hbm>>
    tpu.enqueue_dma source(%dma_start3A_50 : memref<2x24xi32, #tpu.memory_space<hbm>>) target(%arg10 : memref<2x24xi32, #tpu.memory_space<vmem>>) target_semaphore(%arg23 : memref<!tpu.dma_semaphore, #tpu.memory_space<semaphore_mem>>)
    %dma_wait3A = arith.constant 0 : i32
    %dma_wait3A_51 = arith.constant 0 : i32
    %dma_wait3A_52 = arith.constant 0 : i32
    %dma_wait3A_53 = tpu.memref_slice %arg3[%add3A, %dma_wait3A, %dma_wait3A_51, %dma_wait3A_52] : memref<32x423x2x24xi32, #tpu.memory_space<hbm>> -> memref<1x1x2x24xi32, #tpu.memory_space<hbm>>
    %dma_wait3A_54 = tpu.memref_squeeze %dma_wait3A_53 : memref<1x1x2x24xi32, #tpu.memory_space<hbm>> -> memref<2x24xi32, #tpu.memory_space<hbm>>
    %dma_wait3A_55 = arith.constant 0 : i32
    %dma_wait3A_56 = arith.constant 0 : i32
    %dma_wait3A_57 = tpu.memref_slice %arg3[%add3A, %dma_wait3A, %dma_wait3A_55, %dma_wait3A_56] : memref<32x423x2x24xi32, #tpu.memory_space<hbm>> -> memref<1x1x2x24xi32, #tpu.memory_space<hbm>>
    %dma_wait3A_58 = tpu.memref_squeeze %dma_wait3A_57 : memref<1x1x2x24xi32, #tpu.memory_space<hbm>> -> memref<2x24xi32, #tpu.memory_space<hbm>>
    tpu.wait_dma2 semaphore(%arg19 : memref<!tpu.dma_semaphore, #tpu.memory_space<semaphore_mem>>) src(%dma_wait3A_58 : memref<2x24xi32, #tpu.memory_space<hbm>>) dst(%arg6 : memref<2x24xi32, #tpu.memory_space<vmem>>)
    %dma_start3A_59 = arith.constant 0 : i32
    %dma_start3A_60 = arith.constant 0 : i32
    %dma_start3A_61 = tpu.memref_slice %arg6[%dma_start3A_59, %dma_start3A_60] : memref<2x24xi32, #tpu.memory_space<vmem>> -> memref<1x24xi32, #tpu.memory_space<vmem>>
    %dma_start3A_62 = tpu.memref_squeeze %dma_start3A_61 : memref<1x24xi32, #tpu.memory_space<vmem>> -> memref<24xi32, #tpu.memory_space<vmem>>
    %dma_start3A_63 = arith.constant 0 : i32
    %dma_start3A_64 = arith.constant 0 : i32
    %dma_start3A_65 = tpu.memref_slice %arg2[%dma_start3A_63, %dma_start3A_64] : memref<10001x128xf32, #tpu.memory_space<hbm>> -> memref<10001x128xf32, #tpu.memory_space<hbm>>
    tpu.enqueue_indirect_dma source(%dma_start3A_65 : memref<10001x128xf32, #tpu.memory_space<hbm>>) target(%arg14 : memref<24x128xf32, #tpu.memory_space<vmem>>) offsets(%dma_start3A_62 : memref<24xi32, #tpu.memory_space<vmem>>) semaphore(%arg27 : memref<!tpu.dma_semaphore, #tpu.memory_space<semaphore_mem>>)
    %dma_wait3A_66 = arith.constant 1 : i32
    %dma_wait3A_67 = arith.constant 0 : i32
    %dma_wait3A_68 = arith.constant 0 : i32
    %dma_wait3A_69 = tpu.memref_slice %arg3[%add3A, %dma_wait3A_66, %dma_wait3A_67, %dma_wait3A_68] : memref<32x423x2x24xi32, #tpu.memory_space<hbm>> -> memref<1x1x2x24xi32, #tpu.memory_space<hbm>>
    %dma_wait3A_70 = tpu.memref_squeeze %dma_wait3A_69 : memref<1x1x2x24xi32, #tpu.memory_space<hbm>> -> memref<2x24xi32, #tpu.memory_space<hbm>>
    %dma_wait3A_71 = arith.constant 0 : i32
    %dma_wait3A_72 = arith.constant 0 : i32
    %dma_wait3A_73 = tpu.memref_slice %arg3[%add3A, %dma_wait3A_66, %dma_wait3A_71, %dma_wait3A_72] : memref<32x423x2x24xi32, #tpu.memory_space<hbm>> -> memref<1x1x2x24xi32, #tpu.memory_space<hbm>>
    %dma_wait3A_74 = tpu.memref_squeeze %dma_wait3A_73 : memref<1x1x2x24xi32, #tpu.memory_space<hbm>> -> memref<2x24xi32, #tpu.memory_space<hbm>>
    tpu.wait_dma2 semaphore(%arg20 : memref<!tpu.dma_semaphore, #tpu.memory_space<semaphore_mem>>) src(%dma_wait3A_74 : memref<2x24xi32, #tpu.memory_space<hbm>>) dst(%arg7 : memref<2x24xi32, #tpu.memory_space<vmem>>)
    %dma_start3A_75 = arith.constant 0 : i32
    %dma_start3A_76 = arith.constant 0 : i32
    %dma_start3A_77 = tpu.memref_slice %arg7[%dma_start3A_75, %dma_start3A_76] : memref<2x24xi32, #tpu.memory_space<vmem>> -> memref<1x24xi32, #tpu.memory_space<vmem>>
    %dma_start3A_78 = tpu.memref_squeeze %dma_start3A_77 : memref<1x24xi32, #tpu.memory_space<vmem>> -> memref<24xi32, #tpu.memory_space<vmem>>
    %dma_start3A_79 = arith.constant 0 : i32
    %dma_start3A_80 = arith.constant 0 : i32
    %dma_start3A_81 = tpu.memref_slice %arg2[%dma_start3A_79, %dma_start3A_80] : memref<10001x128xf32, #tpu.memory_space<hbm>> -> memref<10001x128xf32, #tpu.memory_space<hbm>>
    tpu.enqueue_indirect_dma source(%dma_start3A_81 : memref<10001x128xf32, #tpu.memory_space<hbm>>) target(%arg15 : memref<24x128xf32, #tpu.memory_space<vmem>>) offsets(%dma_start3A_78 : memref<24xi32, #tpu.memory_space<vmem>>) semaphore(%arg28 : memref<!tpu.dma_semaphore, #tpu.memory_space<semaphore_mem>>)
    %dma_wait3A_82 = arith.constant 0 : i32
    %dma_wait3A_83 = tpu.memref_slice %arg18[%mul3A_2, %dma_wait3A_82] : memref<10112x128xf32, #tpu.memory_space<vmem_shared>> -> memref<632x128xf32, #tpu.memory_space<vmem_shared>>
    %dma_wait3A_84 = arith.constant 0 : i32
    %dma_wait3A_85 = tpu.memref_slice %arg4[%mul3A_2, %dma_wait3A_84] : memref<10112x128xf32, #tpu.memory_space<hbm>> -> memref<632x128xf32, #tpu.memory_space<hbm>>
    tpu.wait_dma2 semaphore(%arg35 : memref<!tpu.dma_semaphore, #tpu.memory_space<semaphore_mem>>) src(%dma_wait3A_85 : memref<632x128xf32, #tpu.memory_space<hbm>>) dst(%dma_wait3A_83 : memref<632x128xf32, #tpu.memory_space<vmem_shared>>)
    %barrier3A = arith.constant 0 : index
    tpu.barrier barrier_id(%barrier3A)
    %dma_wait3A_86 = arith.constant 2 : i32
    %dma_wait3A_87 = arith.constant 0 : i32
    %dma_wait3A_88 = arith.constant 0 : i32
    %dma_wait3A_89 = tpu.memref_slice %arg3[%add3A, %dma_wait3A_86, %dma_wait3A_87, %dma_wait3A_88] : memref<32x423x2x24xi32, #tpu.memory_space<hbm>> -> memref<1x1x2x24xi32, #tpu.memory_space<hbm>>
    %dma_wait3A_90 = tpu.memref_squeeze %dma_wait3A_89 : memref<1x1x2x24xi32, #tpu.memory_space<hbm>> -> memref<2x24xi32, #tpu.memory_space<hbm>>
    %dma_wait3A_91 = arith.constant 0 : i32
    %dma_wait3A_92 = arith.constant 0 : i32
    %dma_wait3A_93 = tpu.memref_slice %arg3[%add3A, %dma_wait3A_86, %dma_wait3A_91, %dma_wait3A_92] : memref<32x423x2x24xi32, #tpu.memory_space<hbm>> -> memref<1x1x2x24xi32, #tpu.memory_space<hbm>>
    %dma_wait3A_94 = tpu.memref_squeeze %dma_wait3A_93 : memref<1x1x2x24xi32, #tpu.memory_space<hbm>> -> memref<2x24xi32, #tpu.memory_space<hbm>>
    tpu.wait_dma2 semaphore(%arg21 : memref<!tpu.dma_semaphore, #tpu.memory_space<semaphore_mem>>) src(%dma_wait3A_94 : memref<2x24xi32, #tpu.memory_space<hbm>>) dst(%arg8 : memref<2x24xi32, #tpu.memory_space<vmem>>)
    %dma_start3A_95 = arith.constant 0 : i32
    %dma_start3A_96 = arith.constant 0 : i32
    %dma_start3A_97 = tpu.memref_slice %arg8[%dma_start3A_95, %dma_start3A_96] : memref<2x24xi32, #tpu.memory_space<vmem>> -> memref<1x24xi32, #tpu.memory_space<vmem>>
    %dma_start3A_98 = tpu.memref_squeeze %dma_start3A_97 : memref<1x24xi32, #tpu.memory_space<vmem>> -> memref<24xi32, #tpu.memory_space<vmem>>
    %dma_start3A_99 = arith.constant 0 : i32
    %dma_start3A_100 = arith.constant 0 : i32
    %dma_start3A_101 = tpu.memref_slice %arg2[%dma_start3A_99, %dma_start3A_100] : memref<10001x128xf32, #tpu.memory_space<hbm>> -> memref<10001x128xf32, #tpu.memory_space<hbm>>
    tpu.enqueue_indirect_dma source(%dma_start3A_101 : memref<10001x128xf32, #tpu.memory_space<hbm>>) target(%arg16 : memref<24x128xf32, #tpu.memory_space<vmem>>) offsets(%dma_start3A_98 : memref<24xi32, #tpu.memory_space<vmem>>) semaphore(%arg29 : memref<!tpu.dma_semaphore, #tpu.memory_space<semaphore_mem>>)
    %dma_start3A_102 = arith.constant 5 : i32
    %dma_start3A_103 = arith.constant 0 : i32
    %dma_start3A_104 = arith.constant 0 : i32
    %dma_start3A_105 = tpu.memref_slice %arg3[%add3A, %dma_start3A_102, %dma_start3A_103, %dma_start3A_104] : memref<32x423x2x24xi32, #tpu.memory_space<hbm>> -> memref<1x1x2x24xi32, #tpu.memory_space<hbm>>
    %dma_start3A_106 = tpu.memref_squeeze %dma_start3A_105 : memref<1x1x2x24xi32, #tpu.memory_space<hbm>> -> memref<2x24xi32, #tpu.memory_space<hbm>>
    %dma_start3A_107 = arith.constant 0 : i32
    %dma_start3A_108 = arith.constant 0 : i32
    %dma_start3A_109 = tpu.memref_slice %arg3[%add3A, %dma_start3A_102, %dma_start3A_107, %dma_start3A_108] : memref<32x423x2x24xi32, #tpu.memory_space<hbm>> -> memref<1x1x2x24xi32, #tpu.memory_space<hbm>>
    %dma_start3A_110 = tpu.memref_squeeze %dma_start3A_109 : memref<1x1x2x24xi32, #tpu.memory_space<hbm>> -> memref<2x24xi32, #tpu.memory_space<hbm>>
    tpu.enqueue_dma source(%dma_start3A_110 : memref<2x24xi32, #tpu.memory_space<hbm>>) target(%arg11 : memref<2x24xi32, #tpu.memory_space<vmem>>) target_semaphore(%arg24 : memref<!tpu.dma_semaphore, #tpu.memory_space<semaphore_mem>>)
    %dma_wait3A_111 = arith.constant 0 : i32
    %dma_wait3A_112 = arith.constant 0 : i32
    %dma_wait3A_113 = tpu.memref_slice %arg6[%dma_wait3A_111, %dma_wait3A_112] : memref<2x24xi32, #tpu.memory_space<vmem>> -> memref<1x24xi32, #tpu.memory_space<vmem>>
    %dma_wait3A_114 = tpu.memref_squeeze %dma_wait3A_113 : memref<1x24xi32, #tpu.memory_space<vmem>> -> memref<24xi32, #tpu.memory_space<vmem>>
    %dma_wait3A_115 = arith.constant 0 : i32
    %dma_wait3A_116 = arith.constant 0 : i32
    %dma_wait3A_117 = tpu.memref_slice %arg2[%dma_wait3A_115, %dma_wait3A_116] : memref<10001x128xf32, #tpu.memory_space<hbm>> -> memref<10001x128xf32, #tpu.memory_space<hbm>>
    tpu.wait_indirect_dma semaphore(%arg27 : memref<!tpu.dma_semaphore, #tpu.memory_space<semaphore_mem>>) src(%dma_wait3A_117 : memref<10001x128xf32, #tpu.memory_space<hbm>>) dst(%arg14 : memref<24x128xf32, #tpu.memory_space<vmem>>)
    %dma_start3A_118 = arith.constant 1 : i32
    %dma_start3A_119 = arith.constant 0 : i32
    %dma_start3A_120 = tpu.memref_slice %arg6[%dma_start3A_118, %dma_start3A_119] : memref<2x24xi32, #tpu.memory_space<vmem>> -> memref<1x24xi32, #tpu.memory_space<vmem>>
    %dma_start3A_121 = tpu.memref_squeeze %dma_start3A_120 : memref<1x24xi32, #tpu.memory_space<vmem>> -> memref<24xi32, #tpu.memory_space<vmem>>
    %dma_start3A_122 = arith.constant 0 : i32
    %dma_start3A_123 = arith.constant 0 : i32
    %dma_start3A_124 = tpu.memref_slice %arg18[%dma_start3A_122, %dma_start3A_123] : memref<10112x128xf32, #tpu.memory_space<vmem_shared>> -> memref<10112x128xf32, #tpu.memory_space<vmem_shared>>
    tpu.enqueue_indirect_dma source(%arg14 : memref<24x128xf32, #tpu.memory_space<vmem>>) target(%dma_start3A_124 : memref<10112x128xf32, #tpu.memory_space<vmem_shared>>) offsets(%dma_start3A_121 : memref<24xi32, #tpu.memory_space<vmem>>) semaphore(%arg31 : memref<!tpu.dma_semaphore, #tpu.memory_space<semaphore_mem>>) {add = true}
    %dma_wait3A_125 = arith.constant 3 : i32
    %dma_wait3A_126 = arith.constant 0 : i32
    %dma_wait3A_127 = arith.constant 0 : i32
    %dma_wait3A_128 = tpu.memref_slice %arg3[%add3A, %dma_wait3A_125, %dma_wait3A_126, %dma_wait3A_127] : memref<32x423x2x24xi32, #tpu.memory_space<hbm>> -> memref<1x1x2x24xi32, #tpu.memory_space<hbm>>
    %dma_wait3A_129 = tpu.memref_squeeze %dma_wait3A_128 : memref<1x1x2x24xi32, #tpu.memory_space<hbm>> -> memref<2x24xi32, #tpu.memory_space<hbm>>
    %dma_wait3A_130 = arith.constant 0 : i32
    %dma_wait3A_131 = arith.constant 0 : i32
    %dma_wait3A_132 = tpu.memref_slice %arg3[%add3A, %dma_wait3A_125, %dma_wait3A_130, %dma_wait3A_131] : memref<32x423x2x24xi32, #tpu.memory_space<hbm>> -> memref<1x1x2x24xi32, #tpu.memory_space<hbm>>
    %dma_wait3A_133 = tpu.memref_squeeze %dma_wait3A_132 : memref<1x1x2x24xi32, #tpu.memory_space<hbm>> -> memref<2x24xi32, #tpu.memory_space<hbm>>
    tpu.wait_dma2 semaphore(%arg22 : memref<!tpu.dma_semaphore, #tpu.memory_space<semaphore_mem>>) src(%dma_wait3A_133 : memref<2x24xi32, #tpu.memory_space<hbm>>) dst(%arg9 : memref<2x24xi32, #tpu.memory_space<vmem>>)
    %dma_start3A_134 = arith.constant 0 : i32
    %dma_start3A_135 = arith.constant 0 : i32
    %dma_start3A_136 = tpu.memref_slice %arg9[%dma_start3A_134, %dma_start3A_135] : memref<2x24xi32, #tpu.memory_space<vmem>> -> memref<1x24xi32, #tpu.memory_space<vmem>>
    %dma_start3A_137 = tpu.memref_squeeze %dma_start3A_136 : memref<1x24xi32, #tpu.memory_space<vmem>> -> memref<24xi32, #tpu.memory_space<vmem>>
    %dma_start3A_138 = arith.constant 0 : i32
    %dma_start3A_139 = arith.constant 0 : i32
    %dma_start3A_140 = tpu.memref_slice %arg2[%dma_start3A_138, %dma_start3A_139] : memref<10001x128xf32, #tpu.memory_space<hbm>> -> memref<10001x128xf32, #tpu.memory_space<hbm>>
    tpu.enqueue_indirect_dma source(%dma_start3A_140 : memref<10001x128xf32, #tpu.memory_space<hbm>>) target(%arg17 : memref<24x128xf32, #tpu.memory_space<vmem>>) offsets(%dma_start3A_137 : memref<24xi32, #tpu.memory_space<vmem>>) semaphore(%arg30 : memref<!tpu.dma_semaphore, #tpu.memory_space<semaphore_mem>>)
    %dma_start3A_141 = arith.constant 6 : i32
    %dma_start3A_142 = arith.constant 0 : i32
    %dma_start3A_143 = arith.constant 0 : i32
    %dma_start3A_144 = tpu.memref_slice %arg3[%add3A, %dma_start3A_141, %dma_start3A_142, %dma_start3A_143] : memref<32x423x2x24xi32, #tpu.memory_space<hbm>> -> memref<1x1x2x24xi32, #tpu.memory_space<hbm>>
    %dma_start3A_145 = tpu.memref_squeeze %dma_start3A_144 : memref<1x1x2x24xi32, #tpu.memory_space<hbm>> -> memref<2x24xi32, #tpu.memory_space<hbm>>
    %dma_start3A_146 = arith.constant 0 : i32
    %dma_start3A_147 = arith.constant 0 : i32
    %dma_start3A_148 = tpu.memref_slice %arg3[%add3A, %dma_start3A_141, %dma_start3A_146, %dma_start3A_147] : memref<32x423x2x24xi32, #tpu.memory_space<hbm>> -> memref<1x1x2x24xi32, #tpu.memory_space<hbm>>
    %dma_start3A_149 = tpu.memref_squeeze %dma_start3A_148 : memref<1x1x2x24xi32, #tpu.memory_space<hbm>> -> memref<2x24xi32, #tpu.memory_space<hbm>>
    tpu.enqueue_dma source(%dma_start3A_149 : memref<2x24xi32, #tpu.memory_space<hbm>>) target(%arg12 : memref<2x24xi32, #tpu.memory_space<vmem>>) target_semaphore(%arg25 : memref<!tpu.dma_semaphore, #tpu.memory_space<semaphore_mem>>)
    %dma_wait3A_150 = arith.constant 0 : i32
    %dma_wait3A_151 = arith.constant 0 : i32
    %dma_wait3A_152 = tpu.memref_slice %arg7[%dma_wait3A_150, %dma_wait3A_151] : memref<2x24xi32, #tpu.memory_space<vmem>> -> memref<1x24xi32, #tpu.memory_space<vmem>>
    %dma_wait3A_153 = tpu.memref_squeeze %dma_wait3A_152 : memref<1x24xi32, #tpu.memory_space<vmem>> -> memref<24xi32, #tpu.memory_space<vmem>>
    %dma_wait3A_154 = arith.constant 0 : i32
    %dma_wait3A_155 = arith.constant 0 : i32
    %dma_wait3A_156 = tpu.memref_slice %arg2[%dma_wait3A_154, %dma_wait3A_155] : memref<10001x128xf32, #tpu.memory_space<hbm>> -> memref<10001x128xf32, #tpu.memory_space<hbm>>
    tpu.wait_indirect_dma semaphore(%arg28 : memref<!tpu.dma_semaphore, #tpu.memory_space<semaphore_mem>>) src(%dma_wait3A_156 : memref<10001x128xf32, #tpu.memory_space<hbm>>) dst(%arg15 : memref<24x128xf32, #tpu.memory_space<vmem>>)
    %dma_start3A_157 = arith.constant 1 : i32
    %dma_start3A_158 = arith.constant 0 : i32
    %dma_start3A_159 = tpu.memref_slice %arg7[%dma_start3A_157, %dma_start3A_158] : memref<2x24xi32, #tpu.memory_space<vmem>> -> memref<1x24xi32, #tpu.memory_space<vmem>>
    %dma_start3A_160 = tpu.memref_squeeze %dma_start3A_159 : memref<1x24xi32, #tpu.memory_space<vmem>> -> memref<24xi32, #tpu.memory_space<vmem>>
    %dma_start3A_161 = arith.constant 0 : i32
    %dma_start3A_162 = arith.constant 0 : i32
    %dma_start3A_163 = tpu.memref_slice %arg18[%dma_start3A_161, %dma_start3A_162] : memref<10112x128xf32, #tpu.memory_space<vmem_shared>> -> memref<10112x128xf32, #tpu.memory_space<vmem_shared>>
    tpu.enqueue_indirect_dma source(%arg15 : memref<24x128xf32, #tpu.memory_space<vmem>>) target(%dma_start3A_163 : memref<10112x128xf32, #tpu.memory_space<vmem_shared>>) offsets(%dma_start3A_160 : memref<24xi32, #tpu.memory_space<vmem>>) semaphore(%arg32 : memref<!tpu.dma_semaphore, #tpu.memory_space<semaphore_mem>>) {add = true}
    %scan3A = arith.constant 0 : i32
    %scan3A_164 = arith.constant 0 : i32
    %scan3A_165 = arith.constant 52 : i32
    %scan3A_166 = arith.addi %scan3A_164, %scan3A_165 : i32
    %scan3A_167 = arith.constant 1 : i32
    %scan3A_168 = scf.for %scan3A_226 = %scan3A_164 to %scan3A_166 step %scan3A_167 iter_args(%scan3A_227 = %scan3A) -> (i32)  : i32 {
      %mul3A_228 = arith.constant 8 : i32
      %mul3A_229 = arith.muli %scan3A_226, %mul3A_228 : i32
      %add3A_230 = arith.constant 2 : i32
      %add3A_231 = arith.addi %mul3A_229, %add3A_230 : i32
      %add3A_232 = arith.constant 0 : i32
      %add3A_233 = arith.addi %add3A_231, %add3A_232 : i32
      %dma_wait3A_234 = arith.constant 1 : i32
      %dma_wait3A_235 = arith.constant 0 : i32
      %dma_wait3A_236 = tpu.memref_slice %arg6[%dma_wait3A_234, %dma_wait3A_235] : memref<2x24xi32, #tpu.memory_space<vmem>> -> memref<1x24xi32, #tpu.memory_space<vmem>>
      %dma_wait3A_237 = tpu.memref_squeeze %dma_wait3A_236 : memref<1x24xi32, #tpu.memory_space<vmem>> -> memref<24xi32, #tpu.memory_space<vmem>>
      %dma_wait3A_238 = arith.constant 0 : i32
      %dma_wait3A_239 = arith.constant 0 : i32
      %dma_wait3A_240 = tpu.memref_slice %arg18[%dma_wait3A_238, %dma_wait3A_239] : memref<10112x128xf32, #tpu.memory_space<vmem_shared>> -> memref<10112x128xf32, #tpu.memory_space<vmem_shared>>
      tpu.wait_indirect_dma semaphore(%arg31 : memref<!tpu.dma_semaphore, #tpu.memory_space<semaphore_mem>>) src(%arg14 : memref<24x128xf32, #tpu.memory_space<vmem>>) dst(%dma_wait3A_240 : memref<10112x128xf32, #tpu.memory_space<vmem_shared>>)
      %add3A_241 = arith.constant 2 : i32
      %add3A_242 = arith.addi %add3A_233, %add3A_241 : i32
      %dma_wait3A_243 = arith.constant 0 : i32
      %dma_wait3A_244 = arith.constant 0 : i32
      %dma_wait3A_245 = tpu.memref_slice %arg3[%add3A, %add3A_242, %dma_wait3A_243, %dma_wait3A_244] : memref<32x423x2x24xi32, #tpu.memory_space<hbm>> -> memref<1x1x2x24xi32, #tpu.memory_space<hbm>>
      %dma_wait3A_246 = tpu.memref_squeeze %dma_wait3A_245 : memref<1x1x2x24xi32, #tpu.memory_space<hbm>> -> memref<2x24xi32, #tpu.memory_space<hbm>>
      %dma_wait3A_247 = arith.constant 0 : i32
      %dma_wait3A_248 = arith.constant 0 : i32
      %dma_wait3A_249 = tpu.memref_slice %arg3[%add3A, %add3A_242, %dma_wait3A_247, %dma_wait3A_248] : memref<32x423x2x24xi32, #tpu.memory_space<hbm>> -> memref<1x1x2x24xi32, #tpu.memory_space<hbm>>
      %dma_wait3A_250 = tpu.memref_squeeze %dma_wait3A_249 : memref<1x1x2x24xi32, #tpu.memory_space<hbm>> -> memref<2x24xi32, #tpu.memory_space<hbm>>
      tpu.wait_dma2 semaphore(%arg23 : memref<!tpu.dma_semaphore, #tpu.memory_space<semaphore_mem>>) src(%dma_wait3A_250 : memref<2x24xi32, #tpu.memory_space<hbm>>) dst(%arg10 : memref<2x24xi32, #tpu.memory_space<vmem>>)
      %dma_start3A_251 = arith.constant 0 : i32
      %dma_start3A_252 = arith.constant 0 : i32
      %dma_start3A_253 = tpu.memref_slice %arg10[%dma_start3A_251, %dma_start3A_252] : memref<2x24xi32, #tpu.memory_space<vmem>> -> memref<1x24xi32, #tpu.memory_space<vmem>>
      %dma_start3A_254 = tpu.memref_squeeze %dma_start3A_253 : memref<1x24xi32, #tpu.memory_space<vmem>> -> memref<24xi32, #tpu.memory_space<vmem>>
      %dma_start3A_255 = arith.constant 0 : i32
      %dma_start3A_256 = arith.constant 0 : i32
      %dma_start3A_257 = tpu.memref_slice %arg2[%dma_start3A_255, %dma_start3A_256] : memref<10001x128xf32, #tpu.memory_space<hbm>> -> memref<10001x128xf32, #tpu.memory_space<hbm>>
      tpu.enqueue_indirect_dma source(%dma_start3A_257 : memref<10001x128xf32, #tpu.memory_space<hbm>>) target(%arg14 : memref<24x128xf32, #tpu.memory_space<vmem>>) offsets(%dma_start3A_254 : memref<24xi32, #tpu.memory_space<vmem>>) semaphore(%arg27 : memref<!tpu.dma_semaphore, #tpu.memory_space<semaphore_mem>>)
      %add3A_258 = arith.constant 5 : i32
      %add3A_259 = arith.addi %add3A_233, %add3A_258 : i32
      %dma_start3A_260 = arith.constant 0 : i32
      %dma_start3A_261 = arith.constant 0 : i32
      %dma_start3A_262 = tpu.memref_slice %arg3[%add3A, %add3A_259, %dma_start3A_260, %dma_start3A_261] : memref<32x423x2x24xi32, #tpu.memory_space<hbm>> -> memref<1x1x2x24xi32, #tpu.memory_space<hbm>>
      %dma_start3A_263 = tpu.memref_squeeze %dma_start3A_262 : memref<1x1x2x24xi32, #tpu.memory_space<hbm>> -> memref<2x24xi32, #tpu.memory_space<hbm>>
      %dma_start3A_264 = arith.constant 0 : i32
      %dma_start3A_265 = arith.constant 0 : i32
      %dma_start3A_266 = tpu.memref_slice %arg3[%add3A, %add3A_259, %dma_start3A_264, %dma_start3A_265] : memref<32x423x2x24xi32, #tpu.memory_space<hbm>> -> memref<1x1x2x24xi32, #tpu.memory_space<hbm>>
      %dma_start3A_267 = tpu.memref_squeeze %dma_start3A_266 : memref<1x1x2x24xi32, #tpu.memory_space<hbm>> -> memref<2x24xi32, #tpu.memory_space<hbm>>
      tpu.enqueue_dma source(%dma_start3A_267 : memref<2x24xi32, #tpu.memory_space<hbm>>) target(%arg13 : memref<2x24xi32, #tpu.memory_space<vmem>>) target_semaphore(%arg26 : memref<!tpu.dma_semaphore, #tpu.memory_space<semaphore_mem>>)
      %dma_wait3A_268 = arith.constant 0 : i32
      %dma_wait3A_269 = arith.constant 0 : i32
      %dma_wait3A_270 = tpu.memref_slice %arg6[%dma_wait3A_268, %dma_wait3A_269] : memref<2x24xi32, #tpu.memory_space<vmem>> -> memref<1x24xi32, #tpu.memory_space<vmem>>
      %dma_wait3A_271 = tpu.memref_squeeze %dma_wait3A_270 : memref<1x24xi32, #tpu.memory_space<vmem>> -> memref<24xi32, #tpu.memory_space<vmem>>
      %dma_wait3A_272 = arith.constant 0 : i32
      %dma_wait3A_273 = arith.constant 0 : i32
      %dma_wait3A_274 = tpu.memref_slice %arg2[%dma_wait3A_272, %dma_wait3A_273] : memref<10001x128xf32, #tpu.memory_space<hbm>> -> memref<10001x128xf32, #tpu.memory_space<hbm>>
      tpu.wait_indirect_dma semaphore(%arg29 : memref<!tpu.dma_semaphore, #tpu.memory_space<semaphore_mem>>) src(%dma_wait3A_274 : memref<10001x128xf32, #tpu.memory_space<hbm>>) dst(%arg16 : memref<24x128xf32, #tpu.memory_space<vmem>>)
      %dma_start3A_275 = arith.constant 1 : i32
      %dma_start3A_276 = arith.constant 0 : i32
      %dma_start3A_277 = tpu.memref_slice %arg8[%dma_start3A_275, %dma_start3A_276] : memref<2x24xi32, #tpu.memory_space<vmem>> -> memref<1x24xi32, #tpu.memory_space<vmem>>
      %dma_start3A_278 = tpu.memref_squeeze %dma_start3A_277 : memref<1x24xi32, #tpu.memory_space<vmem>> -> memref<24xi32, #tpu.memory_space<vmem>>
      %dma_start3A_279 = arith.constant 0 : i32
      %dma_start3A_280 = arith.constant 0 : i32
      %dma_start3A_281 = tpu.memref_slice %arg18[%dma_start3A_279, %dma_start3A_280] : memref<10112x128xf32, #tpu.memory_space<vmem_shared>> -> memref<10112x128xf32, #tpu.memory_space<vmem_shared>>
      tpu.enqueue_indirect_dma source(%arg16 : memref<24x128xf32, #tpu.memory_space<vmem>>) target(%dma_start3A_281 : memref<10112x128xf32, #tpu.memory_space<vmem_shared>>) offsets(%dma_start3A_278 : memref<24xi32, #tpu.memory_space<vmem>>) semaphore(%arg33 : memref<!tpu.dma_semaphore, #tpu.memory_space<semaphore_mem>>) {add = true}
      %add3A_282 = arith.constant 1 : i32
      %add3A_283 = arith.addi %add3A_231, %add3A_282 : i32
      %dma_wait3A_284 = arith.constant 1 : i32
      %dma_wait3A_285 = arith.constant 0 : i32
      %dma_wait3A_286 = tpu.memref_slice %arg6[%dma_wait3A_284, %dma_wait3A_285] : memref<2x24xi32, #tpu.memory_space<vmem>> -> memref<1x24xi32, #tpu.memory_space<vmem>>
      %dma_wait3A_287 = tpu.memref_squeeze %dma_wait3A_286 : memref<1x24xi32, #tpu.memory_space<vmem>> -> memref<24xi32, #tpu.memory_space<vmem>>
      %dma_wait3A_288 = arith.constant 0 : i32
      %dma_wait3A_289 = arith.constant 0 : i32
      %dma_wait3A_290 = tpu.memref_slice %arg18[%dma_wait3A_288, %dma_wait3A_289] : memref<10112x128xf32, #tpu.memory_space<vmem_shared>> -> memref<10112x128xf32, #tpu.memory_space<vmem_shared>>
      tpu.wait_indirect_dma semaphore(%arg32 : memref<!tpu.dma_semaphore, #tpu.memory_space<semaphore_mem>>) src(%arg15 : memref<24x128xf32, #tpu.memory_space<vmem>>) dst(%dma_wait3A_290 : memref<10112x128xf32, #tpu.memory_space<vmem_shared>>)
      %add3A_291 = arith.constant 2 : i32
      %add3A_292 = arith.addi %add3A_283, %add3A_291 : i32
      %dma_wait3A_293 = arith.constant 0 : i32
      %dma_wait3A_294 = arith.constant 0 : i32
      %dma_wait3A_295 = tpu.memref_slice %arg3[%add3A, %add3A_292, %dma_wait3A_293, %dma_wait3A_294] : memref<32x423x2x24xi32, #tpu.memory_space<hbm>> -> memref<1x1x2x24xi32, #tpu.memory_space<hbm>>
      %dma_wait3A_296 = tpu.memref_squeeze %dma_wait3A_295 : memref<1x1x2x24xi32, #tpu.memory_space<hbm>> -> memref<2x24xi32, #tpu.memory_space<hbm>>
      %dma_wait3A_297 = arith.constant 0 : i32
      %dma_wait3A_298 = arith.constant 0 : i32
      %dma_wait3A_299 = tpu.memref_slice %arg3[%add3A, %add3A_292, %dma_wait3A_297, %dma_wait3A_298] : memref<32x423x2x24xi32, #tpu.memory_space<hbm>> -> memref<1x1x2x24xi32, #tpu.memory_space<hbm>>
      %dma_wait3A_300 = tpu.memref_squeeze %dma_wait3A_299 : memref<1x1x2x24xi32, #tpu.memory_space<hbm>> -> memref<2x24xi32, #tpu.memory_space<hbm>>
      tpu.wait_dma2 semaphore(%arg24 : memref<!tpu.dma_semaphore, #tpu.memory_space<semaphore_mem>>) src(%dma_wait3A_300 : memref<2x24xi32, #tpu.memory_space<hbm>>) dst(%arg11 : memref<2x24xi32, #tpu.memory_space<vmem>>)
      %dma_start3A_301 = arith.constant 0 : i32
      %dma_start3A_302 = arith.constant 0 : i32
      %dma_start3A_303 = tpu.memref_slice %arg11[%dma_start3A_301, %dma_start3A_302] : memref<2x24xi32, #tpu.memory_space<vmem>> -> memref<1x24xi32, #tpu.memory_space<vmem>>
      %dma_start3A_304 = tpu.memref_squeeze %dma_start3A_303 : memref<1x24xi32, #tpu.memory_space<vmem>> -> memref<24xi32, #tpu.memory_space<vmem>>
      %dma_start3A_305 = arith.constant 0 : i32
      %dma_start3A_306 = arith.constant 0 : i32
      %dma_start3A_307 = tpu.memref_slice %arg2[%dma_start3A_305, %dma_start3A_306] : memref<10001x128xf32, #tpu.memory_space<hbm>> -> memref<10001x128xf32, #tpu.memory_space<hbm>>
      tpu.enqueue_indirect_dma source(%dma_start3A_307 : memref<10001x128xf32, #tpu.memory_space<hbm>>) target(%arg15 : memref<24x128xf32, #tpu.memory_space<vmem>>) offsets(%dma_start3A_304 : memref<24xi32, #tpu.memory_space<vmem>>) semaphore(%arg28 : memref<!tpu.dma_semaphore, #tpu.memory_space<semaphore_mem>>)
      %add3A_308 = arith.constant 5 : i32
      %add3A_309 = arith.addi %add3A_283, %add3A_308 : i32
      %dma_start3A_310 = arith.constant 0 : i32
      %dma_start3A_311 = arith.constant 0 : i32
      %dma_start3A_312 = tpu.memref_slice %arg3[%add3A, %add3A_309, %dma_start3A_310, %dma_start3A_311] : memref<32x423x2x24xi32, #tpu.memory_space<hbm>> -> memref<1x1x2x24xi32, #tpu.memory_space<hbm>>
      %dma_start3A_313 = tpu.memref_squeeze %dma_start3A_312 : memref<1x1x2x24xi32, #tpu.memory_space<hbm>> -> memref<2x24xi32, #tpu.memory_space<hbm>>
      %dma_start3A_314 = arith.constant 0 : i32
      %dma_start3A_315 = arith.constant 0 : i32
      %dma_start3A_316 = tpu.memref_slice %arg3[%add3A, %add3A_309, %dma_start3A_314, %dma_start3A_315] : memref<32x423x2x24xi32, #tpu.memory_space<hbm>> -> memref<1x1x2x24xi32, #tpu.memory_space<hbm>>
      %dma_start3A_317 = tpu.memref_squeeze %dma_start3A_316 : memref<1x1x2x24xi32, #tpu.memory_space<hbm>> -> memref<2x24xi32, #tpu.memory_space<hbm>>
      tpu.enqueue_dma source(%dma_start3A_317 : memref<2x24xi32, #tpu.memory_space<hbm>>) target(%arg6 : memref<2x24xi32, #tpu.memory_space<vmem>>) target_semaphore(%arg19 : memref<!tpu.dma_semaphore, #tpu.memory_space<semaphore_mem>>)
      %dma_wait3A_318 = arith.constant 0 : i32
      %dma_wait3A_319 = arith.constant 0 : i32
      %dma_wait3A_320 = tpu.memref_slice %arg6[%dma_wait3A_318, %dma_wait3A_319] : memref<2x24xi32, #tpu.memory_space<vmem>> -> memref<1x24xi32, #tpu.memory_space<vmem>>
      %dma_wait3A_321 = tpu.memref_squeeze %dma_wait3A_320 : memref<1x24xi32, #tpu.memory_space<vmem>> -> memref<24xi32, #tpu.memory_space<vmem>>
      %dma_wait3A_322 = arith.constant 0 : i32
      %dma_wait3A_323 = arith.constant 0 : i32
      %dma_wait3A_324 = tpu.memref_slice %arg2[%dma_wait3A_322, %dma_wait3A_323] : memref<10001x128xf32, #tpu.memory_space<hbm>> -> memref<10001x128xf32, #tpu.memory_space<hbm>>
      tpu.wait_indirect_dma semaphore(%arg30 : memref<!tpu.dma_semaphore, #tpu.memory_space<semaphore_mem>>) src(%dma_wait3A_324 : memref<10001x128xf32, #tpu.memory_space<hbm>>) dst(%arg17 : memref<24x128xf32, #tpu.memory_space<vmem>>)
      %dma_start3A_325 = arith.constant 1 : i32
      %dma_start3A_326 = arith.constant 0 : i32
      %dma_start3A_327 = tpu.memref_slice %arg9[%dma_start3A_325, %dma_start3A_326] : memref<2x24xi32, #tpu.memory_space<vmem>> -> memref<1x24xi32, #tpu.memory_space<vmem>>
      %dma_start3A_328 = tpu.memref_squeeze %dma_start3A_327 : memref<1x24xi32, #tpu.memory_space<vmem>> -> memref<24xi32, #tpu.memory_space<vmem>>
      %dma_start3A_329 = arith.constant 0 : i32
      %dma_start3A_330 = arith.constant 0 : i32
      %dma_start3A_331 = tpu.memref_slice %arg18[%dma_start3A_329, %dma_start3A_330] : memref<10112x128xf32, #tpu.memory_space<vmem_shared>> -> memref<10112x128xf32, #tpu.memory_space<vmem_shared>>
      tpu.enqueue_indirect_dma source(%arg17 : memref<24x128xf32, #tpu.memory_space<vmem>>) target(%dma_start3A_331 : memref<10112x128xf32, #tpu.memory_space<vmem_shared>>) offsets(%dma_start3A_328 : memref<24xi32, #tpu.memory_space<vmem>>) semaphore(%arg34 : memref<!tpu.dma_semaphore, #tpu.memory_space<semaphore_mem>>) {add = true}
      %add3A_332 = arith.constant 2 : i32
      %add3A_333 = arith.addi %add3A_231, %add3A_332 : i32
      %dma_wait3A_334 = arith.constant 1 : i32
      %dma_wait3A_335 = arith.constant 0 : i32
      %dma_wait3A_336 = tpu.memref_slice %arg6[%dma_wait3A_334, %dma_wait3A_335] : memref<2x24xi32, #tpu.memory_space<vmem>> -> memref<1x24xi32, #tpu.memory_space<vmem>>
      %dma_wait3A_337 = tpu.memref_squeeze %dma_wait3A_336 : memref<1x24xi32, #tpu.memory_space<vmem>> -> memref<24xi32, #tpu.memory_space<vmem>>
      %dma_wait3A_338 = arith.constant 0 : i32
      %dma_wait3A_339 = arith.constant 0 : i32
      %dma_wait3A_340 = tpu.memref_slice %arg18[%dma_wait3A_338, %dma_wait3A_339] : memref<10112x128xf32, #tpu.memory_space<vmem_shared>> -> memref<10112x128xf32, #tpu.memory_space<vmem_shared>>
      tpu.wait_indirect_dma semaphore(%arg33 : memref<!tpu.dma_semaphore, #tpu.memory_space<semaphore_mem>>) src(%arg16 : memref<24x128xf32, #tpu.memory_space<vmem>>) dst(%dma_wait3A_340 : memref<10112x128xf32, #tpu.memory_space<vmem_shared>>)
      %add3A_341 = arith.constant 2 : i32
      %add3A_342 = arith.addi %add3A_333, %add3A_341 : i32
      %dma_wait3A_343 = arith.constant 0 : i32
      %dma_wait3A_344 = arith.constant 0 : i32
      %dma_wait3A_345 = tpu.memref_slice %arg3[%add3A, %add3A_342, %dma_wait3A_343, %dma_wait3A_344] : memref<32x423x2x24xi32, #tpu.memory_space<hbm>> -> memref<1x1x2x24xi32, #tpu.memory_space<hbm>>
      %dma_wait3A_346 = tpu.memref_squeeze %dma_wait3A_345 : memref<1x1x2x24xi32, #tpu.memory_space<hbm>> -> memref<2x24xi32, #tpu.memory_space<hbm>>
      %dma_wait3A_347 = arith.constant 0 : i32
      %dma_wait3A_348 = arith.constant 0 : i32
      %dma_wait3A_349 = tpu.memref_slice %arg3[%add3A, %add3A_342, %dma_wait3A_347, %dma_wait3A_348] : memref<32x423x2x24xi32, #tpu.memory_space<hbm>> -> memref<1x1x2x24xi32, #tpu.memory_space<hbm>>
      %dma_wait3A_350 = tpu.memref_squeeze %dma_wait3A_349 : memref<1x1x2x24xi32, #tpu.memory_space<hbm>> -> memref<2x24xi32, #tpu.memory_space<hbm>>
      tpu.wait_dma2 semaphore(%arg25 : memref<!tpu.dma_semaphore, #tpu.memory_space<semaphore_mem>>) src(%dma_wait3A_350 : memref<2x24xi32, #tpu.memory_space<hbm>>) dst(%arg12 : memref<2x24xi32, #tpu.memory_space<vmem>>)
      %dma_start3A_351 = arith.constant 0 : i32
      %dma_start3A_352 = arith.constant 0 : i32
      %dma_start3A_353 = tpu.memref_slice %arg12[%dma_start3A_351, %dma_start3A_352] : memref<2x24xi32, #tpu.memory_space<vmem>> -> memref<1x24xi32, #tpu.memory_space<vmem>>
      %dma_start3A_354 = tpu.memref_squeeze %dma_start3A_353 : memref<1x24xi32, #tpu.memory_space<vmem>> -> memref<24xi32, #tpu.memory_space<vmem>>
      %dma_start3A_355 = arith.constant 0 : i32
      %dma_start3A_356 = arith.constant 0 : i32
      %dma_start3A_357 = tpu.memref_slice %arg2[%dma_start3A_355, %dma_start3A_356] : memref<10001x128xf32, #tpu.memory_space<hbm>> -> memref<10001x128xf32, #tpu.memory_space<hbm>>
      tpu.enqueue_indirect_dma source(%dma_start3A_357 : memref<10001x128xf32, #tpu.memory_space<hbm>>) target(%arg16 : memref<24x128xf32, #tpu.memory_space<vmem>>) offsets(%dma_start3A_354 : memref<24xi32, #tpu.memory_space<vmem>>) semaphore(%arg29 : memref<!tpu.dma_semaphore, #tpu.memory_space<semaphore_mem>>)
      %add3A_358 = arith.constant 5 : i32
      %add3A_359 = arith.addi %add3A_333, %add3A_358 : i32
      %dma_start3A_360 = arith.constant 0 : i32
      %dma_start3A_361 = arith.constant 0 : i32
      %dma_start3A_362 = tpu.memref_slice %arg3[%add3A, %add3A_359, %dma_start3A_360, %dma_start3A_361] : memref<32x423x2x24xi32, #tpu.memory_space<hbm>> -> memref<1x1x2x24xi32, #tpu.memory_space<hbm>>
      %dma_start3A_363 = tpu.memref_squeeze %dma_start3A_362 : memref<1x1x2x24xi32, #tpu.memory_space<hbm>> -> memref<2x24xi32, #tpu.memory_space<hbm>>
      %dma_start3A_364 = arith.constant 0 : i32
      %dma_start3A_365 = arith.constant 0 : i32
      %dma_start3A_366 = tpu.memref_slice %arg3[%add3A, %add3A_359, %dma_start3A_364, %dma_start3A_365] : memref<32x423x2x24xi32, #tpu.memory_space<hbm>> -> memref<1x1x2x24xi32, #tpu.memory_space<hbm>>
      %dma_start3A_367 = tpu.memref_squeeze %dma_start3A_366 : memref<1x1x2x24xi32, #tpu.memory_space<hbm>> -> memref<2x24xi32, #tpu.memory_space<hbm>>
      tpu.enqueue_dma source(%dma_start3A_367 : memref<2x24xi32, #tpu.memory_space<hbm>>) target(%arg7 : memref<2x24xi32, #tpu.memory_space<vmem>>) target_semaphore(%arg20 : memref<!tpu.dma_semaphore, #tpu.memory_space<semaphore_mem>>)
      %dma_wait3A_368 = arith.constant 0 : i32
      %dma_wait3A_369 = arith.constant 0 : i32
      %dma_wait3A_370 = tpu.memref_slice %arg6[%dma_wait3A_368, %dma_wait3A_369] : memref<2x24xi32, #tpu.memory_space<vmem>> -> memref<1x24xi32, #tpu.memory_space<vmem>>
      %dma_wait3A_371 = tpu.memref_squeeze %dma_wait3A_370 : memref<1x24xi32, #tpu.memory_space<vmem>> -> memref<24xi32, #tpu.memory_space<vmem>>
      %dma_wait3A_372 = arith.constant 0 : i32
      %dma_wait3A_373 = arith.constant 0 : i32
      %dma_wait3A_374 = tpu.memref_slice %arg2[%dma_wait3A_372, %dma_wait3A_373] : memref<10001x128xf32, #tpu.memory_space<hbm>> -> memref<10001x128xf32, #tpu.memory_space<hbm>>
      tpu.wait_indirect_dma semaphore(%arg27 : memref<!tpu.dma_semaphore, #tpu.memory_space<semaphore_mem>>) src(%dma_wait3A_374 : memref<10001x128xf32, #tpu.memory_space<hbm>>) dst(%arg14 : memref<24x128xf32, #tpu.memory_space<vmem>>)
      %dma_start3A_375 = arith.constant 1 : i32
      %dma_start3A_376 = arith.constant 0 : i32
      %dma_start3A_377 = tpu.memref_slice %arg10[%dma_start3A_375, %dma_start3A_376] : memref<2x24xi32, #tpu.memory_space<vmem>> -> memref<1x24xi32, #tpu.memory_space<vmem>>
      %dma_start3A_378 = tpu.memref_squeeze %dma_start3A_377 : memref<1x24xi32, #tpu.memory_space<vmem>> -> memref<24xi32, #tpu.memory_space<vmem>>
      %dma_start3A_379 = arith.constant 0 : i32
      %dma_start3A_380 = arith.constant 0 : i32
      %dma_start3A_381 = tpu.memref_slice %arg18[%dma_start3A_379, %dma_start3A_380] : memref<10112x128xf32, #tpu.memory_space<vmem_shared>> -> memref<10112x128xf32, #tpu.memory_space<vmem_shared>>
      tpu.enqueue_indirect_dma source(%arg14 : memref<24x128xf32, #tpu.memory_space<vmem>>) target(%dma_start3A_381 : memref<10112x128xf32, #tpu.memory_space<vmem_shared>>) offsets(%dma_start3A_378 : memref<24xi32, #tpu.memory_space<vmem>>) semaphore(%arg31 : memref<!tpu.dma_semaphore, #tpu.memory_space<semaphore_mem>>) {add = true}
      %add3A_382 = arith.constant 3 : i32
      %add3A_383 = arith.addi %add3A_231, %add3A_382 : i32
      %dma_wait3A_384 = arith.constant 1 : i32
      %dma_wait3A_385 = arith.constant 0 : i32
      %dma_wait3A_386 = tpu.memref_slice %arg6[%dma_wait3A_384, %dma_wait3A_385] : memref<2x24xi32, #tpu.memory_space<vmem>> -> memref<1x24xi32, #tpu.memory_space<vmem>>
      %dma_wait3A_387 = tpu.memref_squeeze %dma_wait3A_386 : memref<1x24xi32, #tpu.memory_space<vmem>> -> memref<24xi32, #tpu.memory_space<vmem>>
      %dma_wait3A_388 = arith.constant 0 : i32
      %dma_wait3A_389 = arith.constant 0 : i32
      %dma_wait3A_390 = tpu.memref_slice %arg18[%dma_wait3A_388, %dma_wait3A_389] : memref<10112x128xf32, #tpu.memory_space<vmem_shared>> -> memref<10112x128xf32, #tpu.memory_space<vmem_shared>>
      tpu.wait_indirect_dma semaphore(%arg34 : memref<!tpu.dma_semaphore, #tpu.memory_space<semaphore_mem>>) src(%arg17 : memref<24x128xf32, #tpu.memory_space<vmem>>) dst(%dma_wait3A_390 : memref<10112x128xf32, #tpu.memory_space<vmem_shared>>)
      %add3A_391 = arith.constant 2 : i32
      %add3A_392 = arith.addi %add3A_383, %add3A_391 : i32
      %dma_wait3A_393 = arith.constant 0 : i32
      %dma_wait3A_394 = arith.constant 0 : i32
      %dma_wait3A_395 = tpu.memref_slice %arg3[%add3A, %add3A_392, %dma_wait3A_393, %dma_wait3A_394] : memref<32x423x2x24xi32, #tpu.memory_space<hbm>> -> memref<1x1x2x24xi32, #tpu.memory_space<hbm>>
      %dma_wait3A_396 = tpu.memref_squeeze %dma_wait3A_395 : memref<1x1x2x24xi32, #tpu.memory_space<hbm>> -> memref<2x24xi32, #tpu.memory_space<hbm>>
      %dma_wait3A_397 = arith.constant 0 : i32
      %dma_wait3A_398 = arith.constant 0 : i32
      %dma_wait3A_399 = tpu.memref_slice %arg3[%add3A, %add3A_392, %dma_wait3A_397, %dma_wait3A_398] : memref<32x423x2x24xi32, #tpu.memory_space<hbm>> -> memref<1x1x2x24xi32, #tpu.memory_space<hbm>>
      %dma_wait3A_400 = tpu.memref_squeeze %dma_wait3A_399 : memref<1x1x2x24xi32, #tpu.memory_space<hbm>> -> memref<2x24xi32, #tpu.memory_space<hbm>>
      tpu.wait_dma2 semaphore(%arg26 : memref<!tpu.dma_semaphore, #tpu.memory_space<semaphore_mem>>) src(%dma_wait3A_400 : memref<2x24xi32, #tpu.memory_space<hbm>>) dst(%arg13 : memref<2x24xi32, #tpu.memory_space<vmem>>)
      %dma_start3A_401 = arith.constant 0 : i32
      %dma_start3A_402 = arith.constant 0 : i32
      %dma_start3A_403 = tpu.memref_slice %arg13[%dma_start3A_401, %dma_start3A_402] : memref<2x24xi32, #tpu.memory_space<vmem>> -> memref<1x24xi32, #tpu.memory_space<vmem>>
      %dma_start3A_404 = tpu.memref_squeeze %dma_start3A_403 : memref<1x24xi32, #tpu.memory_space<vmem>> -> memref<24xi32, #tpu.memory_space<vmem>>
      %dma_start3A_405 = arith.constant 0 : i32
      %dma_start3A_406 = arith.constant 0 : i32
      %dma_start3A_407 = tpu.memref_slice %arg2[%dma_start3A_405, %dma_start3A_406] : memref<10001x128xf32, #tpu.memory_space<hbm>> -> memref<10001x128xf32, #tpu.memory_space<hbm>>
      tpu.enqueue_indirect_dma source(%dma_start3A_407 : memref<10001x128xf32, #tpu.memory_space<hbm>>) target(%arg17 : memref<24x128xf32, #tpu.memory_space<vmem>>) offsets(%dma_start3A_404 : memref<24xi32, #tpu.memory_space<vmem>>) semaphore(%arg30 : memref<!tpu.dma_semaphore, #tpu.memory_space<semaphore_mem>>)
      %add3A_408 = arith.constant 5 : i32
      %add3A_409 = arith.addi %add3A_383, %add3A_408 : i32
      %dma_start3A_410 = arith.constant 0 : i32
      %dma_start3A_411 = arith.constant 0 : i32
      %dma_start3A_412 = tpu.memref_slice %arg3[%add3A, %add3A_409, %dma_start3A_410, %dma_start3A_411] : memref<32x423x2x24xi32, #tpu.memory_space<hbm>> -> memref<1x1x2x24xi32, #tpu.memory_space<hbm>>
      %dma_start3A_413 = tpu.memref_squeeze %dma_start3A_412 : memref<1x1x2x24xi32, #tpu.memory_space<hbm>> -> memref<2x24xi32, #tpu.memory_space<hbm>>
      %dma_start3A_414 = arith.constant 0 : i32
      %dma_start3A_415 = arith.constant 0 : i32
      %dma_start3A_416 = tpu.memref_slice %arg3[%add3A, %add3A_409, %dma_start3A_414, %dma_start3A_415] : memref<32x423x2x24xi32, #tpu.memory_space<hbm>> -> memref<1x1x2x24xi32, #tpu.memory_space<hbm>>
      %dma_start3A_417 = tpu.memref_squeeze %dma_start3A_416 : memref<1x1x2x24xi32, #tpu.memory_space<hbm>> -> memref<2x24xi32, #tpu.memory_space<hbm>>
      tpu.enqueue_dma source(%dma_start3A_417 : memref<2x24xi32, #tpu.memory_space<hbm>>) target(%arg8 : memref<2x24xi32, #tpu.memory_space<vmem>>) target_semaphore(%arg21 : memref<!tpu.dma_semaphore, #tpu.memory_space<semaphore_mem>>)
      %dma_wait3A_418 = arith.constant 0 : i32
      %dma_wait3A_419 = arith.constant 0 : i32
      %dma_wait3A_420 = tpu.memref_slice %arg6[%dma_wait3A_418, %dma_wait3A_419] : memref<2x24xi32, #tpu.memory_space<vmem>> -> memref<1x24xi32, #tpu.memory_space<vmem>>
      %dma_wait3A_421 = tpu.memref_squeeze %dma_wait3A_420 : memref<1x24xi32, #tpu.memory_space<vmem>> -> memref<24xi32, #tpu.memory_space<vmem>>
      %dma_wait3A_422 = arith.constant 0 : i32
      %dma_wait3A_423 = arith.constant 0 : i32
      %dma_wait3A_424 = tpu.memref_slice %arg2[%dma_wait3A_422, %dma_wait3A_423] : memref<10001x128xf32, #tpu.memory_space<hbm>> -> memref<10001x128xf32, #tpu.memory_space<hbm>>
      tpu.wait_indirect_dma semaphore(%arg28 : memref<!tpu.dma_semaphore, #tpu.memory_space<semaphore_mem>>) src(%dma_wait3A_424 : memref<10001x128xf32, #tpu.memory_space<hbm>>) dst(%arg15 : memref<24x128xf32, #tpu.memory_space<vmem>>)
      %dma_start3A_425 = arith.constant 1 : i32
      %dma_start3A_426 = arith.constant 0 : i32
      %dma_start3A_427 = tpu.memref_slice %arg11[%dma_start3A_425, %dma_start3A_426] : memref<2x24xi32, #tpu.memory_space<vmem>> -> memref<1x24xi32, #tpu.memory_space<vmem>>
      %dma_start3A_428 = tpu.memref_squeeze %dma_start3A_427 : memref<1x24xi32, #tpu.memory_space<vmem>> -> memref<24xi32, #tpu.memory_space<vmem>>
      %dma_start3A_429 = arith.constant 0 : i32
      %dma_start3A_430 = arith.constant 0 : i32
      %dma_start3A_431 = tpu.memref_slice %arg18[%dma_start3A_429, %dma_start3A_430] : memref<10112x128xf32, #tpu.memory_space<vmem_shared>> -> memref<10112x128xf32, #tpu.memory_space<vmem_shared>>
      tpu.enqueue_indirect_dma source(%arg15 : memref<24x128xf32, #tpu.memory_space<vmem>>) target(%dma_start3A_431 : memref<10112x128xf32, #tpu.memory_space<vmem_shared>>) offsets(%dma_start3A_428 : memref<24xi32, #tpu.memory_space<vmem>>) semaphore(%arg32 : memref<!tpu.dma_semaphore, #tpu.memory_space<semaphore_mem>>) {add = true}
      %add3A_432 = arith.constant 4 : i32
      %add3A_433 = arith.addi %add3A_231, %add3A_432 : i32
      %dma_wait3A_434 = arith.constant 1 : i32
      %dma_wait3A_435 = arith.constant 0 : i32
      %dma_wait3A_436 = tpu.memref_slice %arg6[%dma_wait3A_434, %dma_wait3A_435] : memref<2x24xi32, #tpu.memory_space<vmem>> -> memref<1x24xi32, #tpu.memory_space<vmem>>
      %dma_wait3A_437 = tpu.memref_squeeze %dma_wait3A_436 : memref<1x24xi32, #tpu.memory_space<vmem>> -> memref<24xi32, #tpu.memory_space<vmem>>
      %dma_wait3A_438 = arith.constant 0 : i32
      %dma_wait3A_439 = arith.constant 0 : i32
      %dma_wait3A_440 = tpu.memref_slice %arg18[%dma_wait3A_438, %dma_wait3A_439] : memref<10112x128xf32, #tpu.memory_space<vmem_shared>> -> memref<10112x128xf32, #tpu.memory_space<vmem_shared>>
      tpu.wait_indirect_dma semaphore(%arg31 : memref<!tpu.dma_semaphore, #tpu.memory_space<semaphore_mem>>) src(%arg14 : memref<24x128xf32, #tpu.memory_space<vmem>>) dst(%dma_wait3A_440 : memref<10112x128xf32, #tpu.memory_space<vmem_shared>>)
      %add3A_441 = arith.constant 2 : i32
      %add3A_442 = arith.addi %add3A_433, %add3A_441 : i32
      %dma_wait3A_443 = arith.constant 0 : i32
      %dma_wait3A_444 = arith.constant 0 : i32
      %dma_wait3A_445 = tpu.memref_slice %arg3[%add3A, %add3A_442, %dma_wait3A_443, %dma_wait3A_444] : memref<32x423x2x24xi32, #tpu.memory_space<hbm>> -> memref<1x1x2x24xi32, #tpu.memory_space<hbm>>
      %dma_wait3A_446 = tpu.memref_squeeze %dma_wait3A_445 : memref<1x1x2x24xi32, #tpu.memory_space<hbm>> -> memref<2x24xi32, #tpu.memory_space<hbm>>
      %dma_wait3A_447 = arith.constant 0 : i32
      %dma_wait3A_448 = arith.constant 0 : i32
      %dma_wait3A_449 = tpu.memref_slice %arg3[%add3A, %add3A_442, %dma_wait3A_447, %dma_wait3A_448] : memref<32x423x2x24xi32, #tpu.memory_space<hbm>> -> memref<1x1x2x24xi32, #tpu.memory_space<hbm>>
      %dma_wait3A_450 = tpu.memref_squeeze %dma_wait3A_449 : memref<1x1x2x24xi32, #tpu.memory_space<hbm>> -> memref<2x24xi32, #tpu.memory_space<hbm>>
      tpu.wait_dma2 semaphore(%arg19 : memref<!tpu.dma_semaphore, #tpu.memory_space<semaphore_mem>>) src(%dma_wait3A_450 : memref<2x24xi32, #tpu.memory_space<hbm>>) dst(%arg6 : memref<2x24xi32, #tpu.memory_space<vmem>>)
      %dma_start3A_451 = arith.constant 0 : i32
      %dma_start3A_452 = arith.constant 0 : i32
      %dma_start3A_453 = tpu.memref_slice %arg6[%dma_start3A_451, %dma_start3A_452] : memref<2x24xi32, #tpu.memory_space<vmem>> -> memref<1x24xi32, #tpu.memory_space<vmem>>
      %dma_start3A_454 = tpu.memref_squeeze %dma_start3A_453 : memref<1x24xi32, #tpu.memory_space<vmem>> -> memref<24xi32, #tpu.memory_space<vmem>>
      %dma_start3A_455 = arith.constant 0 : i32
      %dma_start3A_456 = arith.constant 0 : i32
      %dma_start3A_457 = tpu.memref_slice %arg2[%dma_start3A_455, %dma_start3A_456] : memref<10001x128xf32, #tpu.memory_space<hbm>> -> memref<10001x128xf32, #tpu.memory_space<hbm>>
      tpu.enqueue_indirect_dma source(%dma_start3A_457 : memref<10001x128xf32, #tpu.memory_space<hbm>>) target(%arg14 : memref<24x128xf32, #tpu.memory_space<vmem>>) offsets(%dma_start3A_454 : memref<24xi32, #tpu.memory_space<vmem>>) semaphore(%arg27 : memref<!tpu.dma_semaphore, #tpu.memory_space<semaphore_mem>>)
      %add3A_458 = arith.constant 5 : i32
      %add3A_459 = arith.addi %add3A_433, %add3A_458 : i32
      %dma_start3A_460 = arith.constant 0 : i32
      %dma_start3A_461 = arith.constant 0 : i32
      %dma_start3A_462 = tpu.memref_slice %arg3[%add3A, %add3A_459, %dma_start3A_460, %dma_start3A_461] : memref<32x423x2x24xi32, #tpu.memory_space<hbm>> -> memref<1x1x2x24xi32, #tpu.memory_space<hbm>>
      %dma_start3A_463 = tpu.memref_squeeze %dma_start3A_462 : memref<1x1x2x24xi32, #tpu.memory_space<hbm>> -> memref<2x24xi32, #tpu.memory_space<hbm>>
      %dma_start3A_464 = arith.constant 0 : i32
      %dma_start3A_465 = arith.constant 0 : i32
      %dma_start3A_466 = tpu.memref_slice %arg3[%add3A, %add3A_459, %dma_start3A_464, %dma_start3A_465] : memref<32x423x2x24xi32, #tpu.memory_space<hbm>> -> memref<1x1x2x24xi32, #tpu.memory_space<hbm>>
      %dma_start3A_467 = tpu.memref_squeeze %dma_start3A_466 : memref<1x1x2x24xi32, #tpu.memory_space<hbm>> -> memref<2x24xi32, #tpu.memory_space<hbm>>
      tpu.enqueue_dma source(%dma_start3A_467 : memref<2x24xi32, #tpu.memory_space<hbm>>) target(%arg9 : memref<2x24xi32, #tpu.memory_space<vmem>>) target_semaphore(%arg22 : memref<!tpu.dma_semaphore, #tpu.memory_space<semaphore_mem>>)
      %dma_wait3A_468 = arith.constant 0 : i32
      %dma_wait3A_469 = arith.constant 0 : i32
      %dma_wait3A_470 = tpu.memref_slice %arg6[%dma_wait3A_468, %dma_wait3A_469] : memref<2x24xi32, #tpu.memory_space<vmem>> -> memref<1x24xi32, #tpu.memory_space<vmem>>
      %dma_wait3A_471 = tpu.memref_squeeze %dma_wait3A_470 : memref<1x24xi32, #tpu.memory_space<vmem>> -> memref<24xi32, #tpu.memory_space<vmem>>
      %dma_wait3A_472 = arith.constant 0 : i32
      %dma_wait3A_473 = arith.constant 0 : i32
      %dma_wait3A_474 = tpu.memref_slice %arg2[%dma_wait3A_472, %dma_wait3A_473] : memref<10001x128xf32, #tpu.memory_space<hbm>> -> memref<10001x128xf32, #tpu.memory_space<hbm>>
      tpu.wait_indirect_dma semaphore(%arg29 : memref<!tpu.dma_semaphore, #tpu.memory_space<semaphore_mem>>) src(%dma_wait3A_474 : memref<10001x128xf32, #tpu.memory_space<hbm>>) dst(%arg16 : memref<24x128xf32, #tpu.memory_space<vmem>>)
      %dma_start3A_475 = arith.constant 1 : i32
      %dma_start3A_476 = arith.constant 0 : i32
      %dma_start3A_477 = tpu.memref_slice %arg12[%dma_start3A_475, %dma_start3A_476] : memref<2x24xi32, #tpu.memory_space<vmem>> -> memref<1x24xi32, #tpu.memory_space<vmem>>
      %dma_start3A_478 = tpu.memref_squeeze %dma_start3A_477 : memref<1x24xi32, #tpu.memory_space<vmem>> -> memref<24xi32, #tpu.memory_space<vmem>>
      %dma_start3A_479 = arith.constant 0 : i32
      %dma_start3A_480 = arith.constant 0 : i32
      %dma_start3A_481 = tpu.memref_slice %arg18[%dma_start3A_479, %dma_start3A_480] : memref<10112x128xf32, #tpu.memory_space<vmem_shared>> -> memref<10112x128xf32, #tpu.memory_space<vmem_shared>>
      tpu.enqueue_indirect_dma source(%arg16 : memref<24x128xf32, #tpu.memory_space<vmem>>) target(%dma_start3A_481 : memref<10112x128xf32, #tpu.memory_space<vmem_shared>>) offsets(%dma_start3A_478 : memref<24xi32, #tpu.memory_space<vmem>>) semaphore(%arg33 : memref<!tpu.dma_semaphore, #tpu.memory_space<semaphore_mem>>) {add = true}
      %add3A_482 = arith.constant 5 : i32
      %add3A_483 = arith.addi %add3A_231, %add3A_482 : i32
      %dma_wait3A_484 = arith.constant 1 : i32
      %dma_wait3A_485 = arith.constant 0 : i32
      %dma_wait3A_486 = tpu.memref_slice %arg6[%dma_wait3A_484, %dma_wait3A_485] : memref<2x24xi32, #tpu.memory_space<vmem>> -> memref<1x24xi32, #tpu.memory_space<vmem>>
      %dma_wait3A_487 = tpu.memref_squeeze %dma_wait3A_486 : memref<1x24xi32, #tpu.memory_space<vmem>> -> memref<24xi32, #tpu.memory_space<vmem>>
      %dma_wait3A_488 = arith.constant 0 : i32
      %dma_wait3A_489 = arith.constant 0 : i32
      %dma_wait3A_490 = tpu.memref_slice %arg18[%dma_wait3A_488, %dma_wait3A_489] : memref<10112x128xf32, #tpu.memory_space<vmem_shared>> -> memref<10112x128xf32, #tpu.memory_space<vmem_shared>>
      tpu.wait_indirect_dma semaphore(%arg32 : memref<!tpu.dma_semaphore, #tpu.memory_space<semaphore_mem>>) src(%arg15 : memref<24x128xf32, #tpu.memory_space<vmem>>) dst(%dma_wait3A_490 : memref<10112x128xf32, #tpu.memory_space<vmem_shared>>)
      %add3A_491 = arith.constant 2 : i32
      %add3A_492 = arith.addi %add3A_483, %add3A_491 : i32
      %dma_wait3A_493 = arith.constant 0 : i32
      %dma_wait3A_494 = arith.constant 0 : i32
      %dma_wait3A_495 = tpu.memref_slice %arg3[%add3A, %add3A_492, %dma_wait3A_493, %dma_wait3A_494] : memref<32x423x2x24xi32, #tpu.memory_space<hbm>> -> memref<1x1x2x24xi32, #tpu.memory_space<hbm>>
      %dma_wait3A_496 = tpu.memref_squeeze %dma_wait3A_495 : memref<1x1x2x24xi32, #tpu.memory_space<hbm>> -> memref<2x24xi32, #tpu.memory_space<hbm>>
      %dma_wait3A_497 = arith.constant 0 : i32
      %dma_wait3A_498 = arith.constant 0 : i32
      %dma_wait3A_499 = tpu.memref_slice %arg3[%add3A, %add3A_492, %dma_wait3A_497, %dma_wait3A_498] : memref<32x423x2x24xi32, #tpu.memory_space<hbm>> -> memref<1x1x2x24xi32, #tpu.memory_space<hbm>>
      %dma_wait3A_500 = tpu.memref_squeeze %dma_wait3A_499 : memref<1x1x2x24xi32, #tpu.memory_space<hbm>> -> memref<2x24xi32, #tpu.memory_space<hbm>>
      tpu.wait_dma2 semaphore(%arg20 : memref<!tpu.dma_semaphore, #tpu.memory_space<semaphore_mem>>) src(%dma_wait3A_500 : memref<2x24xi32, #tpu.memory_space<hbm>>) dst(%arg7 : memref<2x24xi32, #tpu.memory_space<vmem>>)
      %dma_start3A_501 = arith.constant 0 : i32
      %dma_start3A_502 = arith.constant 0 : i32
      %dma_start3A_503 = tpu.memref_slice %arg7[%dma_start3A_501, %dma_start3A_502] : memref<2x24xi32, #tpu.memory_space<vmem>> -> memref<1x24xi32, #tpu.memory_space<vmem>>
      %dma_start3A_504 = tpu.memref_squeeze %dma_start3A_503 : memref<1x24xi32, #tpu.memory_space<vmem>> -> memref<24xi32, #tpu.memory_space<vmem>>
      %dma_start3A_505 = arith.constant 0 : i32
      %dma_start3A_506 = arith.constant 0 : i32
      %dma_start3A_507 = tpu.memref_slice %arg2[%dma_start3A_505, %dma_start3A_506] : memref<10001x128xf32, #tpu.memory_space<hbm>> -> memref<10001x128xf32, #tpu.memory_space<hbm>>
      tpu.enqueue_indirect_dma source(%dma_start3A_507 : memref<10001x128xf32, #tpu.memory_space<hbm>>) target(%arg15 : memref<24x128xf32, #tpu.memory_space<vmem>>) offsets(%dma_start3A_504 : memref<24xi32, #tpu.memory_space<vmem>>) semaphore(%arg28 : memref<!tpu.dma_semaphore, #tpu.memory_space<semaphore_mem>>)
      %add3A_508 = arith.constant 5 : i32
      %add3A_509 = arith.addi %add3A_483, %add3A_508 : i32
      %dma_start3A_510 = arith.constant 0 : i32
      %dma_start3A_511 = arith.constant 0 : i32
      %dma_start3A_512 = tpu.memref_slice %arg3[%add3A, %add3A_509, %dma_start3A_510, %dma_start3A_511] : memref<32x423x2x24xi32, #tpu.memory_space<hbm>> -> memref<1x1x2x24xi32, #tpu.memory_space<hbm>>
      %dma_start3A_513 = tpu.memref_squeeze %dma_start3A_512 : memref<1x1x2x24xi32, #tpu.memory_space<hbm>> -> memref<2x24xi32, #tpu.memory_space<hbm>>
      %dma_start3A_514 = arith.constant 0 : i32
      %dma_start3A_515 = arith.constant 0 : i32
      %dma_start3A_516 = tpu.memref_slice %arg3[%add3A, %add3A_509, %dma_start3A_514, %dma_start3A_515] : memref<32x423x2x24xi32, #tpu.memory_space<hbm>> -> memref<1x1x2x24xi32, #tpu.memory_space<hbm>>
      %dma_start3A_517 = tpu.memref_squeeze %dma_start3A_516 : memref<1x1x2x24xi32, #tpu.memory_space<hbm>> -> memref<2x24xi32, #tpu.memory_space<hbm>>
      tpu.enqueue_dma source(%dma_start3A_517 : memref<2x24xi32, #tpu.memory_space<hbm>>) target(%arg10 : memref<2x24xi32, #tpu.memory_space<vmem>>) target_semaphore(%arg23 : memref<!tpu.dma_semaphore, #tpu.memory_space<semaphore_mem>>)
      %dma_wait3A_518 = arith.constant 0 : i32
      %dma_wait3A_519 = arith.constant 0 : i32
      %dma_wait3A_520 = tpu.memref_slice %arg6[%dma_wait3A_518, %dma_wait3A_519] : memref<2x24xi32, #tpu.memory_space<vmem>> -> memref<1x24xi32, #tpu.memory_space<vmem>>
      %dma_wait3A_521 = tpu.memref_squeeze %dma_wait3A_520 : memref<1x24xi32, #tpu.memory_space<vmem>> -> memref<24xi32, #tpu.memory_space<vmem>>
      %dma_wait3A_522 = arith.constant 0 : i32
      %dma_wait3A_523 = arith.constant 0 : i32
      %dma_wait3A_524 = tpu.memref_slice %arg2[%dma_wait3A_522, %dma_wait3A_523] : memref<10001x128xf32, #tpu.memory_space<hbm>> -> memref<10001x128xf32, #tpu.memory_space<hbm>>
      tpu.wait_indirect_dma semaphore(%arg30 : memref<!tpu.dma_semaphore, #tpu.memory_space<semaphore_mem>>) src(%dma_wait3A_524 : memref<10001x128xf32, #tpu.memory_space<hbm>>) dst(%arg17 : memref<24x128xf32, #tpu.memory_space<vmem>>)
      %dma_start3A_525 = arith.constant 1 : i32
      %dma_start3A_526 = arith.constant 0 : i32
      %dma_start3A_527 = tpu.memref_slice %arg13[%dma_start3A_525, %dma_start3A_526] : memref<2x24xi32, #tpu.memory_space<vmem>> -> memref<1x24xi32, #tpu.memory_space<vmem>>
      %dma_start3A_528 = tpu.memref_squeeze %dma_start3A_527 : memref<1x24xi32, #tpu.memory_space<vmem>> -> memref<24xi32, #tpu.memory_space<vmem>>
      %dma_start3A_529 = arith.constant 0 : i32
      %dma_start3A_530 = arith.constant 0 : i32
      %dma_start3A_531 = tpu.memref_slice %arg18[%dma_start3A_529, %dma_start3A_530] : memref<10112x128xf32, #tpu.memory_space<vmem_shared>> -> memref<10112x128xf32, #tpu.memory_space<vmem_shared>>
      tpu.enqueue_indirect_dma source(%arg17 : memref<24x128xf32, #tpu.memory_space<vmem>>) target(%dma_start3A_531 : memref<10112x128xf32, #tpu.memory_space<vmem_shared>>) offsets(%dma_start3A_528 : memref<24xi32, #tpu.memory_space<vmem>>) semaphore(%arg34 : memref<!tpu.dma_semaphore, #tpu.memory_space<semaphore_mem>>) {add = true}
      %add3A_532 = arith.constant 6 : i32
      %add3A_533 = arith.addi %add3A_231, %add3A_532 : i32
      %dma_wait3A_534 = arith.constant 1 : i32
      %dma_wait3A_535 = arith.constant 0 : i32
      %dma_wait3A_536 = tpu.memref_slice %arg6[%dma_wait3A_534, %dma_wait3A_535] : memref<2x24xi32, #tpu.memory_space<vmem>> -> memref<1x24xi32, #tpu.memory_space<vmem>>
      %dma_wait3A_537 = tpu.memref_squeeze %dma_wait3A_536 : memref<1x24xi32, #tpu.memory_space<vmem>> -> memref<24xi32, #tpu.memory_space<vmem>>
      %dma_wait3A_538 = arith.constant 0 : i32
      %dma_wait3A_539 = arith.constant 0 : i32
      %dma_wait3A_540 = tpu.memref_slice %arg18[%dma_wait3A_538, %dma_wait3A_539] : memref<10112x128xf32, #tpu.memory_space<vmem_shared>> -> memref<10112x128xf32, #tpu.memory_space<vmem_shared>>
      tpu.wait_indirect_dma semaphore(%arg33 : memref<!tpu.dma_semaphore, #tpu.memory_space<semaphore_mem>>) src(%arg16 : memref<24x128xf32, #tpu.memory_space<vmem>>) dst(%dma_wait3A_540 : memref<10112x128xf32, #tpu.memory_space<vmem_shared>>)
      %add3A_541 = arith.constant 2 : i32
      %add3A_542 = arith.addi %add3A_533, %add3A_541 : i32
      %dma_wait3A_543 = arith.constant 0 : i32
      %dma_wait3A_544 = arith.constant 0 : i32
      %dma_wait3A_545 = tpu.memref_slice %arg3[%add3A, %add3A_542, %dma_wait3A_543, %dma_wait3A_544] : memref<32x423x2x24xi32, #tpu.memory_space<hbm>> -> memref<1x1x2x24xi32, #tpu.memory_space<hbm>>
      %dma_wait3A_546 = tpu.memref_squeeze %dma_wait3A_545 : memref<1x1x2x24xi32, #tpu.memory_space<hbm>> -> memref<2x24xi32, #tpu.memory_space<hbm>>
      %dma_wait3A_547 = arith.constant 0 : i32
      %dma_wait3A_548 = arith.constant 0 : i32
      %dma_wait3A_549 = tpu.memref_slice %arg3[%add3A, %add3A_542, %dma_wait3A_547, %dma_wait3A_548] : memref<32x423x2x24xi32, #tpu.memory_space<hbm>> -> memref<1x1x2x24xi32, #tpu.memory_space<hbm>>
      %dma_wait3A_550 = tpu.memref_squeeze %dma_wait3A_549 : memref<1x1x2x24xi32, #tpu.memory_space<hbm>> -> memref<2x24xi32, #tpu.memory_space<hbm>>
      tpu.wait_dma2 semaphore(%arg21 : memref<!tpu.dma_semaphore, #tpu.memory_space<semaphore_mem>>) src(%dma_wait3A_550 : memref<2x24xi32, #tpu.memory_space<hbm>>) dst(%arg8 : memref<2x24xi32, #tpu.memory_space<vmem>>)
      %dma_start3A_551 = arith.constant 0 : i32
      %dma_start3A_552 = arith.constant 0 : i32
      %dma_start3A_553 = tpu.memref_slice %arg8[%dma_start3A_551, %dma_start3A_552] : memref<2x24xi32, #tpu.memory_space<vmem>> -> memref<1x24xi32, #tpu.memory_space<vmem>>
      %dma_start3A_554 = tpu.memref_squeeze %dma_start3A_553 : memref<1x24xi32, #tpu.memory_space<vmem>> -> memref<24xi32, #tpu.memory_space<vmem>>
      %dma_start3A_555 = arith.constant 0 : i32
      %dma_start3A_556 = arith.constant 0 : i32
      %dma_start3A_557 = tpu.memref_slice %arg2[%dma_start3A_555, %dma_start3A_556] : memref<10001x128xf32, #tpu.memory_space<hbm>> -> memref<10001x128xf32, #tpu.memory_space<hbm>>
      tpu.enqueue_indirect_dma source(%dma_start3A_557 : memref<10001x128xf32, #tpu.memory_space<hbm>>) target(%arg16 : memref<24x128xf32, #tpu.memory_space<vmem>>) offsets(%dma_start3A_554 : memref<24xi32, #tpu.memory_space<vmem>>) semaphore(%arg29 : memref<!tpu.dma_semaphore, #tpu.memory_space<semaphore_mem>>)
      %add3A_558 = arith.constant 5 : i32
      %add3A_559 = arith.addi %add3A_533, %add3A_558 : i32
      %dma_start3A_560 = arith.constant 0 : i32
      %dma_start3A_561 = arith.constant 0 : i32
      %dma_start3A_562 = tpu.memref_slice %arg3[%add3A, %add3A_559, %dma_start3A_560, %dma_start3A_561] : memref<32x423x2x24xi32, #tpu.memory_space<hbm>> -> memref<1x1x2x24xi32, #tpu.memory_space<hbm>>
      %dma_start3A_563 = tpu.memref_squeeze %dma_start3A_562 : memref<1x1x2x24xi32, #tpu.memory_space<hbm>> -> memref<2x24xi32, #tpu.memory_space<hbm>>
      %dma_start3A_564 = arith.constant 0 : i32
      %dma_start3A_565 = arith.constant 0 : i32
      %dma_start3A_566 = tpu.memref_slice %arg3[%add3A, %add3A_559, %dma_start3A_564, %dma_start3A_565] : memref<32x423x2x24xi32, #tpu.memory_space<hbm>> -> memref<1x1x2x24xi32, #tpu.memory_space<hbm>>
      %dma_start3A_567 = tpu.memref_squeeze %dma_start3A_566 : memref<1x1x2x24xi32, #tpu.memory_space<hbm>> -> memref<2x24xi32, #tpu.memory_space<hbm>>
      tpu.enqueue_dma source(%dma_start3A_567 : memref<2x24xi32, #tpu.memory_space<hbm>>) target(%arg11 : memref<2x24xi32, #tpu.memory_space<vmem>>) target_semaphore(%arg24 : memref<!tpu.dma_semaphore, #tpu.memory_space<semaphore_mem>>)
      %dma_wait3A_568 = arith.constant 0 : i32
      %dma_wait3A_569 = arith.constant 0 : i32
      %dma_wait3A_570 = tpu.memref_slice %arg6[%dma_wait3A_568, %dma_wait3A_569] : memref<2x24xi32, #tpu.memory_space<vmem>> -> memref<1x24xi32, #tpu.memory_space<vmem>>
      %dma_wait3A_571 = tpu.memref_squeeze %dma_wait3A_570 : memref<1x24xi32, #tpu.memory_space<vmem>> -> memref<24xi32, #tpu.memory_space<vmem>>
      %dma_wait3A_572 = arith.constant 0 : i32
      %dma_wait3A_573 = arith.constant 0 : i32
      %dma_wait3A_574 = tpu.memref_slice %arg2[%dma_wait3A_572, %dma_wait3A_573] : memref<10001x128xf32, #tpu.memory_space<hbm>> -> memref<10001x128xf32, #tpu.memory_space<hbm>>
      tpu.wait_indirect_dma semaphore(%arg27 : memref<!tpu.dma_semaphore, #tpu.memory_space<semaphore_mem>>) src(%dma_wait3A_574 : memref<10001x128xf32, #tpu.memory_space<hbm>>) dst(%arg14 : memref<24x128xf32, #tpu.memory_space<vmem>>)
      %dma_start3A_575 = arith.constant 1 : i32
      %dma_start3A_576 = arith.constant 0 : i32
      %dma_start3A_577 = tpu.memref_slice %arg6[%dma_start3A_575, %dma_start3A_576] : memref<2x24xi32, #tpu.memory_space<vmem>> -> memref<1x24xi32, #tpu.memory_space<vmem>>
      %dma_start3A_578 = tpu.memref_squeeze %dma_start3A_577 : memref<1x24xi32, #tpu.memory_space<vmem>> -> memref<24xi32, #tpu.memory_space<vmem>>
      %dma_start3A_579 = arith.constant 0 : i32
      %dma_start3A_580 = arith.constant 0 : i32
      %dma_start3A_581 = tpu.memref_slice %arg18[%dma_start3A_579, %dma_start3A_580] : memref<10112x128xf32, #tpu.memory_space<vmem_shared>> -> memref<10112x128xf32, #tpu.memory_space<vmem_shared>>
      tpu.enqueue_indirect_dma source(%arg14 : memref<24x128xf32, #tpu.memory_space<vmem>>) target(%dma_start3A_581 : memref<10112x128xf32, #tpu.memory_space<vmem_shared>>) offsets(%dma_start3A_578 : memref<24xi32, #tpu.memory_space<vmem>>) semaphore(%arg31 : memref<!tpu.dma_semaphore, #tpu.memory_space<semaphore_mem>>) {add = true}
      %add3A_582 = arith.constant 7 : i32
      %add3A_583 = arith.addi %add3A_231, %add3A_582 : i32
      %dma_wait3A_584 = arith.constant 1 : i32
      %dma_wait3A_585 = arith.constant 0 : i32
      %dma_wait3A_586 = tpu.memref_slice %arg6[%dma_wait3A_584, %dma_wait3A_585] : memref<2x24xi32, #tpu.memory_space<vmem>> -> memref<1x24xi32, #tpu.memory_space<vmem>>
      %dma_wait3A_587 = tpu.memref_squeeze %dma_wait3A_586 : memref<1x24xi32, #tpu.memory_space<vmem>> -> memref<24xi32, #tpu.memory_space<vmem>>
      %dma_wait3A_588 = arith.constant 0 : i32
      %dma_wait3A_589 = arith.constant 0 : i32
      %dma_wait3A_590 = tpu.memref_slice %arg18[%dma_wait3A_588, %dma_wait3A_589] : memref<10112x128xf32, #tpu.memory_space<vmem_shared>> -> memref<10112x128xf32, #tpu.memory_space<vmem_shared>>
      tpu.wait_indirect_dma semaphore(%arg34 : memref<!tpu.dma_semaphore, #tpu.memory_space<semaphore_mem>>) src(%arg17 : memref<24x128xf32, #tpu.memory_space<vmem>>) dst(%dma_wait3A_590 : memref<10112x128xf32, #tpu.memory_space<vmem_shared>>)
      %add3A_591 = arith.constant 2 : i32
      %add3A_592 = arith.addi %add3A_583, %add3A_591 : i32
      %dma_wait3A_593 = arith.constant 0 : i32
      %dma_wait3A_594 = arith.constant 0 : i32
      %dma_wait3A_595 = tpu.memref_slice %arg3[%add3A, %add3A_592, %dma_wait3A_593, %dma_wait3A_594] : memref<32x423x2x24xi32, #tpu.memory_space<hbm>> -> memref<1x1x2x24xi32, #tpu.memory_space<hbm>>
      %dma_wait3A_596 = tpu.memref_squeeze %dma_wait3A_595 : memref<1x1x2x24xi32, #tpu.memory_space<hbm>> -> memref<2x24xi32, #tpu.memory_space<hbm>>
      %dma_wait3A_597 = arith.constant 0 : i32
      %dma_wait3A_598 = arith.constant 0 : i32
      %dma_wait3A_599 = tpu.memref_slice %arg3[%add3A, %add3A_592, %dma_wait3A_597, %dma_wait3A_598] : memref<32x423x2x24xi32, #tpu.memory_space<hbm>> -> memref<1x1x2x24xi32, #tpu.memory_space<hbm>>
      %dma_wait3A_600 = tpu.memref_squeeze %dma_wait3A_599 : memref<1x1x2x24xi32, #tpu.memory_space<hbm>> -> memref<2x24xi32, #tpu.memory_space<hbm>>
      tpu.wait_dma2 semaphore(%arg22 : memref<!tpu.dma_semaphore, #tpu.memory_space<semaphore_mem>>) src(%dma_wait3A_600 : memref<2x24xi32, #tpu.memory_space<hbm>>) dst(%arg9 : memref<2x24xi32, #tpu.memory_space<vmem>>)
      %dma_start3A_601 = arith.constant 0 : i32
      %dma_start3A_602 = arith.constant 0 : i32
      %dma_start3A_603 = tpu.memref_slice %arg9[%dma_start3A_601, %dma_start3A_602] : memref<2x24xi32, #tpu.memory_space<vmem>> -> memref<1x24xi32, #tpu.memory_space<vmem>>
      %dma_start3A_604 = tpu.memref_squeeze %dma_start3A_603 : memref<1x24xi32, #tpu.memory_space<vmem>> -> memref<24xi32, #tpu.memory_space<vmem>>
      %dma_start3A_605 = arith.constant 0 : i32
      %dma_start3A_606 = arith.constant 0 : i32
      %dma_start3A_607 = tpu.memref_slice %arg2[%dma_start3A_605, %dma_start3A_606] : memref<10001x128xf32, #tpu.memory_space<hbm>> -> memref<10001x128xf32, #tpu.memory_space<hbm>>
      tpu.enqueue_indirect_dma source(%dma_start3A_607 : memref<10001x128xf32, #tpu.memory_space<hbm>>) target(%arg17 : memref<24x128xf32, #tpu.memory_space<vmem>>) offsets(%dma_start3A_604 : memref<24xi32, #tpu.memory_space<vmem>>) semaphore(%arg30 : memref<!tpu.dma_semaphore, #tpu.memory_space<semaphore_mem>>)
      %add3A_608 = arith.constant 5 : i32
      %add3A_609 = arith.addi %add3A_583, %add3A_608 : i32
      %dma_start3A_610 = arith.constant 0 : i32
      %dma_start3A_611 = arith.constant 0 : i32
      %dma_start3A_612 = tpu.memref_slice %arg3[%add3A, %add3A_609, %dma_start3A_610, %dma_start3A_611] : memref<32x423x2x24xi32, #tpu.memory_space<hbm>> -> memref<1x1x2x24xi32, #tpu.memory_space<hbm>>
      %dma_start3A_613 = tpu.memref_squeeze %dma_start3A_612 : memref<1x1x2x24xi32, #tpu.memory_space<hbm>> -> memref<2x24xi32, #tpu.memory_space<hbm>>
      %dma_start3A_614 = arith.constant 0 : i32
      %dma_start3A_615 = arith.constant 0 : i32
      %dma_start3A_616 = tpu.memref_slice %arg3[%add3A, %add3A_609, %dma_start3A_614, %dma_start3A_615] : memref<32x423x2x24xi32, #tpu.memory_space<hbm>> -> memref<1x1x2x24xi32, #tpu.memory_space<hbm>>
      %dma_start3A_617 = tpu.memref_squeeze %dma_start3A_616 : memref<1x1x2x24xi32, #tpu.memory_space<hbm>> -> memref<2x24xi32, #tpu.memory_space<hbm>>
      tpu.enqueue_dma source(%dma_start3A_617 : memref<2x24xi32, #tpu.memory_space<hbm>>) target(%arg12 : memref<2x24xi32, #tpu.memory_space<vmem>>) target_semaphore(%arg25 : memref<!tpu.dma_semaphore, #tpu.memory_space<semaphore_mem>>)
      %dma_wait3A_618 = arith.constant 0 : i32
      %dma_wait3A_619 = arith.constant 0 : i32
      %dma_wait3A_620 = tpu.memref_slice %arg6[%dma_wait3A_618, %dma_wait3A_619] : memref<2x24xi32, #tpu.memory_space<vmem>> -> memref<1x24xi32, #tpu.memory_space<vmem>>
      %dma_wait3A_621 = tpu.memref_squeeze %dma_wait3A_620 : memref<1x24xi32, #tpu.memory_space<vmem>> -> memref<24xi32, #tpu.memory_space<vmem>>
      %dma_wait3A_622 = arith.constant 0 : i32
      %dma_wait3A_623 = arith.constant 0 : i32
      %dma_wait3A_624 = tpu.memref_slice %arg2[%dma_wait3A_622, %dma_wait3A_623] : memref<10001x128xf32, #tpu.memory_space<hbm>> -> memref<10001x128xf32, #tpu.memory_space<hbm>>
      tpu.wait_indirect_dma semaphore(%arg28 : memref<!tpu.dma_semaphore, #tpu.memory_space<semaphore_mem>>) src(%dma_wait3A_624 : memref<10001x128xf32, #tpu.memory_space<hbm>>) dst(%arg15 : memref<24x128xf32, #tpu.memory_space<vmem>>)
      %dma_start3A_625 = arith.constant 1 : i32
      %dma_start3A_626 = arith.constant 0 : i32
      %dma_start3A_627 = tpu.memref_slice %arg7[%dma_start3A_625, %dma_start3A_626] : memref<2x24xi32, #tpu.memory_space<vmem>> -> memref<1x24xi32, #tpu.memory_space<vmem>>
      %dma_start3A_628 = tpu.memref_squeeze %dma_start3A_627 : memref<1x24xi32, #tpu.memory_space<vmem>> -> memref<24xi32, #tpu.memory_space<vmem>>
      %dma_start3A_629 = arith.constant 0 : i32
      %dma_start3A_630 = arith.constant 0 : i32
      %dma_start3A_631 = tpu.memref_slice %arg18[%dma_start3A_629, %dma_start3A_630] : memref<10112x128xf32, #tpu.memory_space<vmem_shared>> -> memref<10112x128xf32, #tpu.memory_space<vmem_shared>>
      tpu.enqueue_indirect_dma source(%arg15 : memref<24x128xf32, #tpu.memory_space<vmem>>) target(%dma_start3A_631 : memref<10112x128xf32, #tpu.memory_space<vmem_shared>>) offsets(%dma_start3A_628 : memref<24xi32, #tpu.memory_space<vmem>>) semaphore(%arg32 : memref<!tpu.dma_semaphore, #tpu.memory_space<semaphore_mem>>) {add = true}
      %scan3A_632 = arith.constant 0 : i32
      scf.yield %scan3A_632 : i32
    }
    %scan3A_169 = arith.constant 52 : i32
    %dma_wait3A_170 = arith.constant 1 : i32
    %dma_wait3A_171 = arith.constant 0 : i32
    %dma_wait3A_172 = tpu.memref_slice %arg6[%dma_wait3A_170, %dma_wait3A_171] : memref<2x24xi32, #tpu.memory_space<vmem>> -> memref<1x24xi32, #tpu.memory_space<vmem>>
    %dma_wait3A_173 = tpu.memref_squeeze %dma_wait3A_172 : memref<1x24xi32, #tpu.memory_space<vmem>> -> memref<24xi32, #tpu.memory_space<vmem>>
    %dma_wait3A_174 = arith.constant 0 : i32
    %dma_wait3A_175 = arith.constant 0 : i32
    %dma_wait3A_176 = tpu.memref_slice %arg18[%dma_wait3A_174, %dma_wait3A_175] : memref<10112x128xf32, #tpu.memory_space<vmem_shared>> -> memref<10112x128xf32, #tpu.memory_space<vmem_shared>>
    tpu.wait_indirect_dma semaphore(%arg31 : memref<!tpu.dma_semaphore, #tpu.memory_space<semaphore_mem>>) src(%arg14 : memref<24x128xf32, #tpu.memory_space<vmem>>) dst(%dma_wait3A_176 : memref<10112x128xf32, #tpu.memory_space<vmem_shared>>)
    %dma_wait3A_177 = arith.constant 1 : i32
    %dma_wait3A_178 = arith.constant 0 : i32
    %dma_wait3A_179 = tpu.memref_slice %arg6[%dma_wait3A_177, %dma_wait3A_178] : memref<2x24xi32, #tpu.memory_space<vmem>> -> memref<1x24xi32, #tpu.memory_space<vmem>>
    %dma_wait3A_180 = tpu.memref_squeeze %dma_wait3A_179 : memref<1x24xi32, #tpu.memory_space<vmem>> -> memref<24xi32, #tpu.memory_space<vmem>>
    %dma_wait3A_181 = arith.constant 0 : i32
    %dma_wait3A_182 = arith.constant 0 : i32
    %dma_wait3A_183 = tpu.memref_slice %arg18[%dma_wait3A_181, %dma_wait3A_182] : memref<10112x128xf32, #tpu.memory_space<vmem_shared>> -> memref<10112x128xf32, #tpu.memory_space<vmem_shared>>
    tpu.wait_indirect_dma semaphore(%arg32 : memref<!tpu.dma_semaphore, #tpu.memory_space<semaphore_mem>>) src(%arg15 : memref<24x128xf32, #tpu.memory_space<vmem>>) dst(%dma_wait3A_183 : memref<10112x128xf32, #tpu.memory_space<vmem_shared>>)
    %dma_wait3A_184 = arith.constant 0 : i32
    %dma_wait3A_185 = arith.constant 0 : i32
    %dma_wait3A_186 = tpu.memref_slice %arg6[%dma_wait3A_184, %dma_wait3A_185] : memref<2x24xi32, #tpu.memory_space<vmem>> -> memref<1x24xi32, #tpu.memory_space<vmem>>
    %dma_wait3A_187 = tpu.memref_squeeze %dma_wait3A_186 : memref<1x24xi32, #tpu.memory_space<vmem>> -> memref<24xi32, #tpu.memory_space<vmem>>
    %dma_wait3A_188 = arith.constant 0 : i32
    %dma_wait3A_189 = arith.constant 0 : i32
    %dma_wait3A_190 = tpu.memref_slice %arg2[%dma_wait3A_188, %dma_wait3A_189] : memref<10001x128xf32, #tpu.memory_space<hbm>> -> memref<10001x128xf32, #tpu.memory_space<hbm>>
    tpu.wait_indirect_dma semaphore(%arg29 : memref<!tpu.dma_semaphore, #tpu.memory_space<semaphore_mem>>) src(%dma_wait3A_190 : memref<10001x128xf32, #tpu.memory_space<hbm>>) dst(%arg16 : memref<24x128xf32, #tpu.memory_space<vmem>>)
    %dma_wait3A_191 = arith.constant 0 : i32
    %dma_wait3A_192 = arith.constant 0 : i32
    %dma_wait3A_193 = tpu.memref_slice %arg6[%dma_wait3A_191, %dma_wait3A_192] : memref<2x24xi32, #tpu.memory_space<vmem>> -> memref<1x24xi32, #tpu.memory_space<vmem>>
    %dma_wait3A_194 = tpu.memref_squeeze %dma_wait3A_193 : memref<1x24xi32, #tpu.memory_space<vmem>> -> memref<24xi32, #tpu.memory_space<vmem>>
    %dma_wait3A_195 = arith.constant 0 : i32
    %dma_wait3A_196 = arith.constant 0 : i32
    %dma_wait3A_197 = tpu.memref_slice %arg2[%dma_wait3A_195, %dma_wait3A_196] : memref<10001x128xf32, #tpu.memory_space<hbm>> -> memref<10001x128xf32, #tpu.memory_space<hbm>>
    tpu.wait_indirect_dma semaphore(%arg30 : memref<!tpu.dma_semaphore, #tpu.memory_space<semaphore_mem>>) src(%dma_wait3A_197 : memref<10001x128xf32, #tpu.memory_space<hbm>>) dst(%arg17 : memref<24x128xf32, #tpu.memory_space<vmem>>)
    %dma_wait3A_198 = arith.constant 420 : i32
    %dma_wait3A_199 = arith.constant 0 : i32
    %dma_wait3A_200 = arith.constant 0 : i32
    %dma_wait3A_201 = tpu.memref_slice %arg3[%add3A, %dma_wait3A_198, %dma_wait3A_199, %dma_wait3A_200] : memref<32x423x2x24xi32, #tpu.memory_space<hbm>> -> memref<1x1x2x24xi32, #tpu.memory_space<hbm>>
    %dma_wait3A_202 = tpu.memref_squeeze %dma_wait3A_201 : memref<1x1x2x24xi32, #tpu.memory_space<hbm>> -> memref<2x24xi32, #tpu.memory_space<hbm>>
    %dma_wait3A_203 = arith.constant 0 : i32
    %dma_wait3A_204 = arith.constant 0 : i32
    %dma_wait3A_205 = tpu.memref_slice %arg3[%add3A, %dma_wait3A_198, %dma_wait3A_203, %dma_wait3A_204] : memref<32x423x2x24xi32, #tpu.memory_space<hbm>> -> memref<1x1x2x24xi32, #tpu.memory_space<hbm>>
    %dma_wait3A_206 = tpu.memref_squeeze %dma_wait3A_205 : memref<1x1x2x24xi32, #tpu.memory_space<hbm>> -> memref<2x24xi32, #tpu.memory_space<hbm>>
    tpu.wait_dma2 semaphore(%arg23 : memref<!tpu.dma_semaphore, #tpu.memory_space<semaphore_mem>>) src(%dma_wait3A_206 : memref<2x24xi32, #tpu.memory_space<hbm>>) dst(%arg10 : memref<2x24xi32, #tpu.memory_space<vmem>>)
    %dma_wait3A_207 = arith.constant 421 : i32
    %dma_wait3A_208 = arith.constant 0 : i32
    %dma_wait3A_209 = arith.constant 0 : i32
    %dma_wait3A_210 = tpu.memref_slice %arg3[%add3A, %dma_wait3A_207, %dma_wait3A_208, %dma_wait3A_209] : memref<32x423x2x24xi32, #tpu.memory_space<hbm>> -> memref<1x1x2x24xi32, #tpu.memory_space<hbm>>
    %dma_wait3A_211 = tpu.memref_squeeze %dma_wait3A_210 : memref<1x1x2x24xi32, #tpu.memory_space<hbm>> -> memref<2x24xi32, #tpu.memory_space<hbm>>
    %dma_wait3A_212 = arith.constant 0 : i32
    %dma_wait3A_213 = arith.constant 0 : i32
    %dma_wait3A_214 = tpu.memref_slice %arg3[%add3A, %dma_wait3A_207, %dma_wait3A_212, %dma_wait3A_213] : memref<32x423x2x24xi32, #tpu.memory_space<hbm>> -> memref<1x1x2x24xi32, #tpu.memory_space<hbm>>
    %dma_wait3A_215 = tpu.memref_squeeze %dma_wait3A_214 : memref<1x1x2x24xi32, #tpu.memory_space<hbm>> -> memref<2x24xi32, #tpu.memory_space<hbm>>
    tpu.wait_dma2 semaphore(%arg24 : memref<!tpu.dma_semaphore, #tpu.memory_space<semaphore_mem>>) src(%dma_wait3A_215 : memref<2x24xi32, #tpu.memory_space<hbm>>) dst(%arg11 : memref<2x24xi32, #tpu.memory_space<vmem>>)
    %dma_wait3A_216 = arith.constant 422 : i32
    %dma_wait3A_217 = arith.constant 0 : i32
    %dma_wait3A_218 = arith.constant 0 : i32
    %dma_wait3A_219 = tpu.memref_slice %arg3[%add3A, %dma_wait3A_216, %dma_wait3A_217, %dma_wait3A_218] : memref<32x423x2x24xi32, #tpu.memory_space<hbm>> -> memref<1x1x2x24xi32, #tpu.memory_space<hbm>>
    %dma_wait3A_220 = tpu.memref_squeeze %dma_wait3A_219 : memref<1x1x2x24xi32, #tpu.memory_space<hbm>> -> memref<2x24xi32, #tpu.memory_space<hbm>>
    %dma_wait3A_221 = arith.constant 0 : i32
    %dma_wait3A_222 = arith.constant 0 : i32
    %dma_wait3A_223 = tpu.memref_slice %arg3[%add3A, %dma_wait3A_216, %dma_wait3A_221, %dma_wait3A_222] : memref<32x423x2x24xi32, #tpu.memory_space<hbm>> -> memref<1x1x2x24xi32, #tpu.memory_space<hbm>>
    %dma_wait3A_224 = tpu.memref_squeeze %dma_wait3A_223 : memref<1x1x2x24xi32, #tpu.memory_space<hbm>> -> memref<2x24xi32, #tpu.memory_space<hbm>>
    tpu.wait_dma2 semaphore(%arg25 : memref<!tpu.dma_semaphore, #tpu.memory_space<semaphore_mem>>) src(%dma_wait3A_224 : memref<2x24xi32, #tpu.memory_space<hbm>>) dst(%arg12 : memref<2x24xi32, #tpu.memory_space<vmem>>)
    %barrier3A_225 = arith.constant 0 : index
    tpu.barrier barrier_id(%barrier3A_225)
    "tpu.region"() ({
      %run_scoped3A = tpu.sem_alloc : memref<!tpu.dma_semaphore, #tpu.memory_space<semaphore_mem>>
      %dma_start3A_226 = arith.constant 0 : i32
      %dma_start3A_227 = tpu.memref_slice %arg5[%arg0, %mul3A_2, %dma_start3A_226] : memref<2x10112x128xf32, #tpu.memory_space<hbm>> -> memref<1x632x128xf32, #tpu.memory_space<hbm>>
      %dma_start3A_228 = tpu.memref_squeeze %dma_start3A_227 : memref<1x632x128xf32, #tpu.memory_space<hbm>> -> memref<632x128xf32, #tpu.memory_space<hbm>>
      %dma_start3A_229 = arith.constant 0 : i32
      %dma_start3A_230 = tpu.memref_slice %arg18[%mul3A_2, %dma_start3A_229] : memref<10112x128xf32, #tpu.memory_space<vmem_shared>> -> memref<632x128xf32, #tpu.memory_space<vmem_shared>>
      tpu.enqueue_dma source(%dma_start3A_230 : memref<632x128xf32, #tpu.memory_space<vmem_shared>>) target(%dma_start3A_228 : memref<632x128xf32, #tpu.memory_space<hbm>>) target_semaphore(%run_scoped3A : memref<!tpu.dma_semaphore, #tpu.memory_space<semaphore_mem>>)
      %dma_wait3A_231 = arith.constant 0 : i32
      %dma_wait3A_232 = tpu.memref_slice %arg5[%arg0, %mul3A_2, %dma_wait3A_231] : memref<2x10112x128xf32, #tpu.memory_space<hbm>> -> memref<1x632x128xf32, #tpu.memory_space<hbm>>
      %dma_wait3A_233 = tpu.memref_squeeze %dma_wait3A_232 : memref<1x632x128xf32, #tpu.memory_space<hbm>> -> memref<632x128xf32, #tpu.memory_space<hbm>>
      %dma_wait3A_234 = arith.constant 0 : i32
      %dma_wait3A_235 = tpu.memref_slice %arg18[%mul3A_2, %dma_wait3A_234] : memref<10112x128xf32, #tpu.memory_space<vmem_shared>> -> memref<632x128xf32, #tpu.memory_space<vmem_shared>>
      tpu.wait_dma2 semaphore(%run_scoped3A : memref<!tpu.dma_semaphore, #tpu.memory_space<semaphore_mem>>) src(%dma_wait3A_235 : memref<632x128xf32, #tpu.memory_space<vmem_shared>>) dst(%dma_wait3A_233 : memref<632x128xf32, #tpu.memory_space<hbm>>)
      tpu.yield
    }) : () -> ()
    return
  }
}

module attributes {stable_mosaic.version = 14 : i64} {
  func.func @body(%arg0: i32, %arg1: memref<1000x128xf32, #tpu.memory_space<vmem>>, %arg2: memref<1000x144xf32, #tpu.memory_space<vmem>>, %arg3: memref<1000x144xf32, #tpu.memory_space<vmem>>, %arg4: memref<128x128xf32, #tpu.memory_space<vmem>>, %arg5: memref<128x128xf32, #tpu.memory_space<vmem>>, %arg6: memref<1x128xf32, #tpu.memory_space<vmem>>, %arg7: memref<1000x128xf32, #tpu.memory_space<vmem>>, %arg8: memref<1000x1xf32, #tpu.memory_space<vmem>>) attributes {dimension_semantics = [#tpu.dimension_semantics<arbitrary>], iteration_bounds = array<i64: 10>, scalar_prefetch = 0 : i64, scratch_operands = 0 : i64, tpu.core_type = #tpu.core_type<tc>, window_params = [{transform_indices = @transform_0, window_bounds = array<i64: 1000, 128>}, {transform_indices = @transform_1, window_bounds = array<i64: 1000, 144>}, {transform_indices = @transform_2, window_bounds = array<i64: 1000, 144>}, {pipeline_mode = #tpu.pipeline_mode<synchronous>, transform_indices = @transform_3, window_bounds = array<i64: 128, 128>}, {pipeline_mode = #tpu.pipeline_mode<synchronous>, transform_indices = @transform_4, window_bounds = array<i64: 128, 128>}, {pipeline_mode = #tpu.pipeline_mode<synchronous>, transform_indices = @transform_5, window_bounds = array<i64: 1, 128>}, {transform_indices = @transform_6, window_bounds = array<i64: 1000, 128>}, {transform_indices = @transform_7, window_bounds = array<i64: 1000, 1>}]} {
    %get3A = arith.constant 0 : index
    %get3A_0 = arith.constant 0 : index
    %get3A_1 = vector.load %arg1[%get3A, %get3A_0] : memref<1000x128xf32, #tpu.memory_space<vmem>>, vector<1000x128xf32>
    %get3A_2 = arith.constant 0 : index
    %get3A_3 = arith.constant 0 : index
    %get3A_4 = vector.load %arg2[%get3A_2, %get3A_3] : memref<1000x144xf32, #tpu.memory_space<vmem>>, vector<1000x144xf32>
    %get3A_5 = arith.constant 0 : index
    %get3A_6 = arith.constant 0 : index
    %get3A_7 = vector.load %arg3[%get3A_5, %get3A_6] : memref<1000x144xf32, #tpu.memory_space<vmem>>, vector<1000x144xf32>
    %slice3A = vector.extract_strided_slice %get3A_4 {offsets = [0, 128], sizes = [1000, 1], strides = [1, 1]} : vector<1000x144xf32> to vector<1000x1xf32>
    %slice3A_8 = vector.extract_strided_slice %get3A_7 {offsets = [0, 128], sizes = [1000, 1], strides = [1, 1]} : vector<1000x144xf32> to vector<1000x1xf32>
    %add3A = arith.addf %slice3A, %slice3A_8 : vector<1000x1xf32>
    %add3A_9 = arith.constant 1.000000e+00 : f32
    %add3A_10 = vector.broadcast %add3A_9 : f32 to vector<1000x1xf32>
    %add3A_11 = arith.addf %add3A, %add3A_10 : vector<1000x1xf32>
    %div3A = arith.constant 1.000000e+00 : f32
    %div3A_12 = vector.broadcast %div3A : f32 to vector<1000x1xf32>
    %div3A_13 = arith.divf %div3A_12, %add3A_11 : vector<1000x1xf32>
    %slice3A_14 = vector.extract_strided_slice %get3A_4 {offsets = [0, 0], sizes = [1000, 128], strides = [1, 1]} : vector<1000x144xf32> to vector<1000x128xf32>
    %slice3A_15 = vector.extract_strided_slice %get3A_7 {offsets = [0, 0], sizes = [1000, 128], strides = [1, 1]} : vector<1000x144xf32> to vector<1000x128xf32>
    %add3A_16 = arith.addf %slice3A_14, %slice3A_15 : vector<1000x128xf32>
    %add3A_17 = arith.addf %add3A_16, %get3A_1 : vector<1000x128xf32>
    %mul3A = vector.broadcast %div3A_13 : vector<1000x1xf32> to vector<1000x128xf32>
    %mul3A_18 = arith.mulf %add3A_17, %mul3A : vector<1000x128xf32>
    %get3A_19 = arith.constant 0 : index
    %get3A_20 = arith.constant 0 : index
    %get3A_21 = vector.load %arg4[%get3A_19, %get3A_20] : memref<128x128xf32, #tpu.memory_space<vmem>>, vector<128x128xf32>
    %dot_general3A = arith.constant dense<0.000000e+00> : vector<1000x128xf32>
    %dot_general3A_22 = tpu.matmul %get3A_1, %get3A_21, %dot_general3A {dimension_numbers = #tpu.dot_dimension_numbers<[1], [0], [0], [1], [0, 0, 1, 1], [], []>, transpose_lhs_hint = false} : vector<1000x128xf32>, vector<128x128xf32>, vector<1000x128xf32> -> vector<1000x128xf32>
    %get3A_23 = arith.constant 0 : index
    %get3A_24 = arith.constant 0 : index
    %get3A_25 = vector.load %arg5[%get3A_23, %get3A_24] : memref<128x128xf32, #tpu.memory_space<vmem>>, vector<128x128xf32>
    %dot_general3A_26 = arith.constant dense<0.000000e+00> : vector<1000x128xf32>
    %dot_general3A_27 = tpu.matmul %mul3A_18, %get3A_25, %dot_general3A_26 {dimension_numbers = #tpu.dot_dimension_numbers<[1], [0], [0], [1], [0, 0, 1, 1], [], []>, transpose_lhs_hint = false} : vector<1000x128xf32>, vector<128x128xf32>, vector<1000x128xf32> -> vector<1000x128xf32>
    %add3A_28 = arith.addf %dot_general3A_22, %dot_general3A_27 : vector<1000x128xf32>
    %get3A_29 = arith.constant 0 : index
    %get3A_30 = arith.constant 0 : index
    %get3A_31 = vector.load %arg6[%get3A_29, %get3A_30] : memref<1x128xf32, #tpu.memory_space<vmem>>, vector<1x128xf32>
    %add3A_32 = vector.broadcast %get3A_31 : vector<1x128xf32> to vector<1000x128xf32>
    %add3A_33 = arith.addf %add3A_28, %add3A_32 : vector<1000x128xf32>
    %max3A = arith.constant 0.000000e+00 : f32
    %max3A_34 = vector.broadcast %max3A : f32 to vector<1000x128xf32>
    %max3A_35 = arith.maximumf %add3A_33, %max3A_34 : vector<1000x128xf32>
    %swap3A = arith.constant 0 : index
    %swap3A_36 = arith.constant 0 : index
    %swap3A_37 = vector.load %arg7[%swap3A, %swap3A_36] : memref<1000x128xf32, #tpu.memory_space<vmem>>, vector<1000x128xf32>
    tpu.vector_store %arg7[%swap3A, %swap3A_36], %max3A_35 {strides = array<i32>} : memref<1000x128xf32, #tpu.memory_space<vmem>>, vector<1000x128xf32>,
    %swap3A_38 = arith.constant 0 : index
    %swap3A_39 = arith.constant 0 : index
    %swap3A_40 = vector.load %arg8[%swap3A_38, %swap3A_39] : memref<1000x1xf32, #tpu.memory_space<vmem>>, vector<1000x1xf32>
    tpu.vector_store %arg8[%swap3A_38, %swap3A_39], %div3A_13 {strides = array<i32>} : memref<1000x1xf32, #tpu.memory_space<vmem>>, vector<1000x1xf32>,
    return
  }
  func.func @transform_0(%arg0: i32) -> (i32, i32) {
    %c0_i32 = arith.constant 0 : i32
    %c0_i32_0 = arith.constant 0 : i32
    return %arg0, %c0_i32 : i32, i32
  }
  func.func @transform_1(%arg0: i32) -> (i32, i32) {
    %c0_i32 = arith.constant 0 : i32
    %c0_i32_0 = arith.constant 0 : i32
    return %arg0, %c0_i32 : i32, i32
  }
  func.func @transform_2(%arg0: i32) -> (i32, i32) {
    %c0_i32 = arith.constant 0 : i32
    %c0_i32_0 = arith.constant 0 : i32
    return %arg0, %c0_i32 : i32, i32
  }
  func.func @transform_3(%arg0: i32) -> (i32, i32) {
    %c0_i32 = arith.constant 0 : i32
    %c0_i32_0 = arith.constant 0 : i32
    %c0_i32_1 = arith.constant 0 : i32
    return %c0_i32, %c0_i32_0 : i32, i32
  }
  func.func @transform_4(%arg0: i32) -> (i32, i32) {
    %c0_i32 = arith.constant 0 : i32
    %c0_i32_0 = arith.constant 0 : i32
    %c0_i32_1 = arith.constant 0 : i32
    return %c0_i32, %c0_i32_0 : i32, i32
  }
  func.func @transform_5(%arg0: i32) -> (i32, i32) {
    %c0_i32 = arith.constant 0 : i32
    %c0_i32_0 = arith.constant 0 : i32
    %c0_i32_1 = arith.constant 0 : i32
    return %c0_i32, %c0_i32_0 : i32, i32
  }
  func.func @transform_6(%arg0: i32) -> (i32, i32) {
    %c0_i32 = arith.constant 0 : i32
    %c0_i32_0 = arith.constant 0 : i32
    return %arg0, %c0_i32 : i32, i32
  }
  func.func @transform_7(%arg0: i32) -> (i32, i32) {
    %c0_i32 = arith.constant 0 : i32
    %c0_i32_0 = arith.constant 0 : i32
    return %arg0, %c0_i32 : i32, i32
  }
}

module attributes {stable_mosaic.version = 14 : i64} {
  func.func @body(%arg0: i32, %arg1: memref<1000x128xf32, #tpu.memory_space<vmem>>, %arg2: memref<1000x128xf32, #tpu.memory_space<vmem>>, %arg3: memref<1000x128xf32, #tpu.memory_space<vmem>>, %arg4: memref<1000x1xf32, #tpu.memory_space<vmem>>, %arg5: memref<128x128xf32, #tpu.memory_space<vmem>>, %arg6: memref<128x128xf32, #tpu.memory_space<vmem>>, %arg7: memref<1x128xf32, #tpu.memory_space<vmem>>, %arg8: memref<1000x128xf32, #tpu.memory_space<vmem>>) attributes {dimension_semantics = [#tpu.dimension_semantics<arbitrary>], iteration_bounds = array<i64: 10>, scalar_prefetch = 0 : i64, scratch_operands = 0 : i64, tpu.core_type = #tpu.core_type<tc>, window_params = [{transform_indices = @transform_0, window_bounds = array<i64: 1000, 128>}, {transform_indices = @transform_1, window_bounds = array<i64: 1000, 128>}, {transform_indices = @transform_2, window_bounds = array<i64: 1000, 128>}, {transform_indices = @transform_3, window_bounds = array<i64: 1000, 1>}, {pipeline_mode = #tpu.pipeline_mode<synchronous>, transform_indices = @transform_4, window_bounds = array<i64: 128, 128>}, {pipeline_mode = #tpu.pipeline_mode<synchronous>, transform_indices = @transform_5, window_bounds = array<i64: 128, 128>}, {pipeline_mode = #tpu.pipeline_mode<synchronous>, transform_indices = @transform_6, window_bounds = array<i64: 1, 128>}, {transform_indices = @transform_7, window_bounds = array<i64: 1000, 128>}]} {
    %get3A = arith.constant 0 : index
    %get3A_0 = arith.constant 0 : index
    %get3A_1 = vector.load %arg1[%get3A, %get3A_0] : memref<1000x128xf32, #tpu.memory_space<vmem>>, vector<1000x128xf32>
    %get3A_2 = arith.constant 0 : index
    %get3A_3 = arith.constant 0 : index
    %get3A_4 = vector.load %arg2[%get3A_2, %get3A_3] : memref<1000x128xf32, #tpu.memory_space<vmem>>, vector<1000x128xf32>
    %get3A_5 = arith.constant 0 : index
    %get3A_6 = arith.constant 0 : index
    %get3A_7 = vector.load %arg3[%get3A_5, %get3A_6] : memref<1000x128xf32, #tpu.memory_space<vmem>>, vector<1000x128xf32>
    %add3A = arith.addf %get3A_4, %get3A_7 : vector<1000x128xf32>
    %add3A_8 = arith.addf %add3A, %get3A_1 : vector<1000x128xf32>
    %get3A_9 = arith.constant 0 : index
    %get3A_10 = arith.constant 0 : index
    %get3A_11 = vector.load %arg4[%get3A_9, %get3A_10] : memref<1000x1xf32, #tpu.memory_space<vmem>>, vector<1000x1xf32>
    %mul3A = vector.broadcast %get3A_11 : vector<1000x1xf32> to vector<1000x128xf32>
    %mul3A_12 = arith.mulf %add3A_8, %mul3A : vector<1000x128xf32>
    %get3A_13 = arith.constant 0 : index
    %get3A_14 = arith.constant 0 : index
    %get3A_15 = vector.load %arg5[%get3A_13, %get3A_14] : memref<128x128xf32, #tpu.memory_space<vmem>>, vector<128x128xf32>
    %dot_general3A = arith.constant dense<0.000000e+00> : vector<1000x128xf32>
    %dot_general3A_16 = tpu.matmul %get3A_1, %get3A_15, %dot_general3A {dimension_numbers = #tpu.dot_dimension_numbers<[1], [0], [0], [1], [0, 0, 1, 1], [], []>, transpose_lhs_hint = false} : vector<1000x128xf32>, vector<128x128xf32>, vector<1000x128xf32> -> vector<1000x128xf32>
    %get3A_17 = arith.constant 0 : index
    %get3A_18 = arith.constant 0 : index
    %get3A_19 = vector.load %arg6[%get3A_17, %get3A_18] : memref<128x128xf32, #tpu.memory_space<vmem>>, vector<128x128xf32>
    %dot_general3A_20 = arith.constant dense<0.000000e+00> : vector<1000x128xf32>
    %dot_general3A_21 = tpu.matmul %mul3A_12, %get3A_19, %dot_general3A_20 {dimension_numbers = #tpu.dot_dimension_numbers<[1], [0], [0], [1], [0, 0, 1, 1], [], []>, transpose_lhs_hint = false} : vector<1000x128xf32>, vector<128x128xf32>, vector<1000x128xf32> -> vector<1000x128xf32>
    %add3A_22 = arith.addf %dot_general3A_16, %dot_general3A_21 : vector<1000x128xf32>
    %get3A_23 = arith.constant 0 : index
    %get3A_24 = arith.constant 0 : index
    %get3A_25 = vector.load %arg7[%get3A_23, %get3A_24] : memref<1x128xf32, #tpu.memory_space<vmem>>, vector<1x128xf32>
    %add3A_26 = vector.broadcast %get3A_25 : vector<1x128xf32> to vector<1000x128xf32>
    %add3A_27 = arith.addf %add3A_22, %add3A_26 : vector<1000x128xf32>
    %swap3A = arith.constant 0 : index
    %swap3A_28 = arith.constant 0 : index
    %swap3A_29 = vector.load %arg8[%swap3A, %swap3A_28] : memref<1000x128xf32, #tpu.memory_space<vmem>>, vector<1000x128xf32>
    tpu.vector_store %arg8[%swap3A, %swap3A_28], %add3A_27 {strides = array<i32>} : memref<1000x128xf32, #tpu.memory_space<vmem>>, vector<1000x128xf32>,
    return
  }
  func.func @transform_0(%arg0: i32) -> (i32, i32) {
    %c0_i32 = arith.constant 0 : i32
    %c0_i32_0 = arith.constant 0 : i32
    return %arg0, %c0_i32 : i32, i32
  }
  func.func @transform_1(%arg0: i32) -> (i32, i32) {
    %c0_i32 = arith.constant 0 : i32
    %c0_i32_0 = arith.constant 0 : i32
    return %arg0, %c0_i32 : i32, i32
  }
  func.func @transform_2(%arg0: i32) -> (i32, i32) {
    %c0_i32 = arith.constant 0 : i32
    %c0_i32_0 = arith.constant 0 : i32
    return %arg0, %c0_i32 : i32, i32
  }
  func.func @transform_3(%arg0: i32) -> (i32, i32) {
    %c0_i32 = arith.constant 0 : i32
    %c0_i32_0 = arith.constant 0 : i32
    return %arg0, %c0_i32 : i32, i32
  }
  func.func @transform_4(%arg0: i32) -> (i32, i32) {
    %c0_i32 = arith.constant 0 : i32
    %c0_i32_0 = arith.constant 0 : i32
    %c0_i32_1 = arith.constant 0 : i32
    return %c0_i32, %c0_i32_0 : i32, i32
  }
  func.func @transform_5(%arg0: i32) -> (i32, i32) {
    %c0_i32 = arith.constant 0 : i32
    %c0_i32_0 = arith.constant 0 : i32
    %c0_i32_1 = arith.constant 0 : i32
    return %c0_i32, %c0_i32_0 : i32, i32
  }
  func.func @transform_6(%arg0: i32) -> (i32, i32) {
    %c0_i32 = arith.constant 0 : i32
    %c0_i32_0 = arith.constant 0 : i32
    %c0_i32_1 = arith.constant 0 : i32
    return %c0_i32, %c0_i32_0 : i32, i32
  }
  func.func @transform_7(%arg0: i32) -> (i32, i32) {
    %c0_i32 = arith.constant 0 : i32
    %c0_i32_0 = arith.constant 0 : i32
    return %arg0, %c0_i32 : i32, i32
  }
}

</mosaic_0001>

<sc_bundles>
// kernel: kernel.6.cloned.1.call-start
scs
__scs_entry_jumppad:
0x0: {  	(pc) =	sbr.rel $0x88, $3  }
0x1: {  	(tag) =	ssettag $0x0;
	lr =	simm.s32 $0x1  }
0x2: {  	[smem:$0x3F99] =	sst lr;
	_ =	strace $0xD0000000  }
0x3: {  	_ = 	snop  }
0x4: {  	_ = 	snop  }
0x5: {  	_ = 	snop  }
0x6: {  	_ = 	snop  }
0x7: {  	_ = 	snop  }
__scs_overlays_trampoline_lowered:
0x8: {  	[smem:$0x3FA8] =	sst s0  }
0x9: {  	[smem:$0x3FA9] =	sst s1  }
0xa: {  	[smem:$0x3FAA] =	sst s2  }
0xb: {  	[smem:$0x3FAB] =	sst s3  }
0xc: {  	[smem:$0x3FAC] =	sst s4  }
0xd: {  	[smem:$0x3FAD] =	sst s5  }
0xe: {  	[smem:$0x3FAE] =	sst s6  }
0xf: {  	[smem:$0x3FAF] =	sst s7  }
0x10: {  	[smem:$0x3FB0] =	sst s8  }
0x11: {  	[smem:$0x3FB1] =	sst s9;
	s0 =	simm.s32 @!p0 $0x0  }
0x12: {  	s1 =	sld [smem:$0x3F97];
	s0 =	simm.s32 @p0 $0x1  }
0x13: {  	[smem:$0x3FB2] =	sst s0;
	s0 =	simm.s32 @!p1 $0x0  }
0x14: {  	s2 =	sld [smem:$0x3F96];
	s0 =	simm.s32 @p1 $0x1  }
0x15: {  	[smem:$0x3FB3] =	sst s0;
	s0 =	simm.s32 @!p2 $0x0  }
0x16: {  	s3 =	sld [smem:$0x3FDB];
	s0 =	simm.s32 @p2 $0x1  }
0x17: {  	s4 =	simm.s32 $0x1BF5;
	[smem:$0x3FB5] =	sst s0  }
0x18: {  	s0 =	sld [smem:$0x3F98];
	_ =	swait.ge [sflag:s4], $0x0  }
0x19: {  	s7 =	sld [smem:$0x3F99]  }
0x1a: {  	s8 =	sadd.s32 $0xFFFFE003, lr  }
0x1b: {  	s9 =	sadd.s32 $0xFFFFFEF7, lr;
	s5 =	simm.s32 $0xFFFFFFFF;
	p2 =	slt.u32 s8, $0xFFFFF086  }
0x1c: {  	p1 =	slt.u32 s9, $0xF7A;
	s5 =	simm.s32 @!p2 $0x0  }
0x1d: {  	s5 =	simm.s32 @p1 $0x1;
	p0 =	seq.s32 s7, s2  }
0x1e: {  	s7 =	smul.u32 @!p0 $0xF7A, s2;
	p2 =	seq.s32 @!p0 s5, $0x0  }
0x1f: {  	s9 =	smul.u32 $0xF7A, s1;
	s8 =	simm.s32 @!p0 $0x1BF5;
	p2 =	por !p2, p0  }
0x20: {  	[sflag:s8] =	ssyncset.s32 @!p0 $0xFFFFF086;
	s6 =	sadd.s32 @!p0 s3, s7;
	s7 =	simm.s32 @!p0 $0x108  }
0x21: {  	s3 =	sadd.s32 s3, s9;
	s6 =	sadd.s32 @!p0 $0x88, s6;
	s7 =	simm.s32 @p2 $0x1082  }
0x22: {  	[simem:s7], [sflag:s8] =	dma.local @!p0 [hbm:s6], $0xF7A  }
0x23: {  	s9 =	sor.u32 $0xD0000000, s2;
	s6 =	simm.s32 $0x108;
	_ =	swait.ge @!p0 [sflag:s8], $0x0  }
0x24: {  	s3 =	sadd.s32 $0x88, s3;
	s6 =	simm.s32 @!p1 $0x1082;
	[sflag:s4] =	ssyncset.s32 $0xFFFFF086  }
0x25: {  	[simem:s6], [sflag:s4] =	dma.local [hbm:s3], $0xF7A  }
0x26: {  	[smem:$0x3F99] =	sst s1;
	(tag) =	ssettag s2;
	_ =	strace s9  }
0x27: {  	s1 =	sld [smem:$0x3FA9]  }
0x28: {  	s2 =	sld [smem:$0x3FAA]  }
0x29: {  	s4 =	sld [smem:$0x3FAC]  }
0x2a: {  	p0 =	seq.s32 s5, $0x0;
	s5 =	sld [smem:$0x3FAD]  }
0x2b: {  	s6 =	sld [smem:$0x3FAE]  }
0x2c: {  	s7 =	sld [smem:$0x3FAF]  }
0x2d: {  	s3 =	simm.s32 $0x108;
	s8 =	sld [smem:$0x3FB0]  }
0x2e: {  	s3 =	simm.s32 @!p0 $0x1082;
	s9 =	sld [smem:$0x3FB1]  }
0x2f: {  	lr =	sadd.s32 s0, s3;
	s0 =	sld [smem:$0x3FA8]  }
0x30: {  	s3 =	sld [smem:$0x3FAB]  }
0x31: {  	[smem:$0x3FB4] =	sst s10  }
0x32: {  	s10 =	sld [smem:$0x3FB2];
	_ =	sdelay $0x3  }
0x33: {  	p0 =	seq.s32 s10, $0x1;
	s10 =	sld [smem:$0x3FB4];
	_ =	sdelay $0x3  }
0x34: {  	[smem:$0x3FB4] =	sst s10  }
0x35: {  	s10 =	sld [smem:$0x3FB3];
	_ =	sdelay $0x3  }
0x36: {  	p1 =	seq.s32 s10, $0x1;
	s10 =	sld [smem:$0x3FB4];
	_ =	sdelay $0x3  }
0x37: {  	[smem:$0x3FB4] =	sst s10  }
0x38: {  	s10 =	sld [smem:$0x3FB5]  }
0x39: {  	_ = 	snop;
	(pc) =	sbr.ind lr, $3  }
0x3a: {  	_ = 	snop  }
0x3b: {  	_ = 	snop  }
0x3c: {  	p2 =	seq.s32 s10, $0x1;
	s10 =	sld [smem:$0x3FB4]  }
0x3d: {  	_ =	shalt  }
0x3e: {  	_ =	shalt  }
0x3f: {  	_ =	shalt  }
0x40: {  	_ =	shalt  }
0x41: {  	_ =	shalt  }
0x42: {  	_ =	shalt  }
0x43: {  	_ =	shalt  }
0x44: {  	_ =	shalt  }
0x45: {  	_ =	shalt  }
0x46: {  	_ =	shalt  }
0x47: {  	_ =	shalt  }
0x48: {  	_ =	shalt  }
0x49: {  	_ =	shalt  }
0x4a: {  	_ =	shalt  }
0x4b: {  	_ =	shalt  }
0x4c: {  	_ =	shalt  }
0x4d: {  	_ =	shalt  }
0x4e: {  	_ =	shalt  }
0x4f: {  	_ =	shalt  }
0x50: {  	_ =	shalt  }
0x51: {  	_ =	shalt  }
0x52: {  	_ =	shalt  }
0x53: {  	_ =	shalt  }
0x54: {  	_ =	shalt  }
0x55: {  	_ =	shalt  }
0x56: {  	_ =	shalt  }
0x57: {  	_ =	shalt  }
0x58: {  	_ =	shalt  }
0x59: {  	_ =	shalt  }
0x5a: {  	_ =	shalt  }
0x5b: {  	_ =	shalt  }
0x5c: {  	_ =	shalt  }
0x5d: {  	_ =	shalt  }
0x5e: {  	_ =	shalt  }
0x5f: {  	_ =	shalt  }
0x60: {  	_ =	shalt  }
0x61: {  	_ =	shalt  }
0x62: {  	_ =	shalt  }
0x63: {  	_ =	shalt  }
0x64: {  	_ =	shalt  }
0x65: {  	_ =	shalt  }
0x66: {  	_ =	shalt  }
0x67: {  	_ =	shalt  }
0x68: {  	_ =	shalt  }
0x69: {  	_ =	shalt  }
0x6a: {  	_ =	shalt  }
0x6b: {  	_ =	shalt  }
0x6c: {  	_ =	shalt  }
0x6d: {  	_ =	shalt  }
0x6e: {  	_ =	shalt  }
0x6f: {  	_ =	shalt  }
0x70: {  	_ =	shalt  }
0x71: {  	_ =	shalt  }
0x72: {  	_ =	shalt  }
0x73: {  	_ =	shalt  }
0x74: {  	_ =	shalt  }
0x75: {  	_ =	shalt  }
0x76: {  	_ =	shalt  }
0x77: {  	_ =	shalt  }
0x78: {  	_ =	shalt  }
0x79: {  	_ =	shalt  }
0x7a: {  	_ =	shalt  }
0x7b: {  	_ =	shalt  }
0x7c: {  	_ =	shalt  }
0x7d: {  	_ =	shalt  }
0x7e: {  	_ =	shalt  }
0x7f: {  	_ =	shalt  }
0x80: {  	_ =	shalt  }
0x81: {  	_ =	shalt  }
0x82: {  	_ =	shalt  }
0x83: {  	_ =	shalt  }
0x84: {  	_ =	shalt  }
0x85: {  	_ =	shalt  }
0x86: {  	_ =	shalt  }
0x87: {  	_ =	shalt  }
.Lfunc_end0:
.L_simem_size_0:
called_computation_lowered:
.L_overlay_start_0:
0x88: {  	s2 =	sld [smem:$0x3FD9]  }
0x89: {  	s3 =	sld [smem:$0x3FFE];
	_ =	sdelay $0x1  }
0x8a: {  	s1 =	srdreg.scid  }
0x8b: {  	s0 =	sand.u32 $0x1, s1  }
0x8c: {  	s17 =	sshll.u32 s0, $0xA;
	s2 =	sadd.s32 s3, s2  }
0x8d: {  	s2 =	sadd.s32 s2, s17  }
0x8e: {  	[smem:$0x3FC0] =	sst s2  }
0x8f: {  	_ = 	snop  }
0x90: {  	s2 =	sld [smem:$0x3FD0];
	(tm) =	ssettm $0x1  }
0x91: {  	s18 =	sld [smem:$0x3FFB];
	_ =	sdelay $0x3  }
0x92: {  	_ =	strace s18  }
0x93: {  	s3 =	sld [smem:$0x3FFC];
	_ =	sdelay $0x3  }
0x94: {  	_ =	strace s3  }
0x95: {  	s3 =	sld [smem:$0x3FFD];
	_ =	sdelay $0x3  }
0x96: {  	_ =	strace s3  }
0x97: {  	_ =	strace $0x8FFFFFFF  }
0x98: {  	s19 =	sld [smem:$0x3FDB];
	_ =	sdelay $0x1  }
0x99: {  	s4 =	simm.s32 $_scs_section_size  }
0x9a: {  	s5 =	simm.s32 $_size__tile_overlayer_lowered;
	s6 =	simm.s32 $_tile_overlayer_lowered  }
0x9b: {  	s22 =	simm.s32 $0x1BFF;
	s21 =	sshll.u32 s6, $0x1;
	s3 =	sadd.s32 s4, s19  }
0x9c: {  	s7 =	simm.s32 $0x0;
	s20 =	sshll.u32 s5, $0x1;
	s5 =	sadd.s32 s21, s3  }
0x9d: {  	[timem:s7], [sflag:s22] =	dma.local [hbm:s5], s20  }
0x9e: {  	_ =	swait.ge [sflag:s22], s20  }
0x9f: {  	s4 =	ssub.s32 $0x0, s20;
	[sflag:s22] =	ssyncset.done $0x0  }
0xa0: {  	[sflag:s22] =	ssyncadd.s32 s4;
	_ =	sdelay $0x1  }
0xa1: {  	s23 =	simm.s32 $0x1B8B  }
0xa2: {  	_ =	swait.ge [sflag:s23], $0x1  }
0xa3: {  	[sflag:s23] =	ssyncset.done $0x0  }
0xa4: {  	s25 =	simm.s32 $0x1B8E;
	s24 =	sld [smem:$0x3FFE];
	[sflag:s23] =	ssyncadd.s32 $0xFFFFFFFF  }
0xa5: {  	s26 =	simm.s32 $execute0_lowered;
	[smem:$0x3FD2] =	sst s25  }
0xa6: {  	s5 =	sshll.u32 s26, $0x1;
	_ =	strace $0x80000046;
	[dreg:$0x1] =	wrdreg $0xFFFFFFFF  }
0xa7: {  	s28 =	simm.s32 $_size_execute0_lowered;
	s3 =	sadd.s32 s3, s5;
	[dreg:$0x0] =	wrdreg $0x0  }
0xa8: {  	s5 =	sshll.u32 s28, $0x1;
	[dreg:$0x2] =	wrdreg s3  }
0xa9: {  	[dreg:$0x3] =	wrdreg s5  }
0xaa: {  	[dreg:$0x4] =	wrdreg $0xC0  }
0xab: {  	_ =	task [dreg:s7], $0x5FFFF  }
0xac: {  	[dreg:$0x1] =	wrdreg $0xFFFFFFFF  }
0xad: {  	[dreg:$0x0] =	wrdreg $0x60  }
0xae: {  	[dreg:$0x2] =	wrdreg s24  }
0xaf: {  	[dreg:$0x3] =	wrdreg s2  }
0xb0: {  	[dreg:$0x4] =	wrdreg $0x37800  }
0xb1: {  	[dreg:$0x5] =	wrdreg $0x9  }
0xb2: {  	_ =	task.clear_ibuf [dreg:s7], $0x6FFFF;
	_ =	strace $0x90000046  }
0xb3: {  	s29 =	simm.s32 $0x9;
	_ =	strace $0x80000048  }
0xb4: {  	_ =	swait.ge [sflag:s29], $0x1  }
0xb5: {  	[sflag:s29] =	ssyncadd.s32 $0xFFFFFFFF  }
0xb6: {  	_ =	strace $0x90000048  }
0xb7: {  	_ =	sfence  }
0xb8: {  	s30 =	sld [smem:$0x0];
	_ =	sdelay $0x2  }
0xb9: {  	s31 =	sshll.u32 s1, $0xD;
	s1 =	sshrl.u32 s1, $0x2  }
0xba: {  	s3 =	sand.u32 $0x4000, s31;
	s1 =	sadd.s32 s1, s30  }
0xbb: {  	s0 =	sor.u32 s3, s0;
	s1 =	sshll.u32 s1, $0x11  }
0xbc: {  	s0 =	sor.u32 s1, s0  }
0xbd: {  	s0 =	sadd.s32 $0x8F2B, s0  }
0xbe: {  	[sflag:s0] =	ssyncadd.remote.s32 $0x1  }
0xbf: {  	_ =	sfence.sel $0xFFFF  }
0xc0: {  	[dreg:$0x0] =	wrdreg $0xFFFFFFFF;
	(pc) =	sbr.abs _section_cstart, $3  }
0xc1: {  	[dreg:$0x1] =	wrdreg $0xFFFFFFFF  }
0xc2: {  	_ =	task.clear_ibuf [dreg:s7], $0x2FFFF;
	_ =	strace $0x9FFFFFFF  }
0xc3: {  	(tm) =	ssettm $0x7FFFFFFF  }
tec
execute0_lowered:
.L_overlay_start_1:
0x0: {  	(tag) =	ssettag $0x1  }
0x1: {  	s0 =	rddreg [dreg:$0x0]  }
0x2: {  	s11 =	rddreg [dreg:$0x1]  }
0x3: {  	s3 =	rddreg [dreg:$0x2]  }
0x4: {  	s4 =	simm.s32 $0x0;
	s10 =	stileid.u32;
	s1 =	srdreg.scid  }
0x5: {  	s28 =	simm.s32 $0x1;
	s29 =	simm.s32 $0xF00;
	s31 =	simm.s32 $0x150  }
0x6: {  	s30 =	simm.s32 $0xF;
	[smem:$0x7FF] =	sst s4;
	s2 =	smul.u32 $0x16380, s10  }
0x7: {  	s1 =	sand.u32 $0x1, s1;
	s5 =	sadd.s32 $0x1A00, s0;
	s14 =	smul.u32 $0x4F50, s10  }
0x8: {  	s15 =	sshll.u32 s10, $0x6;
	_ =	strace $0x80000047;
	s6 =	smul.u32 $0x163800, s1  }
0x9: {  	s8 =	sshll.u32 s1, $0x4;
	s9 =	ssub.s32 $0x2, s1;
	s1 =	smul.u32 $0x4F500, s1  }
0xa: {  	[dreg:$0x13] =	wrdreg s15;
	s17 =	sor.u32 $0x1C11, s15;
	s7 =	sshrl.u32 s2, $0x3  }
0xb: {  	s8 =	sor.u32 s10, s8;
	s13 =	sshrl.u32 s9, $0x1;
	[dreg:$0x14] =	wrdreg s17  }
0xc: {  	s7 =	sadd.s32 s7, s0;
	s6 =	sadd.s32 s2, s6;
	s8 =	smul.u32 $0x4F50, s8  }
0xd: {  	s2 =	sadd.s32 s2, s3;
	s1 =	sadd.s32 s14, s1;
	s6 =	sshrl.u32 s6, $0x3  }
0xe: {  	[dreg:$0x11] =	wrdreg s2;
	s7 =	sadd.s32 $0x2DA00, s7;
	s20 =	sadd.s32 $0x2A0, s1  }
0xf: {  	s23 =	sadd.s32 $0x270, s1;
	s25 =	sadd.s32 $0x240, s1;
	s26 =	sadd.s32 $0x210, s1  }
0x10: {  	s12 =	sadd.s32 $0x1E0, s1;
	s14 =	sadd.s32 $0x1B0, s1;
	s15 =	sadd.s32 $0x150, s1  }
0x11: {  	s1 =	sadd.s32 $0x180, s1;
	[dreg:$0x12] =	wrdreg s7;
	s16 =	sshrl.u32 s8, $0x3  }
0x12: {  	s2 =	sshrl.u32 s20, $0x3;
	s20 =	simm.s32 $0x78;
	[dreg:$0x1e] =	wrdreg s1  }
0x13: {  	s24 =	sshrl.u32 s23, $0x3;
	s23 =	simm.s32 $0xD8;
	[dreg:$0xb] =	wrdreg s20  }
0x14: {  	s8 =	sshrl.u32 s26, $0x3;
	s26 =	simm.s32 $0x168;
	[dreg:$0xd] =	wrdreg s23  }
0x15: {  	s0 =	sadd.s32 s6, s0;
	s2 =	sadd.s32 s2, s11;
	[dreg:$0x10] =	wrdreg s26  }
0x16: {  	s6 =	ssub.s32 s9, s13;
	s10 =	sadd.s32 s8, s11;
	[dreg:$0x4] =	wrdreg s2  }
0x17: {  	s13 =	sshrl.u32 s12, $0x3;
	s9 =	sadd.s32 s11, s16;
	[dreg:$0x7] =	wrdreg s10  }
0x18: {  	s17 =	sshrl.u32 s15, $0x3;
	s0 =	sadd.s32 $0x5A200, s0;
	[dreg:$0x15] =	wrdreg s9  }
0x19: {  	s15 =	simm.s32 $0x3;
	s18 =	sadd.s32 $0x6, s9;
	[dreg:$0x1c] =	wrdreg s0  }
0x1a: {  	s12 =	simm.s32 $0xA;
	s19 =	sadd.s32 $0xC, s9;
	[dreg:$0x16] =	wrdreg s18  }
0x1b: {  	s23 =	simm.s32 $0x90;
	s7 =	sadd.s32 $0x12, s9;
	[dreg:$0x17] =	wrdreg s19  }
0x1c: {  	s26 =	simm.s32 $0x180;
	s21 =	sadd.s32 $0x18, s9;
	[dreg:$0x18] =	wrdreg s7  }
0x1d: {  	s8 =	simm.s32 $0x0;
	s22 =	sadd.s32 $0x1E, s9;
	[dreg:$0x19] =	wrdreg s21  }
0x1e: {  	s2 =	sadd.s32 s24, s11;
	s24 =	simm.s32 $0x108;
	[dreg:$0x1a] =	wrdreg s22  }
0x1f: {  	s0 =	simm.s32 $0x1C80;
	s10 =	simm.s32 $0xC;
	[dreg:$0x5] =	wrdreg s2  }
0x20: {  	s7 =	sshrl.u32 s25, $0x3;
	s2 =	sadd.s32 s13, s11;
	[dreg:$0xe] =	wrdreg s24  }
0x21: {  	s18 =	sadd.s32 $0x24, s9;
	s19 =	sadd.s32 s17, s11;
	[dreg:$0x8] =	wrdreg s2  }
0x22: {  	s21 =	smax.u32 s6, $0x1;
	s22 =	simm.s32 $0xA8;
	[dreg:$0x1b] =	wrdreg s18  }
0x23: {  	s25 =	simm.s32 $0x138;
	s24 =	simm.s32 $0xC0;
	[dreg:$0xa] =	wrdreg s19  }
0x24: {  	s6 =	simm.s32 $0x9;
	s9 =	simm.s32 $0x2A00;
	[dreg:$0x1d] =	wrdreg s21  }
0x25: {  	s13 =	simm.s32 $0x120;
	s17 =	simm.s32 $0xE;
	[dreg:$0xc] =	wrdreg s22  }
0x26: {  	s7 =	sadd.s32 s7, s11;
	s21 =	simm.s32 $0x60;
	[dreg:$0xf] =	wrdreg s25  }
0x27: {  	s25 =	simm.s32 $0x18;
	s18 =	simm.s32 $0xF0;
	s19 =	simm.s32 $0x4  }
0x28: {  	s2 =	simm.s32 $0x10;
	[dreg:$0x6] =	wrdreg s7;
	s7 =	sshrl.u32 s14, $0x3  }
0x29: {  	s14 =	simm.s32 $0xD;
	s16 =	sadd.s32 s7, s11;
	s11 =	simm.s32 $0x30  }
0x2a: {  	s7 =	simm.s32 $0x2;
	[dreg:$0x9] =	wrdreg s16;
	s16 =	simm.s32 $0xB  }
.LBB2_1:
0x2b: {  	[dreg:$0x1f] =	wrdreg s8  }
0x2c: {  	s1 =	rddreg [dreg:$0x11]  }
0x2d: {  	s22 =	rddreg [dreg:$0x12]  }
0x2e: {  	s20 =	rddreg [dreg:$0x14];
	s1 =	sshrl.u32 s1, $0x3  }
0x2f: {  	[smem:$0x7FD] =	sst s1  }
0x30: {  	[spmem:s1], [sflag:s20] =	dma.local [hbm:s22], $0x2C70  }
0x31: {  	s1 =	rddreg [dreg:$0x15]  }
0x32: {  	[tilespmem:s4], [sflag:$0x1] =	stream.linear.gather [hbm4b:s1+s4], $0x30, $0x38;
	[tilespmem:$0x19B00] =	vst v63  }
0x33: {  	s22 =	rddreg [dreg:$0x16]  }
0x34: {  	[tilespmem:s11], [sflag:$0x2] =	stream.linear.gather [hbm4b:s22+s4], $0x30, $0x38;
	[tilespmem:$0x19B00] =	vst v63  }
0x35: {  	s8 =	rddreg [dreg:$0x17]  }
0x36: {  	[tilespmem:s21], [sflag:$0x3] =	stream.linear.gather [hbm4b:s8+s4], $0x30, $0x38;
	[tilespmem:$0x19B00] =	vst v63  }
0x37: {  	s20 =	rddreg [dreg:$0x18]  }
0x38: {  	[tilespmem:s23], [sflag:$0x4] =	stream.linear.gather [hbm4b:s20+s4], $0x30, $0x38;
	[tilespmem:$0x19B00] =	vst v63  }
0x39: {  	s22 =	rddreg [dreg:$0x19]  }
0x3a: {  	[tilespmem:s24], [sflag:$0x5] =	stream.linear.gather [hbm4b:s22+s4], $0x30, $0x38;
	[tilespmem:$0x19B00] =	vst v63  }
0x3b: {  	_ =	swait.ge [sflag:s28], $0x30  }
0x3c: {  	[sflag:s28] =	ssyncset.done $0x0  }
0x3d: {  	[sflag:s28] =	ssyncadd.s32 $0xFFFFFFD0  }
0x3e: {  	[tilespmem:s26], [sflag:$0x9] =	stream.indirect.gather [hbm4b:s5+s25], $0x90, s4, s25, $0xb8;
	[tilespmem:$0x19B00] =	vst v63  }
0x3f: {  	_ =	swait.ge [sflag:s7], $0x30  }
0x40: {  	[sflag:s7] =	ssyncset.done $0x0  }
0x41: {  	s8 =	simm.s32 $0x11;
	[sflag:s7] =	ssyncadd.s32 $0xFFFFFFD0  }
0x42: {  	[tilespmem:s29], [sflag:$0xA] =	stream.indirect.gather [hbm4b:s5+s25], $0x90, s11, s25, $0xb8;
	[tilespmem:$0x19B00] =	vst v63  }
0x43: {  	_ =	swait.ge [sflag:s8], $0x2C70  }
0x44: {  	[sflag:s8] =	ssyncset.done $0x0  }
0x45: {  	[sflag:s8] =	ssyncadd.s32 $0xFFFFD390  }
0x46: {  	[bflag:$0x0] =	sbarrier.arrive $0xFFFF  }
0x47: {  	_ =	swait.ge [sflag:s15], $0x30  }
0x48: {  	[sflag:s15] =	ssyncset.done $0x0  }
0x49: {  	[sflag:s15] =	ssyncadd.s32 $0xFFFFFFD0  }
0x4a: {  	[tilespmem:s0], [sflag:$0xB] =	stream.indirect.gather [hbm4b:s5+s25], $0x90, s21, s25, $0xb8;
	[tilespmem:$0x19B00] =	vst v63  }
0x4b: {  	s20 =	rddreg [dreg:$0x1a]  }
0x4c: {  	[tilespmem:s18], [sflag:$0x6] =	stream.linear.gather [hbm4b:s20+s4], $0x30, $0x38;
	[tilespmem:$0x19B00] =	vst v63  }
0x4d: {  	_ =	swait.ge [sflag:s6], $0xD80  }
0x4e: {  	[sflag:s6] =	ssyncset.done $0x0  }
0x4f: {  	[sflag:s6] =	ssyncadd.s32 $0xFFFFF280  }
0x50: {  	[spmem:s3] =	stream.indirect.scatter.add.f32 [tilespmem:s26], [sflag:$0xD], $0x90, s25, s25, $0xb8;
	[tilespmem:$0x19B00] =	vst v63  }
0x51: {  	_ =	swait.ge [sflag:s19], $0x30  }
0x52: {  	[sflag:s19] =	ssyncset.done $0x0  }
0x53: {  	[sflag:s19] =	ssyncadd.s32 $0xFFFFFFD0  }
0x54: {  	[tilespmem:s9], [sflag:$0xC] =	stream.indirect.gather [hbm4b:s5+s25], $0x90, s23, s25, $0xb8;
	[tilespmem:$0x19B00] =	vst v63  }
0x55: {  	s22 =	rddreg [dreg:$0x1b]  }
0x56: {  	[tilespmem:s13], [sflag:$0x7] =	stream.linear.gather [hbm4b:s22+s4], $0x30, $0x38;
	[tilespmem:$0x19B00] =	vst v63  }
0x57: {  	_ =	swait.ge [sflag:s12], $0xD80  }
0x58: {  	[sflag:s12] =	ssyncset.done $0x0  }
0x59: {  	s8 =	simm.s32 $0x48;
	[sflag:s12] =	ssyncadd.s32 $0xFFFFF280  }
0x5a: {  	[spmem:s3] =	stream.indirect.scatter.add.f32 [tilespmem:s29], [sflag:$0xE], $0x90, s8, s25, $0xb8;
	[tilespmem:$0x19B00] =	vst v63  }
0x5b: {  	_ =	swait.ge [sflag:s14], $0xD80  }
0x5c: {  	[sflag:s14] =	ssyncset.done $0x0  }
0x5d: {  	s20 =	simm.s32 $0x5;
	[sflag:s14] =	ssyncadd.s32 $0xFFFFF280  }
0x5e: {  	_ =	swait.ge [sflag:s20], $0x30  }
0x5f: {  	[sflag:s20] =	ssyncset.done $0x0  }
0x60: {  	s22 =	rddreg [dreg:$0xa];
	[sflag:s20] =	ssyncadd.s32 $0xFFFFFFD0  }
0x61: {  	[tilespmem:s26], [sflag:$0x9] =	stream.indirect.gather [hbm4b:s5+s25], $0x90, s24, s25, $0xb8;
	[tilespmem:$0x19B00] =	vst v63  }
0x62: {  	s20 =	sadd.s32 $0x0, s22  }
0x63: {  	[tilespmem:s31], [sflag:$0x8] =	stream.linear.gather [hbm4b:s20+s4], $0x30, $0x38;
	[tilespmem:$0x19B00] =	vst v63  }
0x64: {  	_ =	swait.ge [sflag:s16], $0xD80  }
0x65: {  	[sflag:s16] =	ssyncset.done $0x0  }
0x66: {  	s8 =	rddreg [dreg:$0xb];
	[sflag:s16] =	ssyncadd.s32 $0xFFFFF280  }
0x67: {  	[spmem:s3] =	stream.indirect.scatter.add.f32 [tilespmem:s0], [sflag:$0xF], $0x90, s8, s25, $0xb8;
	[tilespmem:$0x19B00] =	vst v63  }
0x68: {  	_ =	swait.ge [sflag:s17], $0xD80  }
0x69: {  	[sflag:s17] =	ssyncset.done $0x0  }
0x6a: {  	s22 =	simm.s32 $0x6;
	[sflag:s17] =	ssyncadd.s32 $0xFFFFF280  }
0x6b: {  	_ =	swait.ge [sflag:s22], $0x30  }
0x6c: {  	[sflag:s22] =	ssyncset.done $0x0  }
0x6d: {  	[sflag:s22] =	ssyncadd.s32 $0xFFFFFFD0;
	s22 =	rddreg [dreg:$0x1e]  }
0x6e: {  	[tilespmem:s29], [sflag:$0xA] =	stream.indirect.gather [hbm4b:s5+s25], $0x90, s18, s25, $0xb8;
	[tilespmem:$0x19B00] =	vst v63  }
0x6f: {  	s8 =	sshrl.u32 s22, $0x3;
	s1 =	rddreg [dreg:$0x1]  }
0x70: {  	s20 =	sadd.s32 s1, s8  }
0x71: {  	[tilespmem:s4], [sflag:$0x1] =	stream.linear.gather [hbm4b:s20+s4], $0x30, $0x38;
	[tilespmem:$0x19B00] =	vst v63  }
0x72: {  	_ =	swait.ge [sflag:s10], $0xD80  }
0x73: {  	[sflag:s10] =	ssyncset.done $0x0  }
0x74: {  	s8 =	rddreg [dreg:$0xc];
	[sflag:s10] =	ssyncadd.s32 $0xFFFFF280  }
0x75: {  	[spmem:s3] =	stream.indirect.scatter.add.f32 [tilespmem:s9], [sflag:$0x10], $0x90, s8, s25, $0xb8;
	[tilespmem:$0x19B00] =	vst v63  }
0x76: {  	_ =	swait.ge [sflag:s30], $0xD80  }
0x77: {  	[sflag:s30] =	ssyncset.done $0x0  }
0x78: {  	s20 =	simm.s32 $0x7;
	[sflag:s30] =	ssyncadd.s32 $0xFFFFF280  }
0x79: {  	_ =	swait.ge [sflag:s20], $0x30  }
0x7a: {  	[sflag:s20] =	ssyncset.done $0x0  }
0x7b: {  	s8 =	rddreg [dreg:$0x9];
	[sflag:s20] =	ssyncadd.s32 $0xFFFFFFD0  }
0x7c: {  	[tilespmem:s0], [sflag:$0xB] =	stream.indirect.gather [hbm4b:s5+s25], $0x90, s13, s25, $0xb8;
	[tilespmem:$0x19B00] =	vst v63  }
0x7d: {  	s20 =	sadd.s32 $0x0, s8  }
0x7e: {  	[tilespmem:s11], [sflag:$0x2] =	stream.linear.gather [hbm4b:s20+s4], $0x30, $0x38;
	[tilespmem:$0x19B00] =	vst v63  }
0x7f: {  	_ =	swait.ge [sflag:s6], $0xD80  }
0x80: {  	[sflag:s6] =	ssyncset.done $0x0  }
0x81: {  	s8 =	rddreg [dreg:$0xd];
	[sflag:s6] =	ssyncadd.s32 $0xFFFFF280  }
0x82: {  	[spmem:s3] =	stream.indirect.scatter.add.f32 [tilespmem:s26], [sflag:$0xD], $0x90, s8, s25, $0xb8;
	[tilespmem:$0x19B00] =	vst v63  }
0x83: {  	_ =	swait.ge [sflag:s2], $0xD80  }
0x84: {  	[sflag:s2] =	ssyncset.done $0x0  }
0x85: {  	s8 =	simm.s32 $0x8;
	[sflag:s2] =	ssyncadd.s32 $0xFFFFF280  }
0x86: {  	_ =	swait.ge [sflag:s8], $0x30  }
0x87: {  	[sflag:s8] =	ssyncset.done $0x0  }
0x88: {  	s1 =	rddreg [dreg:$0x8];
	[sflag:s8] =	ssyncadd.s32 $0xFFFFFFD0  }
0x89: {  	[tilespmem:s9], [sflag:$0xC] =	stream.indirect.gather [hbm4b:s5+s25], $0x90, s31, s25, $0xb8;
	[tilespmem:$0x19B00] =	vst v63  }
0x8a: {  	s20 =	sadd.s32 $0x0, s1  }
0x8b: {  	[tilespmem:s21], [sflag:$0x3] =	stream.linear.gather [hbm4b:s20+s4], $0x30, $0x38;
	[tilespmem:$0x19B00] =	vst v63  }
0x8c: {  	_ =	swait.ge [sflag:s12], $0xD80  }
0x8d: {  	[sflag:s12] =	ssyncset.done $0x0  }
0x8e: {  	s1 =	rddreg [dreg:$0xe];
	[sflag:s12] =	ssyncadd.s32 $0xFFFFF280  }
0x8f: {  	[spmem:s3] =	stream.indirect.scatter.add.f32 [tilespmem:s29], [sflag:$0xE], $0x90, s1, s25, $0xb8;
	[tilespmem:$0x19B00] =	vst v63  }
0x90: {  	_ =	swait.ge [sflag:s14], $0xD80  }
0x91: {  	[sflag:s14] =	ssyncset.done $0x0  }
0x92: {  	[sflag:s14] =	ssyncadd.s32 $0xFFFFF280  }
0x93: {  	_ =	swait.ge [sflag:s28], $0x30  }
0x94: {  	[sflag:s28] =	ssyncset.done $0x0  }
0x95: {  	s1 =	rddreg [dreg:$0x7];
	[sflag:s28] =	ssyncadd.s32 $0xFFFFFFD0  }
0x96: {  	[tilespmem:s26], [sflag:$0x9] =	stream.indirect.gather [hbm4b:s5+s25], $0x90, s4, s25, $0xb8;
	[tilespmem:$0x19B00] =	vst v63  }
0x97: {  	s20 =	sadd.s32 $0x0, s1  }
0x98: {  	[tilespmem:s23], [sflag:$0x4] =	stream.linear.gather [hbm4b:s20+s4], $0x30, $0x38;
	[tilespmem:$0x19B00] =	vst v63  }
0x99: {  	_ =	swait.ge [sflag:s16], $0xD80  }
0x9a: {  	[sflag:s16] =	ssyncset.done $0x0  }
0x9b: {  	s28 =	rddreg [dreg:$0xf];
	[sflag:s16] =	ssyncadd.s32 $0xFFFFF280  }
0x9c: {  	[spmem:s3] =	stream.indirect.scatter.add.f32 [tilespmem:s0], [sflag:$0xF], $0x90, s28, s25, $0xb8;
	[tilespmem:$0x19B00] =	vst v63  }
0x9d: {  	_ =	swait.ge [sflag:s17], $0xD80  }
0x9e: {  	[sflag:s17] =	ssyncset.done $0x0  }
0x9f: {  	[sflag:s17] =	ssyncadd.s32 $0xFFFFF280  }
0xa0: {  	_ =	swait.ge [sflag:s7], $0x30  }
0xa1: {  	[sflag:s7] =	ssyncset.done $0x0  }
0xa2: {  	s1 =	rddreg [dreg:$0x6];
	[sflag:s7] =	ssyncadd.s32 $0xFFFFFFD0  }
0xa3: {  	[tilespmem:s29], [sflag:$0xA] =	stream.indirect.gather [hbm4b:s5+s25], $0x90, s11, s25, $0xb8;
	[tilespmem:$0x19B00] =	vst v63  }
0xa4: {  	s20 =	sadd.s32 $0x0, s1  }
0xa5: {  	[tilespmem:s24], [sflag:$0x5] =	stream.linear.gather [hbm4b:s20+s4], $0x30, $0x38;
	[tilespmem:$0x19B00] =	vst v63  }
0xa6: {  	_ =	swait.ge [sflag:s10], $0xD80  }
0xa7: {  	[sflag:s10] =	ssyncset.done $0x0  }
0xa8: {  	s11 =	rddreg [dreg:$0x10];
	[sflag:s10] =	ssyncadd.s32 $0xFFFFF280  }
0xa9: {  	[spmem:s3] =	stream.indirect.scatter.add.f32 [tilespmem:s9], [sflag:$0x10], $0x90, s11, s25, $0xb8;
	[tilespmem:$0x19B00] =	vst v63  }
0xaa: {  	_ =	swait.ge [sflag:s30], $0xD80  }
0xab: {  	[sflag:s30] =	ssyncset.done $0x0  }
0xac: {  	[sflag:s30] =	ssyncadd.s32 $0xFFFFF280  }
0xad: {  	_ =	swait.ge [sflag:s15], $0x30  }
0xae: {  	[sflag:s15] =	ssyncset.done $0x0  }
0xaf: {  	s24 =	rddreg [dreg:$0x5];
	[sflag:s15] =	ssyncadd.s32 $0xFFFFFFD0  }
0xb0: {  	[tilespmem:s0], [sflag:$0xB] =	stream.indirect.gather [hbm4b:s5+s25], $0x90, s21, s25, $0xb8;
	[tilespmem:$0x19B00] =	vst v63  }
0xb1: {  	s20 =	sadd.s32 $0x0, s24  }
0xb2: {  	[tilespmem:s18], [sflag:$0x6] =	stream.linear.gather [hbm4b:s20+s4], $0x30, $0x38;
	[tilespmem:$0x19B00] =	vst v63  }
0xb3: {  	_ =	swait.ge [sflag:s6], $0xD80  }
0xb4: {  	[sflag:s6] =	ssyncset.done $0x0  }
0xb5: {  	[sflag:s6] =	ssyncadd.s32 $0xFFFFF280  }
0xb6: {  	[spmem:s3] =	stream.indirect.scatter.add.f32 [tilespmem:s26], [sflag:$0xD], $0x90, s25, s25, $0xb8;
	[tilespmem:$0x19B00] =	vst v63  }
0xb7: {  	_ =	swait.ge [sflag:s2], $0xD80  }
0xb8: {  	[sflag:s2] =	ssyncset.done $0x0  }
0xb9: {  	[sflag:s2] =	ssyncadd.s32 $0xFFFFF280  }
0xba: {  	_ =	swait.ge [sflag:s19], $0x30  }
0xbb: {  	[sflag:s19] =	ssyncset.done $0x0  }
0xbc: {  	s28 =	rddreg [dreg:$0x4];
	[sflag:s19] =	ssyncadd.s32 $0xFFFFFFD0  }
0xbd: {  	[tilespmem:s9], [sflag:$0xC] =	stream.indirect.gather [hbm4b:s5+s25], $0x90, s23, s25, $0xb8;
	[tilespmem:$0x19B00] =	vst v63  }
0xbe: {  	s20 =	sadd.s32 $0x0, s28  }
0xbf: {  	[tilespmem:s13], [sflag:$0x7] =	stream.linear.gather [hbm4b:s20+s4], $0x30, $0x38;
	[tilespmem:$0x19B00] =	vst v63  }
0xc0: {  	s31 =	simm.s32 $0x1;
	s7 =	simm.s32 $0x2;
	_ =	swait.ge [sflag:s12], $0xD80  }
0xc1: {  	s15 =	simm.s32 $0x3;
	s21 =	sadd.s32 $0x180, s22;
	[sflag:s12] =	ssyncset.done $0x0  }
0xc2: {  	s19 =	simm.s32 $0x4;
	s20 =	simm.s32 $0x30;
	[sflag:s12] =	ssyncadd.s32 $0xFFFFF280  }
.LBB2_2:
0xc3: {  	s22 =	simm.s32 $0x48  }
0xc4: {  	[spmem:s3] =	stream.indirect.scatter.add.f32 [tilespmem:s29], [sflag:$0xE], $0x90, s22, s25, $0xb8;
	[tilespmem:$0x19B00] =	vst v63  }
0xc5: {  	_ =	swait.ge [sflag:s14], $0xD80  }
0xc6: {  	[sflag:s14] =	ssyncset.done $0x0  }
0xc7: {  	s1 =	simm.s32 $0x5;
	[sflag:s14] =	ssyncadd.s32 $0xFFFFF280  }
0xc8: {  	_ =	swait.ge [sflag:s1], $0x30  }
0xc9: {  	s24 =	simm.s32 $0xC0;
	[sflag:s1] =	ssyncset.done $0x0  }
0xca: {  	s22 =	smov.u32 s20;
	s23 =	rddreg [dreg:$0xa];
	[sflag:s1] =	ssyncadd.s32 $0xFFFFFFD0  }
0xcb: {  	[tilespmem:s26], [sflag:$0x9] =	stream.indirect.gather [hbm4b:s5+s25], $0x90, s24, s25, $0xb8;
	[tilespmem:$0x19B00] =	vst v63  }
0xcc: {  	s18 =	simm.s32 $0x150;
	s23 =	sadd.s32 s22, s23  }
0xcd: {  	[tilespmem:s18], [sflag:$0x8] =	stream.linear.gather [hbm4b:s23+s4], $0x30, $0x38;
	[tilespmem:$0x19B00] =	vst v63  }
0xce: {  	_ =	swait.ge [sflag:s16], $0xD80  }
0xcf: {  	[sflag:s16] =	ssyncset.done $0x0  }
0xd0: {  	s13 =	rddreg [dreg:$0xb];
	[sflag:s16] =	ssyncadd.s32 $0xFFFFF280  }
0xd1: {  	[spmem:s3] =	stream.indirect.scatter.add.f32 [tilespmem:s0], [sflag:$0xF], $0x90, s13, s25, $0xb8;
	[tilespmem:$0x19B00] =	vst v63  }
0xd2: {  	_ =	swait.ge [sflag:s17], $0xD80  }
0xd3: {  	[sflag:s17] =	ssyncset.done $0x0  }
0xd4: {  	s23 =	simm.s32 $0x6;
	[sflag:s17] =	ssyncadd.s32 $0xFFFFF280  }
0xd5: {  	_ =	swait.ge [sflag:s23], $0x30  }
0xd6: {  	[sflag:s23] =	ssyncset.done $0x0  }
0xd7: {  	s13 =	simm.s32 $0xF0;
	[sflag:s23] =	ssyncadd.s32 $0xFFFFFFD0  }
0xd8: {  	[tilespmem:s29], [sflag:$0xA] =	stream.indirect.gather [hbm4b:s5+s25], $0x90, s13, s25, $0xb8;
	[tilespmem:$0x19B00] =	vst v63  }
0xd9: {  	s28 =	sshrl.u32 s21, $0x3;
	s1 =	rddreg [dreg:$0x1]  }
0xda: {  	s23 =	sadd.s32 s1, s28  }
0xdb: {  	[tilespmem:s4], [sflag:$0x1] =	stream.linear.gather [hbm4b:s23+s4], $0x30, $0x38;
	[tilespmem:$0x19B00] =	vst v63  }
0xdc: {  	_ =	swait.ge [sflag:s10], $0xD80  }
0xdd: {  	[sflag:s10] =	ssyncset.done $0x0  }
0xde: {  	s11 =	rddreg [dreg:$0xc];
	[sflag:s10] =	ssyncadd.s32 $0xFFFFF280  }
0xdf: {  	[spmem:s3] =	stream.indirect.scatter.add.f32 [tilespmem:s9], [sflag:$0x10], $0x90, s11, s25, $0xb8;
	[tilespmem:$0x19B00] =	vst v63  }
0xe0: {  	_ =	swait.ge [sflag:s30], $0xD80  }
0xe1: {  	[sflag:s30] =	ssyncset.done $0x0  }
0xe2: {  	s23 =	simm.s32 $0x7;
	[sflag:s30] =	ssyncadd.s32 $0xFFFFF280  }
0xe3: {  	_ =	swait.ge [sflag:s23], $0x30  }
0xe4: {  	[sflag:s23] =	ssyncset.done $0x0  }
0xe5: {  	s11 =	simm.s32 $0x120;
	s28 =	rddreg [dreg:$0x9];
	[sflag:s23] =	ssyncadd.s32 $0xFFFFFFD0  }
0xe6: {  	[tilespmem:s0], [sflag:$0xB] =	stream.indirect.gather [hbm4b:s5+s25], $0x90, s11, s25, $0xb8;
	[tilespmem:$0x19B00] =	vst v63  }
0xe7: {  	s1 =	simm.s32 $0x30;
	s23 =	sadd.s32 s22, s28  }
0xe8: {  	[tilespmem:s1], [sflag:$0x2] =	stream.linear.gather [hbm4b:s23+s4], $0x30, $0x38;
	[tilespmem:$0x19B00] =	vst v63  }
0xe9: {  	_ =	swait.ge [sflag:s6], $0xD80  }
0xea: {  	[sflag:s6] =	ssyncset.done $0x0  }
0xeb: {  	s28 =	rddreg [dreg:$0xd];
	[sflag:s6] =	ssyncadd.s32 $0xFFFFF280  }
0xec: {  	[spmem:s3] =	stream.indirect.scatter.add.f32 [tilespmem:s26], [sflag:$0xD], $0x90, s28, s25, $0xb8;
	[tilespmem:$0x19B00] =	vst v63  }
0xed: {  	_ =	swait.ge [sflag:s2], $0xD80  }
0xee: {  	[sflag:s2] =	ssyncset.done $0x0  }
0xef: {  	[sflag:s2] =	ssyncadd.s32 $0xFFFFF280  }
0xf0: {  	_ =	swait.ge [sflag:s8], $0x30  }
0xf1: {  	[sflag:s8] =	ssyncset.done $0x0  }
0xf2: {  	s28 =	rddreg [dreg:$0x8];
	[sflag:s8] =	ssyncadd.s32 $0xFFFFFFD0  }
0xf3: {  	[tilespmem:s9], [sflag:$0xC] =	stream.indirect.gather [hbm4b:s5+s25], $0x90, s18, s25, $0xb8;
	[tilespmem:$0x19B00] =	vst v63  }
0xf4: {  	s23 =	sadd.s32 s22, s28;
	s28 =	simm.s32 $0x60  }
0xf5: {  	[tilespmem:s28], [sflag:$0x3] =	stream.linear.gather [hbm4b:s23+s4], $0x30, $0x38;
	[tilespmem:$0x19B00] =	vst v63  }
0xf6: {  	_ =	swait.ge [sflag:s12], $0xD80  }
0xf7: {  	[sflag:s12] =	ssyncset.done $0x0  }
0xf8: {  	s18 =	rddreg [dreg:$0xe];
	[sflag:s12] =	ssyncadd.s32 $0xFFFFF280  }
0xf9: {  	[spmem:s3] =	stream.indirect.scatter.add.f32 [tilespmem:s29], [sflag:$0xE], $0x90, s18, s25, $0xb8;
	[tilespmem:$0x19B00] =	vst v63  }
0xfa: {  	_ =	swait.ge [sflag:s14], $0xD80  }
0xfb: {  	[sflag:s14] =	ssyncset.done $0x0  }
0xfc: {  	[sflag:s14] =	ssyncadd.s32 $0xFFFFF280  }
0xfd: {  	_ =	swait.ge [sflag:s31], $0x30  }
0xfe: {  	[sflag:s31] =	ssyncset.done $0x0  }
0xff: {  	s18 =	rddreg [dreg:$0x7];
	[sflag:s31] =	ssyncadd.s32 $0xFFFFFFD0  }
0x100: {  	[tilespmem:s26], [sflag:$0x9] =	stream.indirect.gather [hbm4b:s5+s25], $0x90, s4, s25, $0xb8;
	[tilespmem:$0x19B00] =	vst v63  }
0x101: {  	s23 =	sadd.s32 s22, s18;
	s18 =	simm.s32 $0x90  }
0x102: {  	[tilespmem:s18], [sflag:$0x4] =	stream.linear.gather [hbm4b:s23+s4], $0x30, $0x38;
	[tilespmem:$0x19B00] =	vst v63  }
0x103: {  	_ =	swait.ge [sflag:s16], $0xD80  }
0x104: {  	[sflag:s16] =	ssyncset.done $0x0  }
0x105: {  	s23 =	rddreg [dreg:$0xf];
	[sflag:s16] =	ssyncadd.s32 $0xFFFFF280  }
0x106: {  	[spmem:s3] =	stream.indirect.scatter.add.f32 [tilespmem:s0], [sflag:$0xF], $0x90, s23, s25, $0xb8;
	[tilespmem:$0x19B00] =	vst v63  }
0x107: {  	_ =	swait.ge [sflag:s17], $0xD80  }
0x108: {  	[sflag:s17] =	ssyncset.done $0x0  }
0x109: {  	[sflag:s17] =	ssyncadd.s32 $0xFFFFF280  }
0x10a: {  	_ =	swait.ge [sflag:s7], $0x30  }
0x10b: {  	[sflag:s7] =	ssyncset.done $0x0  }
0x10c: {  	s23 =	rddreg [dreg:$0x6];
	[sflag:s7] =	ssyncadd.s32 $0xFFFFFFD0  }
0x10d: {  	[tilespmem:s29], [sflag:$0xA] =	stream.indirect.gather [hbm4b:s5+s25], $0x90, s1, s25, $0xb8;
	[tilespmem:$0x19B00] =	vst v63  }
0x10e: {  	s23 =	sadd.s32 s22, s23  }
0x10f: {  	[tilespmem:s24], [sflag:$0x5] =	stream.linear.gather [hbm4b:s23+s4], $0x30, $0x38;
	[tilespmem:$0x19B00] =	vst v63  }
0x110: {  	_ =	swait.ge [sflag:s10], $0xD80  }
0x111: {  	[sflag:s10] =	ssyncset.done $0x0  }
0x112: {  	s1 =	rddreg [dreg:$0x10];
	[sflag:s10] =	ssyncadd.s32 $0xFFFFF280  }
0x113: {  	[spmem:s3] =	stream.indirect.scatter.add.f32 [tilespmem:s9], [sflag:$0x10], $0x90, s1, s25, $0xb8;
	[tilespmem:$0x19B00] =	vst v63  }
0x114: {  	_ =	swait.ge [sflag:s30], $0xD80  }
0x115: {  	[sflag:s30] =	ssyncset.done $0x0  }
0x116: {  	[sflag:s30] =	ssyncadd.s32 $0xFFFFF280  }
0x117: {  	_ =	swait.ge [sflag:s15], $0x30  }
0x118: {  	[sflag:s15] =	ssyncset.done $0x0  }
0x119: {  	s24 =	rddreg [dreg:$0x5];
	[sflag:s15] =	ssyncadd.s32 $0xFFFFFFD0  }
0x11a: {  	[tilespmem:s0], [sflag:$0xB] =	stream.indirect.gather [hbm4b:s5+s25], $0x90, s28, s25, $0xb8;
	[tilespmem:$0x19B00] =	vst v63  }
0x11b: {  	s23 =	sadd.s32 s22, s24  }
0x11c: {  	[tilespmem:s13], [sflag:$0x6] =	stream.linear.gather [hbm4b:s23+s4], $0x30, $0x38;
	[tilespmem:$0x19B00] =	vst v63  }
0x11d: {  	_ =	swait.ge [sflag:s6], $0xD80  }
0x11e: {  	[sflag:s6] =	ssyncset.done $0x0  }
0x11f: {  	[sflag:s6] =	ssyncadd.s32 $0xFFFFF280  }
0x120: {  	[spmem:s3] =	stream.indirect.scatter.add.f32 [tilespmem:s26], [sflag:$0xD], $0x90, s25, s25, $0xb8;
	[tilespmem:$0x19B00] =	vst v63  }
0x121: {  	_ =	swait.ge [sflag:s2], $0xD80  }
0x122: {  	[sflag:s2] =	ssyncset.done $0x0  }
0x123: {  	[sflag:s2] =	ssyncadd.s32 $0xFFFFF280  }
0x124: {  	_ =	swait.ge [sflag:s19], $0x30  }
0x125: {  	[sflag:s19] =	ssyncset.done $0x0  }
0x126: {  	p0 =	sne.s32 s20, $0x990;
	s28 =	rddreg [dreg:$0x4];
	[sflag:s19] =	ssyncadd.s32 $0xFFFFFFD0  }
0x127: {  	[tilespmem:s9], [sflag:$0xC] =	stream.indirect.gather [hbm4b:s5+s25], $0x90, s18, s25, $0xb8;
	[tilespmem:$0x19B00] =	vst v63  }
.Ltmp0:
0x128: {  	s22 =	sadd.s32 s22, s28;
	(pc) =	sbr.rel @p0 .LBB2_2-.Ltmp0, $4  }
0x129: {  	[tilespmem:s11], [sflag:$0x7] =	stream.linear.gather [hbm4b:s22+s4], $0x30, $0x38;
	[tilespmem:$0x19B00] =	vst v63  }
0x12a: {  	_ =	swait.ge [sflag:s12], $0xD80  }
0x12b: {  	[sflag:s12] =	ssyncset.done $0x0  }
0x12c: {  	s21 =	sadd.s32 $0x180, s21;
	s20 =	sadd.s32 $0x30, s20;
	[sflag:s12] =	ssyncadd.s32 $0xFFFFF280  }
0x12d: {  	s7 =	simm.s32 $0x48  }
0x12e: {  	[spmem:s3] =	stream.indirect.scatter.add.f32 [tilespmem:s29], [sflag:$0xE], $0x90, s7, s25, $0xb8;
	[tilespmem:$0x19B00] =	vst v63  }
0x12f: {  	_ =	swait.ge [sflag:s14], $0xD80  }
0x130: {  	[sflag:s14] =	ssyncset.done $0x0  }
0x131: {  	[sflag:s14] =	ssyncadd.s32 $0xFFFFF280  }
0x132: {  	_ =	swait.ge [sflag:s17], $0xD80  }
0x133: {  	[sflag:s17] =	ssyncset.done $0x0  }
0x134: {  	[sflag:s17] =	ssyncadd.s32 $0xFFFFF280  }
0x135: {  	_ =	swait.ge [sflag:s16], $0xD80  }
0x136: {  	[sflag:s16] =	ssyncset.done $0x0  }
0x137: {  	[sflag:s16] =	ssyncadd.s32 $0xFFFFF280  }
0x138: {  	_ =	swait.ge [sflag:s10], $0xD80  }
0x139: {  	[sflag:s10] =	ssyncset.done $0x0  }
0x13a: {  	s1 =	simm.s32 $0x5;
	[sflag:s10] =	ssyncadd.s32 $0xFFFFF280  }
0x13b: {  	_ =	swait.ge [sflag:s1], $0x30  }
0x13c: {  	[sflag:s1] =	ssyncset.done $0x0  }
0x13d: {  	s20 =	simm.s32 $0x6;
	[sflag:s1] =	ssyncadd.s32 $0xFFFFFFD0  }
0x13e: {  	_ =	swait.ge [sflag:s20], $0x30  }
0x13f: {  	[sflag:s20] =	ssyncset.done $0x0  }
0x140: {  	s21 =	simm.s32 $0x7;
	[sflag:s20] =	ssyncadd.s32 $0xFFFFFFD0  }
0x141: {  	_ =	swait.ge [sflag:s21], $0x30  }
0x142: {  	[sflag:s21] =	ssyncset.done $0x0  }
0x143: {  	[sflag:s21] =	ssyncadd.s32 $0xFFFFFFD0  }
0x144: {  	[bflag:$0x0] =	sbarrier.arrive $0xFFFF  }
0x145: {  	s22 =	sld [smem:$0x7FD]  }
0x146: {  	s20 =	rddreg [dreg:$0x13]  }
0x147: {  	s23 =	simm.s32 $0x12;
	s21 =	rddreg [dreg:$0x1c];
	s20 =	sor.u32 $0x1C12, s20  }
0x148: {  	[hbm:s21], [sflag:s20] =	dma.local [spmem:s22], $0x2C70  }
0x149: {  	_ =	swait.ge [sflag:s23], $0x2C70  }
0x14a: {  	s8 =	rddreg [dreg:$0x1f]  }
0x14b: {  	s24 =	rddreg [dreg:$0x1d];
	s8 =	sadd.s32 $0x1, s8  }
0x14c: {  	p0 =	sne.s32 s8, s24  }
.Ltmp1:
0x14d: {  	s11 =	simm.s32 $0x30;
	(pc) =	sbr.rel @p0 .LBB2_1-.Ltmp1, $4  }
0x14e: {  	s28 =	simm.s32 $0x1;
	s15 =	simm.s32 $0x3;
	s18 =	simm.s32 $0xF0  }
0x14f: {  	s19 =	simm.s32 $0x4;
	s13 =	simm.s32 $0x120;
	s31 =	simm.s32 $0x150  }
0x150: {  	s7 =	simm.s32 $0x2;
	s21 =	simm.s32 $0x60;
	[sflag:s23] =	ssyncset.done $0x0  }
0x151: {  	[sflag:s23] =	ssyncadd.s32 $0xFFFFD390;
	s23 =	simm.s32 $0x90;
	s24 =	simm.s32 $0xC0  }
0x152: {  	_ =	sfence.sel $0x180000  }
0x153: {  	[bflag:$0x0] =	sbarrier.arrive $0xFFFF  }
0x154: {  	_ =	strace $0x90000047  }
0x155: {  	s0 =	stileid.u32;
	[bflag:$0x2] =	sbarrier.arrive $0xFFFF  }
0x156: {  	p0 =	sne.s32 s0, $0x0;
	s0 =	rddreg [dreg:$0x3]  }
0x157: {  	s0 =	sadd.s32 @!p0 $0x100000, s0  }
0x158: {  	[sflag:s0] =	ssyncadd.tile.s32 @!p0 $0x1;
	_ =	shalt  }
.Lfunc_end2:
_tile_overlayer_lowered:
.L_overlay_start_2:
0x159: {  	(tag) =	ssettag $0x2  }
0x15a: {  	s0 =	rddreg [dreg:$0x0];
	s2 =	stileid.u32  }
0x15b: {  	s1 =	rddreg [dreg:$0x1];
	p0 =	sne.s32 s2, $0x0  }
0x15c: {  	s3 =	rddreg [dreg:$0x2];
	[bflag:$0x3] =	sbarrier.arrive $0xFFFF;
	s2 =	simm.s32 @!p0 $0x1C12  }
0x15d: {  	[timem:s3], [sflag:s2] =	dma.local @!p0 [hbm:s0], s1  }
0x15e: {  	s0 =	simm.s32 @!p0 $0x12  }
0x15f: {  	_ =	swait.ge @!p0 [sflag:s0], s1  }
0x160: {  	s1 =	ssub.s32 @!p0 $0x0, s1;
	[sflag:s0] =	ssyncset.done @!p0 $0x0  }
0x161: {  	[sflag:s0] =	ssyncadd.s32 @!p0 s1  }
0x162: {  	[bflag:$0x3] =	sbarrier.arrive $0xFFFF  }
0x163: {  	_ =	shalt  }

// kernel: kernel.9.cloned.1.call-start
scs
__scs_entry_jumppad:
0x0: {  	(pc) =	sbr.rel $0x88, $3  }
0x1: {  	(tag) =	ssettag $0x0;
	lr =	simm.s32 $0x1  }
0x2: {  	[smem:$0x3F99] =	sst lr;
	_ =	strace $0xD0000000  }
0x3: {  	_ = 	snop  }
0x4: {  	_ = 	snop  }
0x5: {  	_ = 	snop  }
0x6: {  	_ = 	snop  }
0x7: {  	_ = 	snop  }
__scs_overlays_trampoline_lowered:
0x8: {  	[smem:$0x3FA8] =	sst s0  }
0x9: {  	[smem:$0x3FA9] =	sst s1  }
0xa: {  	[smem:$0x3FAA] =	sst s2  }
0xb: {  	[smem:$0x3FAB] =	sst s3  }
0xc: {  	[smem:$0x3FAC] =	sst s4  }
0xd: {  	[smem:$0x3FAD] =	sst s5  }
0xe: {  	[smem:$0x3FAE] =	sst s6  }
0xf: {  	[smem:$0x3FAF] =	sst s7  }
0x10: {  	[smem:$0x3FB0] =	sst s8  }
0x11: {  	[smem:$0x3FB1] =	sst s9;
	s0 =	simm.s32 @!p0 $0x0  }
0x12: {  	s1 =	sld [smem:$0x3F97];
	s0 =	simm.s32 @p0 $0x1  }
0x13: {  	[smem:$0x3FB2] =	sst s0;
	s0 =	simm.s32 @!p1 $0x0  }
0x14: {  	s2 =	sld [smem:$0x3F96];
	s0 =	simm.s32 @p1 $0x1  }
0x15: {  	[smem:$0x3FB3] =	sst s0;
	s0 =	simm.s32 @!p2 $0x0  }
0x16: {  	s3 =	sld [smem:$0x3FDB];
	s0 =	simm.s32 @p2 $0x1  }
0x17: {  	s4 =	simm.s32 $0x1BF5;
	[smem:$0x3FB5] =	sst s0  }
0x18: {  	s0 =	sld [smem:$0x3F98];
	_ =	swait.ge [sflag:s4], $0x0  }
0x19: {  	s7 =	sld [smem:$0x3F99]  }
0x1a: {  	s8 =	sadd.s32 $0xFFFFE003, lr  }
0x1b: {  	s9 =	sadd.s32 $0xFFFFFEF7, lr;
	s5 =	simm.s32 $0xFFFFFFFF;
	p2 =	slt.u32 s8, $0xFFFFF086  }
0x1c: {  	p1 =	slt.u32 s9, $0xF7A;
	s5 =	simm.s32 @!p2 $0x0  }
0x1d: {  	s5 =	simm.s32 @p1 $0x1;
	p0 =	seq.s32 s7, s2  }
0x1e: {  	s7 =	smul.u32 @!p0 $0xF7A, s2;
	p2 =	seq.s32 @!p0 s5, $0x0  }
0x1f: {  	s9 =	smul.u32 $0xF7A, s1;
	s8 =	simm.s32 @!p0 $0x1BF5;
	p2 =	por !p2, p0  }
0x20: {  	[sflag:s8] =	ssyncset.s32 @!p0 $0xFFFFF086;
	s6 =	sadd.s32 @!p0 s3, s7;
	s7 =	simm.s32 @!p0 $0x108  }
0x21: {  	s3 =	sadd.s32 s3, s9;
	s6 =	sadd.s32 @!p0 $0x88, s6;
	s7 =	simm.s32 @p2 $0x1082  }
0x22: {  	[simem:s7], [sflag:s8] =	dma.local @!p0 [hbm:s6], $0xF7A  }
0x23: {  	s9 =	sor.u32 $0xD0000000, s2;
	s6 =	simm.s32 $0x108;
	_ =	swait.ge @!p0 [sflag:s8], $0x0  }
0x24: {  	s3 =	sadd.s32 $0x88, s3;
	s6 =	simm.s32 @!p1 $0x1082;
	[sflag:s4] =	ssyncset.s32 $0xFFFFF086  }
0x25: {  	[simem:s6], [sflag:s4] =	dma.local [hbm:s3], $0xF7A  }
0x26: {  	[smem:$0x3F99] =	sst s1;
	(tag) =	ssettag s2;
	_ =	strace s9  }
0x27: {  	s1 =	sld [smem:$0x3FA9]  }
0x28: {  	s2 =	sld [smem:$0x3FAA]  }
0x29: {  	s4 =	sld [smem:$0x3FAC]  }
0x2a: {  	p0 =	seq.s32 s5, $0x0;
	s5 =	sld [smem:$0x3FAD]  }
0x2b: {  	s6 =	sld [smem:$0x3FAE]  }
0x2c: {  	s7 =	sld [smem:$0x3FAF]  }
0x2d: {  	s3 =	simm.s32 $0x108;
	s8 =	sld [smem:$0x3FB0]  }
0x2e: {  	s3 =	simm.s32 @!p0 $0x1082;
	s9 =	sld [smem:$0x3FB1]  }
0x2f: {  	lr =	sadd.s32 s0, s3;
	s0 =	sld [smem:$0x3FA8]  }
0x30: {  	s3 =	sld [smem:$0x3FAB]  }
0x31: {  	[smem:$0x3FB4] =	sst s10  }
0x32: {  	s10 =	sld [smem:$0x3FB2];
	_ =	sdelay $0x3  }
0x33: {  	p0 =	seq.s32 s10, $0x1;
	s10 =	sld [smem:$0x3FB4];
	_ =	sdelay $0x3  }
0x34: {  	[smem:$0x3FB4] =	sst s10  }
0x35: {  	s10 =	sld [smem:$0x3FB3];
	_ =	sdelay $0x3  }
0x36: {  	p1 =	seq.s32 s10, $0x1;
	s10 =	sld [smem:$0x3FB4];
	_ =	sdelay $0x3  }
0x37: {  	[smem:$0x3FB4] =	sst s10  }
0x38: {  	s10 =	sld [smem:$0x3FB5]  }
0x39: {  	_ = 	snop;
	(pc) =	sbr.ind lr, $3  }
0x3a: {  	_ = 	snop  }
0x3b: {  	_ = 	snop  }
0x3c: {  	p2 =	seq.s32 s10, $0x1;
	s10 =	sld [smem:$0x3FB4]  }
0x3d: {  	_ =	shalt  }
0x3e: {  	_ =	shalt  }
0x3f: {  	_ =	shalt  }
0x40: {  	_ =	shalt  }
0x41: {  	_ =	shalt  }
0x42: {  	_ =	shalt  }
0x43: {  	_ =	shalt  }
0x44: {  	_ =	shalt  }
0x45: {  	_ =	shalt  }
0x46: {  	_ =	shalt  }
0x47: {  	_ =	shalt  }
0x48: {  	_ =	shalt  }
0x49: {  	_ =	shalt  }
0x4a: {  	_ =	shalt  }
0x4b: {  	_ =	shalt  }
0x4c: {  	_ =	shalt  }
0x4d: {  	_ =	shalt  }
0x4e: {  	_ =	shalt  }
0x4f: {  	_ =	shalt  }
0x50: {  	_ =	shalt  }
0x51: {  	_ =	shalt  }
0x52: {  	_ =	shalt  }
0x53: {  	_ =	shalt  }
0x54: {  	_ =	shalt  }
0x55: {  	_ =	shalt  }
0x56: {  	_ =	shalt  }
0x57: {  	_ =	shalt  }
0x58: {  	_ =	shalt  }
0x59: {  	_ =	shalt  }
0x5a: {  	_ =	shalt  }
0x5b: {  	_ =	shalt  }
0x5c: {  	_ =	shalt  }
0x5d: {  	_ =	shalt  }
0x5e: {  	_ =	shalt  }
0x5f: {  	_ =	shalt  }
0x60: {  	_ =	shalt  }
0x61: {  	_ =	shalt  }
0x62: {  	_ =	shalt  }
0x63: {  	_ =	shalt  }
0x64: {  	_ =	shalt  }
0x65: {  	_ =	shalt  }
0x66: {  	_ =	shalt  }
0x67: {  	_ =	shalt  }
0x68: {  	_ =	shalt  }
0x69: {  	_ =	shalt  }
0x6a: {  	_ =	shalt  }
0x6b: {  	_ =	shalt  }
0x6c: {  	_ =	shalt  }
0x6d: {  	_ =	shalt  }
0x6e: {  	_ =	shalt  }
0x6f: {  	_ =	shalt  }
0x70: {  	_ =	shalt  }
0x71: {  	_ =	shalt  }
0x72: {  	_ =	shalt  }
0x73: {  	_ =	shalt  }
0x74: {  	_ =	shalt  }
0x75: {  	_ =	shalt  }
0x76: {  	_ =	shalt  }
0x77: {  	_ =	shalt  }
0x78: {  	_ =	shalt  }
0x79: {  	_ =	shalt  }
0x7a: {  	_ =	shalt  }
0x7b: {  	_ =	shalt  }
0x7c: {  	_ =	shalt  }
0x7d: {  	_ =	shalt  }
0x7e: {  	_ =	shalt  }
0x7f: {  	_ =	shalt  }
0x80: {  	_ =	shalt  }
0x81: {  	_ =	shalt  }
0x82: {  	_ =	shalt  }
0x83: {  	_ =	shalt  }
0x84: {  	_ =	shalt  }
0x85: {  	_ =	shalt  }
0x86: {  	_ =	shalt  }
0x87: {  	_ =	shalt  }
.Lfunc_end0:
.L_simem_size_0:
called_computation.1_lowered:
.L_overlay_start_0:
0x88: {  	s2 =	sld [smem:$0x3FD9]  }
0x89: {  	s3 =	sld [smem:$0x3FFE];
	_ =	sdelay $0x1  }
0x8a: {  	s1 =	srdreg.scid  }
0x8b: {  	s0 =	sand.u32 $0x1, s1  }
0x8c: {  	s17 =	sshll.u32 s0, $0xA;
	s2 =	sadd.s32 s3, s2  }
0x8d: {  	s2 =	sadd.s32 s2, s17  }
0x8e: {  	[smem:$0x3FC0] =	sst s2  }
0x8f: {  	_ = 	snop  }
0x90: {  	s2 =	sld [smem:$0x3FD0];
	(tm) =	ssettm $0x1  }
0x91: {  	s18 =	sld [smem:$0x3FFB];
	_ =	sdelay $0x3  }
0x92: {  	_ =	strace s18  }
0x93: {  	s3 =	sld [smem:$0x3FFC];
	_ =	sdelay $0x3  }
0x94: {  	_ =	strace s3  }
0x95: {  	s3 =	sld [smem:$0x3FFD];
	_ =	sdelay $0x3  }
0x96: {  	_ =	strace s3  }
0x97: {  	_ =	strace $0x8FFFFFFF  }
0x98: {  	s19 =	sld [smem:$0x3FDB];
	_ =	sdelay $0x1  }
0x99: {  	s4 =	simm.s32 $_scs_section_size  }
0x9a: {  	s5 =	simm.s32 $_size__tile_overlayer_lowered;
	s6 =	simm.s32 $_tile_overlayer_lowered  }
0x9b: {  	s22 =	simm.s32 $0x1BFF;
	s21 =	sshll.u32 s6, $0x1;
	s3 =	sadd.s32 s4, s19  }
0x9c: {  	s7 =	simm.s32 $0x0;
	s20 =	sshll.u32 s5, $0x1;
	s5 =	sadd.s32 s21, s3  }
0x9d: {  	[timem:s7], [sflag:s22] =	dma.local [hbm:s5], s20  }
0x9e: {  	_ =	swait.ge [sflag:s22], s20  }
0x9f: {  	s4 =	ssub.s32 $0x0, s20;
	[sflag:s22] =	ssyncset.done $0x0  }
0xa0: {  	[sflag:s22] =	ssyncadd.s32 s4;
	_ =	sdelay $0x1  }
0xa1: {  	s23 =	simm.s32 $0x1B8B  }
0xa2: {  	_ =	swait.ge [sflag:s23], $0x1  }
0xa3: {  	[sflag:s23] =	ssyncset.done $0x0  }
0xa4: {  	s25 =	simm.s32 $0x1B8E;
	s24 =	sld [smem:$0x3FFE];
	[sflag:s23] =	ssyncadd.s32 $0xFFFFFFFF  }
0xa5: {  	s26 =	simm.s32 $execute0_lowered;
	[smem:$0x3FD2] =	sst s25  }
0xa6: {  	s5 =	sshll.u32 s26, $0x1;
	_ =	strace $0x80000049;
	[dreg:$0x1] =	wrdreg $0xFFFFFFFF  }
0xa7: {  	s28 =	simm.s32 $_size_execute0_lowered;
	s3 =	sadd.s32 s3, s5;
	[dreg:$0x0] =	wrdreg $0x0  }
0xa8: {  	s5 =	sshll.u32 s28, $0x1;
	[dreg:$0x2] =	wrdreg s3  }
0xa9: {  	[dreg:$0x3] =	wrdreg s5  }
0xaa: {  	[dreg:$0x4] =	wrdreg $0xC0  }
0xab: {  	_ =	task [dreg:s7], $0x5FFFF  }
0xac: {  	[dreg:$0x1] =	wrdreg $0xFFFFFFFF  }
0xad: {  	[dreg:$0x0] =	wrdreg $0x60  }
0xae: {  	[dreg:$0x2] =	wrdreg s24  }
0xaf: {  	[dreg:$0x3] =	wrdreg s2  }
0xb0: {  	[dreg:$0x4] =	wrdreg $0x31800  }
0xb1: {  	[dreg:$0x5] =	wrdreg $0x9  }
0xb2: {  	_ =	task.clear_ibuf [dreg:s7], $0x6FFFF;
	_ =	strace $0x90000049  }
0xb3: {  	s29 =	simm.s32 $0x9;
	_ =	strace $0x8000004B  }
0xb4: {  	_ =	swait.ge [sflag:s29], $0x1  }
0xb5: {  	[sflag:s29] =	ssyncadd.s32 $0xFFFFFFFF  }
0xb6: {  	_ =	strace $0x9000004B  }
0xb7: {  	_ =	sfence  }
0xb8: {  	s30 =	sld [smem:$0x0];
	_ =	sdelay $0x2  }
0xb9: {  	s31 =	sshll.u32 s1, $0xD;
	s1 =	sshrl.u32 s1, $0x2  }
0xba: {  	s3 =	sand.u32 $0x4000, s31;
	s1 =	sadd.s32 s1, s30  }
0xbb: {  	s0 =	sor.u32 s3, s0;
	s1 =	sshll.u32 s1, $0x11  }
0xbc: {  	s0 =	sor.u32 s1, s0  }
0xbd: {  	s0 =	sadd.s32 $0x8F2B, s0  }
0xbe: {  	[sflag:s0] =	ssyncadd.remote.s32 $0x1  }
0xbf: {  	_ =	sfence.sel $0xFFFF  }
0xc0: {  	[dreg:$0x0] =	wrdreg $0xFFFFFFFF;
	(pc) =	sbr.abs _section_cstart, $3  }
0xc1: {  	[dreg:$0x1] =	wrdreg $0xFFFFFFFF  }
0xc2: {  	_ =	task.clear_ibuf [dreg:s7], $0x2FFFF;
	_ =	strace $0x9FFFFFFF  }
0xc3: {  	(tm) =	ssettm $0x7FFFFFFF  }
tec
execute0_lowered:
.L_overlay_start_1:
0x0: {  	(tag) =	ssettag $0x1  }
0x1: {  	s0 =	rddreg [dreg:$0x0]  }
0x2: {  	s11 =	rddreg [dreg:$0x1]  }
0x3: {  	s3 =	rddreg [dreg:$0x2]  }
0x4: {  	s4 =	simm.s32 $0x0;
	s10 =	stileid.u32;
	s1 =	srdreg.scid  }
0x5: {  	s28 =	simm.s32 $0x1;
	s29 =	simm.s32 $0xD80;
	s31 =	simm.s32 $0x150  }
0x6: {  	s30 =	simm.s32 $0xF;
	[smem:$0x7FF] =	sst s4;
	s2 =	smul.u32 $0x13C00, s10  }
0x7: {  	s1 =	sand.u32 $0x1, s1;
	s5 =	sadd.s32 $0x1A00, s0;
	s14 =	smul.u32 $0x4F50, s10  }
0x8: {  	s15 =	sshll.u32 s10, $0x6;
	_ =	strace $0x8000004A;
	s6 =	smul.u32 $0x13C000, s1  }
0x9: {  	s8 =	sshll.u32 s1, $0x4;
	s9 =	ssub.s32 $0x2, s1;
	s1 =	smul.u32 $0x4F500, s1  }
0xa: {  	[dreg:$0x13] =	wrdreg s15;
	s17 =	sor.u32 $0x1C11, s15;
	s7 =	sshrl.u32 s2, $0x3  }
0xb: {  	s8 =	sor.u32 s10, s8;
	s13 =	sshrl.u32 s9, $0x1;
	[dreg:$0x14] =	wrdreg s17  }
0xc: {  	s7 =	sadd.s32 s7, s0;
	s6 =	sadd.s32 s2, s6;
	s8 =	smul.u32 $0x4F50, s8  }
0xd: {  	s2 =	sadd.s32 s2, s3;
	s1 =	sadd.s32 s14, s1;
	s6 =	sshrl.u32 s6, $0x3  }
0xe: {  	[dreg:$0x11] =	wrdreg s2;
	s7 =	sadd.s32 $0x28C00, s7;
	s20 =	sadd.s32 $0x2A0, s1  }
0xf: {  	s23 =	sadd.s32 $0x270, s1;
	s25 =	sadd.s32 $0x240, s1;
	s26 =	sadd.s32 $0x210, s1  }
0x10: {  	s12 =	sadd.s32 $0x1E0, s1;
	s14 =	sadd.s32 $0x1B0, s1;
	s15 =	sadd.s32 $0x150, s1  }
0x11: {  	s1 =	sadd.s32 $0x180, s1;
	[dreg:$0x12] =	wrdreg s7;
	s16 =	sshrl.u32 s8, $0x3  }
0x12: {  	s2 =	sshrl.u32 s20, $0x3;
	s20 =	simm.s32 $0x78;
	[dreg:$0x1e] =	wrdreg s1  }
0x13: {  	s24 =	sshrl.u32 s23, $0x3;
	s23 =	simm.s32 $0xD8;
	[dreg:$0xb] =	wrdreg s20  }
0x14: {  	s8 =	sshrl.u32 s26, $0x3;
	s26 =	simm.s32 $0x168;
	[dreg:$0xd] =	wrdreg s23  }
0x15: {  	s0 =	sadd.s32 s6, s0;
	s2 =	sadd.s32 s2, s11;
	[dreg:$0x10] =	wrdreg s26  }
0x16: {  	s6 =	ssub.s32 s9, s13;
	s10 =	sadd.s32 s8, s11;
	[dreg:$0x4] =	wrdreg s2  }
0x17: {  	s13 =	sshrl.u32 s12, $0x3;
	s9 =	sadd.s32 s11, s16;
	[dreg:$0x7] =	wrdreg s10  }
0x18: {  	s17 =	sshrl.u32 s15, $0x3;
	s0 =	sadd.s32 $0x50400, s0;
	[dreg:$0x15] =	wrdreg s9  }
0x19: {  	s15 =	simm.s32 $0x3;
	s18 =	sadd.s32 $0x6, s9;
	[dreg:$0x1c] =	wrdreg s0  }
0x1a: {  	s12 =	simm.s32 $0xA;
	s19 =	sadd.s32 $0xC, s9;
	[dreg:$0x16] =	wrdreg s18  }
0x1b: {  	s23 =	simm.s32 $0x90;
	s7 =	sadd.s32 $0x12, s9;
	[dreg:$0x17] =	wrdreg s19  }
0x1c: {  	s26 =	simm.s32 $0x180;
	s21 =	sadd.s32 $0x18, s9;
	[dreg:$0x18] =	wrdreg s7  }
0x1d: {  	s8 =	simm.s32 $0x0;
	s22 =	sadd.s32 $0x1E, s9;
	[dreg:$0x19] =	wrdreg s21  }
0x1e: {  	s2 =	sadd.s32 s24, s11;
	s24 =	simm.s32 $0x108;
	[dreg:$0x1a] =	wrdreg s22  }
0x1f: {  	s0 =	simm.s32 $0x1980;
	s10 =	simm.s32 $0xC;
	[dreg:$0x5] =	wrdreg s2  }
0x20: {  	s7 =	sshrl.u32 s25, $0x3;
	s2 =	sadd.s32 s13, s11;
	[dreg:$0xe] =	wrdreg s24  }
0x21: {  	s18 =	sadd.s32 $0x24, s9;
	s19 =	sadd.s32 s17, s11;
	[dreg:$0x8] =	wrdreg s2  }
0x22: {  	s21 =	smax.u32 s6, $0x1;
	s22 =	simm.s32 $0xA8;
	[dreg:$0x1b] =	wrdreg s18  }
0x23: {  	s25 =	simm.s32 $0x138;
	s24 =	simm.s32 $0xC0;
	[dreg:$0xa] =	wrdreg s19  }
0x24: {  	s6 =	simm.s32 $0x9;
	s9 =	simm.s32 $0x2580;
	[dreg:$0x1d] =	wrdreg s21  }
0x25: {  	s13 =	simm.s32 $0x120;
	s17 =	simm.s32 $0xE;
	[dreg:$0xc] =	wrdreg s22  }
0x26: {  	s7 =	sadd.s32 s7, s11;
	s21 =	simm.s32 $0x60;
	[dreg:$0xf] =	wrdreg s25  }
0x27: {  	s25 =	simm.s32 $0x18;
	s18 =	simm.s32 $0xF0;
	s19 =	simm.s32 $0x4  }
0x28: {  	s2 =	simm.s32 $0x10;
	[dreg:$0x6] =	wrdreg s7;
	s7 =	sshrl.u32 s14, $0x3  }
0x29: {  	s14 =	simm.s32 $0xD;
	s16 =	sadd.s32 s7, s11;
	s11 =	simm.s32 $0x30  }
0x2a: {  	s7 =	simm.s32 $0x2;
	[dreg:$0x9] =	wrdreg s16;
	s16 =	simm.s32 $0xB  }
.LBB2_1:
0x2b: {  	[dreg:$0x1f] =	wrdreg s8  }
0x2c: {  	s1 =	rddreg [dreg:$0x11]  }
0x2d: {  	s22 =	rddreg [dreg:$0x12]  }
0x2e: {  	s20 =	rddreg [dreg:$0x14];
	s1 =	sshrl.u32 s1, $0x3  }
0x2f: {  	[smem:$0x7FD] =	sst s1  }
0x30: {  	[spmem:s1], [sflag:s20] =	dma.local [hbm:s22], $0x2780  }
0x31: {  	s1 =	rddreg [dreg:$0x15]  }
0x32: {  	[tilespmem:s4], [sflag:$0x1] =	stream.linear.gather [hbm4b:s1+s4], $0x30, $0x38;
	[tilespmem:$0x16D80] =	vst v63  }
0x33: {  	s22 =	rddreg [dreg:$0x16]  }
0x34: {  	[tilespmem:s11], [sflag:$0x2] =	stream.linear.gather [hbm4b:s22+s4], $0x30, $0x38;
	[tilespmem:$0x16D80] =	vst v63  }
0x35: {  	s8 =	rddreg [dreg:$0x17]  }
0x36: {  	[tilespmem:s21], [sflag:$0x3] =	stream.linear.gather [hbm4b:s8+s4], $0x30, $0x38;
	[tilespmem:$0x16D80] =	vst v63  }
0x37: {  	s20 =	rddreg [dreg:$0x18]  }
0x38: {  	[tilespmem:s23], [sflag:$0x4] =	stream.linear.gather [hbm4b:s20+s4], $0x30, $0x38;
	[tilespmem:$0x16D80] =	vst v63  }
0x39: {  	s22 =	rddreg [dreg:$0x19]  }
0x3a: {  	[tilespmem:s24], [sflag:$0x5] =	stream.linear.gather [hbm4b:s22+s4], $0x30, $0x38;
	[tilespmem:$0x16D80] =	vst v63  }
0x3b: {  	_ =	swait.ge [sflag:s28], $0x30  }
0x3c: {  	[sflag:s28] =	ssyncset.done $0x0  }
0x3d: {  	[sflag:s28] =	ssyncadd.s32 $0xFFFFFFD0  }
0x3e: {  	[tilespmem:s26], [sflag:$0x9] =	stream.indirect.gather [hbm4b:s5+s25], $0x80, s4, s25, $0xb8;
	[tilespmem:$0x16D80] =	vst v63  }
0x3f: {  	_ =	swait.ge [sflag:s7], $0x30  }
0x40: {  	[sflag:s7] =	ssyncset.done $0x0  }
0x41: {  	s8 =	simm.s32 $0x11;
	[sflag:s7] =	ssyncadd.s32 $0xFFFFFFD0  }
0x42: {  	[tilespmem:s29], [sflag:$0xA] =	stream.indirect.gather [hbm4b:s5+s25], $0x80, s11, s25, $0xb8;
	[tilespmem:$0x16D80] =	vst v63  }
0x43: {  	_ =	swait.ge [sflag:s8], $0x2780  }
0x44: {  	[sflag:s8] =	ssyncset.done $0x0  }
0x45: {  	[sflag:s8] =	ssyncadd.s32 $0xFFFFD880  }
0x46: {  	[bflag:$0x0] =	sbarrier.arrive $0xFFFF  }
0x47: {  	_ =	swait.ge [sflag:s15], $0x30  }
0x48: {  	[sflag:s15] =	ssyncset.done $0x0  }
0x49: {  	[sflag:s15] =	ssyncadd.s32 $0xFFFFFFD0  }
0x4a: {  	[tilespmem:s0], [sflag:$0xB] =	stream.indirect.gather [hbm4b:s5+s25], $0x80, s21, s25, $0xb8;
	[tilespmem:$0x16D80] =	vst v63  }
0x4b: {  	s20 =	rddreg [dreg:$0x1a]  }
0x4c: {  	[tilespmem:s18], [sflag:$0x6] =	stream.linear.gather [hbm4b:s20+s4], $0x30, $0x38;
	[tilespmem:$0x16D80] =	vst v63  }
0x4d: {  	_ =	swait.ge [sflag:s6], $0xC00  }
0x4e: {  	[sflag:s6] =	ssyncset.done $0x0  }
0x4f: {  	[sflag:s6] =	ssyncadd.s32 $0xFFFFF400  }
0x50: {  	[spmem:s3] =	stream.indirect.scatter.add.f32 [tilespmem:s26], [sflag:$0xD], $0x80, s25, s25, $0xb8;
	[tilespmem:$0x16D80] =	vst v63  }
0x51: {  	_ =	swait.ge [sflag:s19], $0x30  }
0x52: {  	[sflag:s19] =	ssyncset.done $0x0  }
0x53: {  	[sflag:s19] =	ssyncadd.s32 $0xFFFFFFD0  }
0x54: {  	[tilespmem:s9], [sflag:$0xC] =	stream.indirect.gather [hbm4b:s5+s25], $0x80, s23, s25, $0xb8;
	[tilespmem:$0x16D80] =	vst v63  }
0x55: {  	s22 =	rddreg [dreg:$0x1b]  }
0x56: {  	[tilespmem:s13], [sflag:$0x7] =	stream.linear.gather [hbm4b:s22+s4], $0x30, $0x38;
	[tilespmem:$0x16D80] =	vst v63  }
0x57: {  	_ =	swait.ge [sflag:s12], $0xC00  }
0x58: {  	[sflag:s12] =	ssyncset.done $0x0  }
0x59: {  	s8 =	simm.s32 $0x48;
	[sflag:s12] =	ssyncadd.s32 $0xFFFFF400  }
0x5a: {  	[spmem:s3] =	stream.indirect.scatter.add.f32 [tilespmem:s29], [sflag:$0xE], $0x80, s8, s25, $0xb8;
	[tilespmem:$0x16D80] =	vst v63  }
0x5b: {  	_ =	swait.ge [sflag:s14], $0xC00  }
0x5c: {  	[sflag:s14] =	ssyncset.done $0x0  }
0x5d: {  	s20 =	simm.s32 $0x5;
	[sflag:s14] =	ssyncadd.s32 $0xFFFFF400  }
0x5e: {  	_ =	swait.ge [sflag:s20], $0x30  }
0x5f: {  	[sflag:s20] =	ssyncset.done $0x0  }
0x60: {  	s22 =	rddreg [dreg:$0xa];
	[sflag:s20] =	ssyncadd.s32 $0xFFFFFFD0  }
0x61: {  	[tilespmem:s26], [sflag:$0x9] =	stream.indirect.gather [hbm4b:s5+s25], $0x80, s24, s25, $0xb8;
	[tilespmem:$0x16D80] =	vst v63  }
0x62: {  	s20 =	sadd.s32 $0x0, s22  }
0x63: {  	[tilespmem:s31], [sflag:$0x8] =	stream.linear.gather [hbm4b:s20+s4], $0x30, $0x38;
	[tilespmem:$0x16D80] =	vst v63  }
0x64: {  	_ =	swait.ge [sflag:s16], $0xC00  }
0x65: {  	[sflag:s16] =	ssyncset.done $0x0  }
0x66: {  	s8 =	rddreg [dreg:$0xb];
	[sflag:s16] =	ssyncadd.s32 $0xFFFFF400  }
0x67: {  	[spmem:s3] =	stream.indirect.scatter.add.f32 [tilespmem:s0], [sflag:$0xF], $0x80, s8, s25, $0xb8;
	[tilespmem:$0x16D80] =	vst v63  }
0x68: {  	_ =	swait.ge [sflag:s17], $0xC00  }
0x69: {  	[sflag:s17] =	ssyncset.done $0x0  }
0x6a: {  	s22 =	simm.s32 $0x6;
	[sflag:s17] =	ssyncadd.s32 $0xFFFFF400  }
0x6b: {  	_ =	swait.ge [sflag:s22], $0x30  }
0x6c: {  	[sflag:s22] =	ssyncset.done $0x0  }
0x6d: {  	[sflag:s22] =	ssyncadd.s32 $0xFFFFFFD0;
	s22 =	rddreg [dreg:$0x1e]  }
0x6e: {  	[tilespmem:s29], [sflag:$0xA] =	stream.indirect.gather [hbm4b:s5+s25], $0x80, s18, s25, $0xb8;
	[tilespmem:$0x16D80] =	vst v63  }
0x6f: {  	s8 =	sshrl.u32 s22, $0x3;
	s1 =	rddreg [dreg:$0x1]  }
0x70: {  	s20 =	sadd.s32 s1, s8  }
0x71: {  	[tilespmem:s4], [sflag:$0x1] =	stream.linear.gather [hbm4b:s20+s4], $0x30, $0x38;
	[tilespmem:$0x16D80] =	vst v63  }
0x72: {  	_ =	swait.ge [sflag:s10], $0xC00  }
0x73: {  	[sflag:s10] =	ssyncset.done $0x0  }
0x74: {  	s8 =	rddreg [dreg:$0xc];
	[sflag:s10] =	ssyncadd.s32 $0xFFFFF400  }
0x75: {  	[spmem:s3] =	stream.indirect.scatter.add.f32 [tilespmem:s9], [sflag:$0x10], $0x80, s8, s25, $0xb8;
	[tilespmem:$0x16D80] =	vst v63  }
0x76: {  	_ =	swait.ge [sflag:s30], $0xC00  }
0x77: {  	[sflag:s30] =	ssyncset.done $0x0  }
0x78: {  	s20 =	simm.s32 $0x7;
	[sflag:s30] =	ssyncadd.s32 $0xFFFFF400  }
0x79: {  	_ =	swait.ge [sflag:s20], $0x30  }
0x7a: {  	[sflag:s20] =	ssyncset.done $0x0  }
0x7b: {  	s8 =	rddreg [dreg:$0x9];
	[sflag:s20] =	ssyncadd.s32 $0xFFFFFFD0  }
0x7c: {  	[tilespmem:s0], [sflag:$0xB] =	stream.indirect.gather [hbm4b:s5+s25], $0x80, s13, s25, $0xb8;
	[tilespmem:$0x16D80] =	vst v63  }
0x7d: {  	s20 =	sadd.s32 $0x0, s8  }
0x7e: {  	[tilespmem:s11], [sflag:$0x2] =	stream.linear.gather [hbm4b:s20+s4], $0x30, $0x38;
	[tilespmem:$0x16D80] =	vst v63  }
0x7f: {  	_ =	swait.ge [sflag:s6], $0xC00  }
0x80: {  	[sflag:s6] =	ssyncset.done $0x0  }
0x81: {  	s8 =	rddreg [dreg:$0xd];
	[sflag:s6] =	ssyncadd.s32 $0xFFFFF400  }
0x82: {  	[spmem:s3] =	stream.indirect.scatter.add.f32 [tilespmem:s26], [sflag:$0xD], $0x80, s8, s25, $0xb8;
	[tilespmem:$0x16D80] =	vst v63  }
0x83: {  	_ =	swait.ge [sflag:s2], $0xC00  }
0x84: {  	[sflag:s2] =	ssyncset.done $0x0  }
0x85: {  	s8 =	simm.s32 $0x8;
	[sflag:s2] =	ssyncadd.s32 $0xFFFFF400  }
0x86: {  	_ =	swait.ge [sflag:s8], $0x30  }
0x87: {  	[sflag:s8] =	ssyncset.done $0x0  }
0x88: {  	s1 =	rddreg [dreg:$0x8];
	[sflag:s8] =	ssyncadd.s32 $0xFFFFFFD0  }
0x89: {  	[tilespmem:s9], [sflag:$0xC] =	stream.indirect.gather [hbm4b:s5+s25], $0x80, s31, s25, $0xb8;
	[tilespmem:$0x16D80] =	vst v63  }
0x8a: {  	s20 =	sadd.s32 $0x0, s1  }
0x8b: {  	[tilespmem:s21], [sflag:$0x3] =	stream.linear.gather [hbm4b:s20+s4], $0x30, $0x38;
	[tilespmem:$0x16D80] =	vst v63  }
0x8c: {  	_ =	swait.ge [sflag:s12], $0xC00  }
0x8d: {  	[sflag:s12] =	ssyncset.done $0x0  }
0x8e: {  	s1 =	rddreg [dreg:$0xe];
	[sflag:s12] =	ssyncadd.s32 $0xFFFFF400  }
0x8f: {  	[spmem:s3] =	stream.indirect.scatter.add.f32 [tilespmem:s29], [sflag:$0xE], $0x80, s1, s25, $0xb8;
	[tilespmem:$0x16D80] =	vst v63  }
0x90: {  	_ =	swait.ge [sflag:s14], $0xC00  }
0x91: {  	[sflag:s14] =	ssyncset.done $0x0  }
0x92: {  	[sflag:s14] =	ssyncadd.s32 $0xFFFFF400  }
0x93: {  	_ =	swait.ge [sflag:s28], $0x30  }
0x94: {  	[sflag:s28] =	ssyncset.done $0x0  }
0x95: {  	s1 =	rddreg [dreg:$0x7];
	[sflag:s28] =	ssyncadd.s32 $0xFFFFFFD0  }
0x96: {  	[tilespmem:s26], [sflag:$0x9] =	stream.indirect.gather [hbm4b:s5+s25], $0x80, s4, s25, $0xb8;
	[tilespmem:$0x16D80] =	vst v63  }
0x97: {  	s20 =	sadd.s32 $0x0, s1  }
0x98: {  	[tilespmem:s23], [sflag:$0x4] =	stream.linear.gather [hbm4b:s20+s4], $0x30, $0x38;
	[tilespmem:$0x16D80] =	vst v63  }
0x99: {  	_ =	swait.ge [sflag:s16], $0xC00  }
0x9a: {  	[sflag:s16] =	ssyncset.done $0x0  }
0x9b: {  	s28 =	rddreg [dreg:$0xf];
	[sflag:s16] =	ssyncadd.s32 $0xFFFFF400  }
0x9c: {  	[spmem:s3] =	stream.indirect.scatter.add.f32 [tilespmem:s0], [sflag:$0xF], $0x80, s28, s25, $0xb8;
	[tilespmem:$0x16D80] =	vst v63  }
0x9d: {  	_ =	swait.ge [sflag:s17], $0xC00  }
0x9e: {  	[sflag:s17] =	ssyncset.done $0x0  }
0x9f: {  	[sflag:s17] =	ssyncadd.s32 $0xFFFFF400  }
0xa0: {  	_ =	swait.ge [sflag:s7], $0x30  }
0xa1: {  	[sflag:s7] =	ssyncset.done $0x0  }
0xa2: {  	s1 =	rddreg [dreg:$0x6];
	[sflag:s7] =	ssyncadd.s32 $0xFFFFFFD0  }
0xa3: {  	[tilespmem:s29], [sflag:$0xA] =	stream.indirect.gather [hbm4b:s5+s25], $0x80, s11, s25, $0xb8;
	[tilespmem:$0x16D80] =	vst v63  }
0xa4: {  	s20 =	sadd.s32 $0x0, s1  }
0xa5: {  	[tilespmem:s24], [sflag:$0x5] =	stream.linear.gather [hbm4b:s20+s4], $0x30, $0x38;
	[tilespmem:$0x16D80] =	vst v63  }
0xa6: {  	_ =	swait.ge [sflag:s10], $0xC00  }
0xa7: {  	[sflag:s10] =	ssyncset.done $0x0  }
0xa8: {  	s11 =	rddreg [dreg:$0x10];
	[sflag:s10] =	ssyncadd.s32 $0xFFFFF400  }
0xa9: {  	[spmem:s3] =	stream.indirect.scatter.add.f32 [tilespmem:s9], [sflag:$0x10], $0x80, s11, s25, $0xb8;
	[tilespmem:$0x16D80] =	vst v63  }
0xaa: {  	_ =	swait.ge [sflag:s30], $0xC00  }
0xab: {  	[sflag:s30] =	ssyncset.done $0x0  }
0xac: {  	[sflag:s30] =	ssyncadd.s32 $0xFFFFF400  }
0xad: {  	_ =	swait.ge [sflag:s15], $0x30  }
0xae: {  	[sflag:s15] =	ssyncset.done $0x0  }
0xaf: {  	s24 =	rddreg [dreg:$0x5];
	[sflag:s15] =	ssyncadd.s32 $0xFFFFFFD0  }
0xb0: {  	[tilespmem:s0], [sflag:$0xB] =	stream.indirect.gather [hbm4b:s5+s25], $0x80, s21, s25, $0xb8;
	[tilespmem:$0x16D80] =	vst v63  }
0xb1: {  	s20 =	sadd.s32 $0x0, s24  }
0xb2: {  	[tilespmem:s18], [sflag:$0x6] =	stream.linear.gather [hbm4b:s20+s4], $0x30, $0x38;
	[tilespmem:$0x16D80] =	vst v63  }
0xb3: {  	_ =	swait.ge [sflag:s6], $0xC00  }
0xb4: {  	[sflag:s6] =	ssyncset.done $0x0  }
0xb5: {  	[sflag:s6] =	ssyncadd.s32 $0xFFFFF400  }
0xb6: {  	[spmem:s3] =	stream.indirect.scatter.add.f32 [tilespmem:s26], [sflag:$0xD], $0x80, s25, s25, $0xb8;
	[tilespmem:$0x16D80] =	vst v63  }
0xb7: {  	_ =	swait.ge [sflag:s2], $0xC00  }
0xb8: {  	[sflag:s2] =	ssyncset.done $0x0  }
0xb9: {  	[sflag:s2] =	ssyncadd.s32 $0xFFFFF400  }
0xba: {  	_ =	swait.ge [sflag:s19], $0x30  }
0xbb: {  	[sflag:s19] =	ssyncset.done $0x0  }
0xbc: {  	s28 =	rddreg [dreg:$0x4];
	[sflag:s19] =	ssyncadd.s32 $0xFFFFFFD0  }
0xbd: {  	[tilespmem:s9], [sflag:$0xC] =	stream.indirect.gather [hbm4b:s5+s25], $0x80, s23, s25, $0xb8;
	[tilespmem:$0x16D80] =	vst v63  }
0xbe: {  	s20 =	sadd.s32 $0x0, s28  }
0xbf: {  	[tilespmem:s13], [sflag:$0x7] =	stream.linear.gather [hbm4b:s20+s4], $0x30, $0x38;
	[tilespmem:$0x16D80] =	vst v63  }
0xc0: {  	s31 =	simm.s32 $0x1;
	s7 =	simm.s32 $0x2;
	_ =	swait.ge [sflag:s12], $0xC00  }
0xc1: {  	s15 =	simm.s32 $0x3;
	s21 =	sadd.s32 $0x180, s22;
	[sflag:s12] =	ssyncset.done $0x0  }
0xc2: {  	s19 =	simm.s32 $0x4;
	s20 =	simm.s32 $0x30;
	[sflag:s12] =	ssyncadd.s32 $0xFFFFF400  }
.LBB2_2:
0xc3: {  	s22 =	simm.s32 $0x48  }
0xc4: {  	[spmem:s3] =	stream.indirect.scatter.add.f32 [tilespmem:s29], [sflag:$0xE], $0x80, s22, s25, $0xb8;
	[tilespmem:$0x16D80] =	vst v63  }
0xc5: {  	_ =	swait.ge [sflag:s14], $0xC00  }
0xc6: {  	[sflag:s14] =	ssyncset.done $0x0  }
0xc7: {  	s1 =	simm.s32 $0x5;
	[sflag:s14] =	ssyncadd.s32 $0xFFFFF400  }
0xc8: {  	_ =	swait.ge [sflag:s1], $0x30  }
0xc9: {  	s24 =	simm.s32 $0xC0;
	[sflag:s1] =	ssyncset.done $0x0  }
0xca: {  	s22 =	smov.u32 s20;
	s23 =	rddreg [dreg:$0xa];
	[sflag:s1] =	ssyncadd.s32 $0xFFFFFFD0  }
0xcb: {  	[tilespmem:s26], [sflag:$0x9] =	stream.indirect.gather [hbm4b:s5+s25], $0x80, s24, s25, $0xb8;
	[tilespmem:$0x16D80] =	vst v63  }
0xcc: {  	s18 =	simm.s32 $0x150;
	s23 =	sadd.s32 s22, s23  }
0xcd: {  	[tilespmem:s18], [sflag:$0x8] =	stream.linear.gather [hbm4b:s23+s4], $0x30, $0x38;
	[tilespmem:$0x16D80] =	vst v63  }
0xce: {  	_ =	swait.ge [sflag:s16], $0xC00  }
0xcf: {  	[sflag:s16] =	ssyncset.done $0x0  }
0xd0: {  	s13 =	rddreg [dreg:$0xb];
	[sflag:s16] =	ssyncadd.s32 $0xFFFFF400  }
0xd1: {  	[spmem:s3] =	stream.indirect.scatter.add.f32 [tilespmem:s0], [sflag:$0xF], $0x80, s13, s25, $0xb8;
	[tilespmem:$0x16D80] =	vst v63  }
0xd2: {  	_ =	swait.ge [sflag:s17], $0xC00  }
0xd3: {  	[sflag:s17] =	ssyncset.done $0x0  }
0xd4: {  	s23 =	simm.s32 $0x6;
	[sflag:s17] =	ssyncadd.s32 $0xFFFFF400  }
0xd5: {  	_ =	swait.ge [sflag:s23], $0x30  }
0xd6: {  	[sflag:s23] =	ssyncset.done $0x0  }
0xd7: {  	s13 =	simm.s32 $0xF0;
	[sflag:s23] =	ssyncadd.s32 $0xFFFFFFD0  }
0xd8: {  	[tilespmem:s29], [sflag:$0xA] =	stream.indirect.gather [hbm4b:s5+s25], $0x80, s13, s25, $0xb8;
	[tilespmem:$0x16D80] =	vst v63  }
0xd9: {  	s28 =	sshrl.u32 s21, $0x3;
	s1 =	rddreg [dreg:$0x1]  }
0xda: {  	s23 =	sadd.s32 s1, s28  }
0xdb: {  	[tilespmem:s4], [sflag:$0x1] =	stream.linear.gather [hbm4b:s23+s4], $0x30, $0x38;
	[tilespmem:$0x16D80] =	vst v63  }
0xdc: {  	_ =	swait.ge [sflag:s10], $0xC00  }
0xdd: {  	[sflag:s10] =	ssyncset.done $0x0  }
0xde: {  	s11 =	rddreg [dreg:$0xc];
	[sflag:s10] =	ssyncadd.s32 $0xFFFFF400  }
0xdf: {  	[spmem:s3] =	stream.indirect.scatter.add.f32 [tilespmem:s9], [sflag:$0x10], $0x80, s11, s25, $0xb8;
	[tilespmem:$0x16D80] =	vst v63  }
0xe0: {  	_ =	swait.ge [sflag:s30], $0xC00  }
0xe1: {  	[sflag:s30] =	ssyncset.done $0x0  }
0xe2: {  	s23 =	simm.s32 $0x7;
	[sflag:s30] =	ssyncadd.s32 $0xFFFFF400  }
0xe3: {  	_ =	swait.ge [sflag:s23], $0x30  }
0xe4: {  	[sflag:s23] =	ssyncset.done $0x0  }
0xe5: {  	s11 =	simm.s32 $0x120;
	s28 =	rddreg [dreg:$0x9];
	[sflag:s23] =	ssyncadd.s32 $0xFFFFFFD0  }
0xe6: {  	[tilespmem:s0], [sflag:$0xB] =	stream.indirect.gather [hbm4b:s5+s25], $0x80, s11, s25, $0xb8;
	[tilespmem:$0x16D80] =	vst v63  }
0xe7: {  	s1 =	simm.s32 $0x30;
	s23 =	sadd.s32 s22, s28  }
0xe8: {  	[tilespmem:s1], [sflag:$0x2] =	stream.linear.gather [hbm4b:s23+s4], $0x30, $0x38;
	[tilespmem:$0x16D80] =	vst v63  }
0xe9: {  	_ =	swait.ge [sflag:s6], $0xC00  }
0xea: {  	[sflag:s6] =	ssyncset.done $0x0  }
0xeb: {  	s28 =	rddreg [dreg:$0xd];
	[sflag:s6] =	ssyncadd.s32 $0xFFFFF400  }
0xec: {  	[spmem:s3] =	stream.indirect.scatter.add.f32 [tilespmem:s26], [sflag:$0xD], $0x80, s28, s25, $0xb8;
	[tilespmem:$0x16D80] =	vst v63  }
0xed: {  	_ =	swait.ge [sflag:s2], $0xC00  }
0xee: {  	[sflag:s2] =	ssyncset.done $0x0  }
0xef: {  	[sflag:s2] =	ssyncadd.s32 $0xFFFFF400  }
0xf0: {  	_ =	swait.ge [sflag:s8], $0x30  }
0xf1: {  	[sflag:s8] =	ssyncset.done $0x0  }
0xf2: {  	s28 =	rddreg [dreg:$0x8];
	[sflag:s8] =	ssyncadd.s32 $0xFFFFFFD0  }
0xf3: {  	[tilespmem:s9], [sflag:$0xC] =	stream.indirect.gather [hbm4b:s5+s25], $0x80, s18, s25, $0xb8;
	[tilespmem:$0x16D80] =	vst v63  }
0xf4: {  	s23 =	sadd.s32 s22, s28;
	s28 =	simm.s32 $0x60  }
0xf5: {  	[tilespmem:s28], [sflag:$0x3] =	stream.linear.gather [hbm4b:s23+s4], $0x30, $0x38;
	[tilespmem:$0x16D80] =	vst v63  }
0xf6: {  	_ =	swait.ge [sflag:s12], $0xC00  }
0xf7: {  	[sflag:s12] =	ssyncset.done $0x0  }
0xf8: {  	s18 =	rddreg [dreg:$0xe];
	[sflag:s12] =	ssyncadd.s32 $0xFFFFF400  }
0xf9: {  	[spmem:s3] =	stream.indirect.scatter.add.f32 [tilespmem:s29], [sflag:$0xE], $0x80, s18, s25, $0xb8;
	[tilespmem:$0x16D80] =	vst v63  }
0xfa: {  	_ =	swait.ge [sflag:s14], $0xC00  }
0xfb: {  	[sflag:s14] =	ssyncset.done $0x0  }
0xfc: {  	[sflag:s14] =	ssyncadd.s32 $0xFFFFF400  }
0xfd: {  	_ =	swait.ge [sflag:s31], $0x30  }
0xfe: {  	[sflag:s31] =	ssyncset.done $0x0  }
0xff: {  	s18 =	rddreg [dreg:$0x7];
	[sflag:s31] =	ssyncadd.s32 $0xFFFFFFD0  }
0x100: {  	[tilespmem:s26], [sflag:$0x9] =	stream.indirect.gather [hbm4b:s5+s25], $0x80, s4, s25, $0xb8;
	[tilespmem:$0x16D80] =	vst v63  }
0x101: {  	s23 =	sadd.s32 s22, s18;
	s18 =	simm.s32 $0x90  }
0x102: {  	[tilespmem:s18], [sflag:$0x4] =	stream.linear.gather [hbm4b:s23+s4], $0x30, $0x38;
	[tilespmem:$0x16D80] =	vst v63  }
0x103: {  	_ =	swait.ge [sflag:s16], $0xC00  }
0x104: {  	[sflag:s16] =	ssyncset.done $0x0  }
0x105: {  	s23 =	rddreg [dreg:$0xf];
	[sflag:s16] =	ssyncadd.s32 $0xFFFFF400  }
0x106: {  	[spmem:s3] =	stream.indirect.scatter.add.f32 [tilespmem:s0], [sflag:$0xF], $0x80, s23, s25, $0xb8;
	[tilespmem:$0x16D80] =	vst v63  }
0x107: {  	_ =	swait.ge [sflag:s17], $0xC00  }
0x108: {  	[sflag:s17] =	ssyncset.done $0x0  }
0x109: {  	[sflag:s17] =	ssyncadd.s32 $0xFFFFF400  }
0x10a: {  	_ =	swait.ge [sflag:s7], $0x30  }
0x10b: {  	[sflag:s7] =	ssyncset.done $0x0  }
0x10c: {  	s23 =	rddreg [dreg:$0x6];
	[sflag:s7] =	ssyncadd.s32 $0xFFFFFFD0  }
0x10d: {  	[tilespmem:s29], [sflag:$0xA] =	stream.indirect.gather [hbm4b:s5+s25], $0x80, s1, s25, $0xb8;
	[tilespmem:$0x16D80] =	vst v63  }
0x10e: {  	s23 =	sadd.s32 s22, s23  }
0x10f: {  	[tilespmem:s24], [sflag:$0x5] =	stream.linear.gather [hbm4b:s23+s4], $0x30, $0x38;
	[tilespmem:$0x16D80] =	vst v63  }
0x110: {  	_ =	swait.ge [sflag:s10], $0xC00  }
0x111: {  	[sflag:s10] =	ssyncset.done $0x0  }
0x112: {  	s1 =	rddreg [dreg:$0x10];
	[sflag:s10] =	ssyncadd.s32 $0xFFFFF400  }
0x113: {  	[spmem:s3] =	stream.indirect.scatter.add.f32 [tilespmem:s9], [sflag:$0x10], $0x80, s1, s25, $0xb8;
	[tilespmem:$0x16D80] =	vst v63  }
0x114: {  	_ =	swait.ge [sflag:s30], $0xC00  }
0x115: {  	[sflag:s30] =	ssyncset.done $0x0  }
0x116: {  	[sflag:s30] =	ssyncadd.s32 $0xFFFFF400  }
0x117: {  	_ =	swait.ge [sflag:s15], $0x30  }
0x118: {  	[sflag:s15] =	ssyncset.done $0x0  }
0x119: {  	s24 =	rddreg [dreg:$0x5];
	[sflag:s15] =	ssyncadd.s32 $0xFFFFFFD0  }
0x11a: {  	[tilespmem:s0], [sflag:$0xB] =	stream.indirect.gather [hbm4b:s5+s25], $0x80, s28, s25, $0xb8;
	[tilespmem:$0x16D80] =	vst v63  }
0x11b: {  	s23 =	sadd.s32 s22, s24  }
0x11c: {  	[tilespmem:s13], [sflag:$0x6] =	stream.linear.gather [hbm4b:s23+s4], $0x30, $0x38;
	[tilespmem:$0x16D80] =	vst v63  }
0x11d: {  	_ =	swait.ge [sflag:s6], $0xC00  }
0x11e: {  	[sflag:s6] =	ssyncset.done $0x0  }
0x11f: {  	[sflag:s6] =	ssyncadd.s32 $0xFFFFF400  }
0x120: {  	[spmem:s3] =	stream.indirect.scatter.add.f32 [tilespmem:s26], [sflag:$0xD], $0x80, s25, s25, $0xb8;
	[tilespmem:$0x16D80] =	vst v63  }
0x121: {  	_ =	swait.ge [sflag:s2], $0xC00  }
0x122: {  	[sflag:s2] =	ssyncset.done $0x0  }
0x123: {  	[sflag:s2] =	ssyncadd.s32 $0xFFFFF400  }
0x124: {  	_ =	swait.ge [sflag:s19], $0x30  }
0x125: {  	[sflag:s19] =	ssyncset.done $0x0  }
0x126: {  	p0 =	sne.s32 s20, $0x990;
	s28 =	rddreg [dreg:$0x4];
	[sflag:s19] =	ssyncadd.s32 $0xFFFFFFD0  }
0x127: {  	[tilespmem:s9], [sflag:$0xC] =	stream.indirect.gather [hbm4b:s5+s25], $0x80, s18, s25, $0xb8;
	[tilespmem:$0x16D80] =	vst v63  }
.Ltmp0:
0x128: {  	s22 =	sadd.s32 s22, s28;
	(pc) =	sbr.rel @p0 .LBB2_2-.Ltmp0, $4  }
0x129: {  	[tilespmem:s11], [sflag:$0x7] =	stream.linear.gather [hbm4b:s22+s4], $0x30, $0x38;
	[tilespmem:$0x16D80] =	vst v63  }
0x12a: {  	_ =	swait.ge [sflag:s12], $0xC00  }
0x12b: {  	[sflag:s12] =	ssyncset.done $0x0  }
0x12c: {  	s21 =	sadd.s32 $0x180, s21;
	s20 =	sadd.s32 $0x30, s20;
	[sflag:s12] =	ssyncadd.s32 $0xFFFFF400  }
0x12d: {  	s7 =	simm.s32 $0x48  }
0x12e: {  	[spmem:s3] =	stream.indirect.scatter.add.f32 [tilespmem:s29], [sflag:$0xE], $0x80, s7, s25, $0xb8;
	[tilespmem:$0x16D80] =	vst v63  }
0x12f: {  	_ =	swait.ge [sflag:s14], $0xC00  }
0x130: {  	[sflag:s14] =	ssyncset.done $0x0  }
0x131: {  	[sflag:s14] =	ssyncadd.s32 $0xFFFFF400  }
0x132: {  	_ =	swait.ge [sflag:s17], $0xC00  }
0x133: {  	[sflag:s17] =	ssyncset.done $0x0  }
0x134: {  	[sflag:s17] =	ssyncadd.s32 $0xFFFFF400  }
0x135: {  	_ =	swait.ge [sflag:s16], $0xC00  }
0x136: {  	[sflag:s16] =	ssyncset.done $0x0  }
0x137: {  	[sflag:s16] =	ssyncadd.s32 $0xFFFFF400  }
0x138: {  	_ =	swait.ge [sflag:s10], $0xC00  }
0x139: {  	[sflag:s10] =	ssyncset.done $0x0  }
0x13a: {  	s1 =	simm.s32 $0x5;
	[sflag:s10] =	ssyncadd.s32 $0xFFFFF400  }
0x13b: {  	_ =	swait.ge [sflag:s1], $0x30  }
0x13c: {  	[sflag:s1] =	ssyncset.done $0x0  }
0x13d: {  	s20 =	simm.s32 $0x6;
	[sflag:s1] =	ssyncadd.s32 $0xFFFFFFD0  }
0x13e: {  	_ =	swait.ge [sflag:s20], $0x30  }
0x13f: {  	[sflag:s20] =	ssyncset.done $0x0  }
0x140: {  	s21 =	simm.s32 $0x7;
	[sflag:s20] =	ssyncadd.s32 $0xFFFFFFD0  }
0x141: {  	_ =	swait.ge [sflag:s21], $0x30  }
0x142: {  	[sflag:s21] =	ssyncset.done $0x0  }
0x143: {  	[sflag:s21] =	ssyncadd.s32 $0xFFFFFFD0  }
0x144: {  	[bflag:$0x0] =	sbarrier.arrive $0xFFFF  }
0x145: {  	s22 =	sld [smem:$0x7FD]  }
0x146: {  	s20 =	rddreg [dreg:$0x13]  }
0x147: {  	s23 =	simm.s32 $0x12;
	s21 =	rddreg [dreg:$0x1c];
	s20 =	sor.u32 $0x1C12, s20  }
0x148: {  	[hbm:s21], [sflag:s20] =	dma.local [spmem:s22], $0x2780  }
0x149: {  	_ =	swait.ge [sflag:s23], $0x2780  }
0x14a: {  	s8 =	rddreg [dreg:$0x1f]  }
0x14b: {  	s24 =	rddreg [dreg:$0x1d];
	s8 =	sadd.s32 $0x1, s8  }
0x14c: {  	p0 =	sne.s32 s8, s24  }
.Ltmp1:
0x14d: {  	s11 =	simm.s32 $0x30;
	(pc) =	sbr.rel @p0 .LBB2_1-.Ltmp1, $4  }
0x14e: {  	s28 =	simm.s32 $0x1;
	s15 =	simm.s32 $0x3;
	s18 =	simm.s32 $0xF0  }
0x14f: {  	s19 =	simm.s32 $0x4;
	s13 =	simm.s32 $0x120;
	s31 =	simm.s32 $0x150  }
0x150: {  	s7 =	simm.s32 $0x2;
	s21 =	simm.s32 $0x60;
	[sflag:s23] =	ssyncset.done $0x0  }
0x151: {  	[sflag:s23] =	ssyncadd.s32 $0xFFFFD880;
	s23 =	simm.s32 $0x90;
	s24 =	simm.s32 $0xC0  }
0x152: {  	_ =	sfence.sel $0x180000  }
0x153: {  	[bflag:$0x0] =	sbarrier.arrive $0xFFFF  }
0x154: {  	_ =	strace $0x9000004A  }
0x155: {  	s0 =	stileid.u32;
	[bflag:$0x2] =	sbarrier.arrive $0xFFFF  }
0x156: {  	p0 =	sne.s32 s0, $0x0;
	s0 =	rddreg [dreg:$0x3]  }
0x157: {  	s0 =	sadd.s32 @!p0 $0x100000, s0  }
0x158: {  	[sflag:s0] =	ssyncadd.tile.s32 @!p0 $0x1;
	_ =	shalt  }
.Lfunc_end2:
_tile_overlayer_lowered:
.L_overlay_start_2:
0x159: {  	(tag) =	ssettag $0x2  }
0x15a: {  	s0 =	rddreg [dreg:$0x0];
	s2 =	stileid.u32  }
0x15b: {  	s1 =	rddreg [dreg:$0x1];
	p0 =	sne.s32 s2, $0x0  }
0x15c: {  	s3 =	rddreg [dreg:$0x2];
	[bflag:$0x3] =	sbarrier.arrive $0xFFFF;
	s2 =	simm.s32 @!p0 $0x1C12  }
0x15d: {  	[timem:s3], [sflag:s2] =	dma.local @!p0 [hbm:s0], s1  }
0x15e: {  	s0 =	simm.s32 @!p0 $0x12  }
0x15f: {  	_ =	swait.ge @!p0 [sflag:s0], s1  }
0x160: {  	s1 =	ssub.s32 @!p0 $0x0, s1;
	[sflag:s0] =	ssyncset.done @!p0 $0x0  }
0x161: {  	[sflag:s0] =	ssyncadd.s32 @!p0 s1  }
0x162: {  	[bflag:$0x3] =	sbarrier.arrive $0xFFFF  }
0x163: {  	_ =	shalt  }

</sc_bundles>
